<compile_context>
chip_gen: v7x
topology: tpu7x:2x2x1
jax: 0.10.2.dev20260603
libtpu: 0.0.44.dev20260713+nightly
codegen_flags: <defaults>
</compile_context>

<pallas_src>
import functools
import math

import jax
import jax.numpy as jnp
from jax import lax
from jax.experimental import pallas as pl
from jax.experimental.pallas import tpu as pltpu
from jax.experimental.pallas import tpu_sc as plsc

N = 2048
D = 1024
H = 1024
E = 8
K = 2
EPS = 1e-5
_INV_SQRT2 = 1.0 / math.sqrt(2.0)

T = 128
NT = (N * K) // T + E
PADTOT = NT * T
NPAIR = N * K
CB = 256
DS = D // 128

NC, NS = 2, 16
NW = NC * NS
ROW_W = PADTOT // NW
CH = 40
TOK_W = N // NW
TSUB = 32


def _gate_route_body(x_ref, wg_ref, bg_ref,
                     pos0_ref, pos1_ref, w0_ref, w1_ref, te_ref, tv_ref):
    x = x_ref[...]
    logits = jnp.dot(x, wg_ref[...],
                     preferred_element_type=jnp.float32) + bg_ref[0]
    m = jnp.max(logits, axis=-1, keepdims=True)
    ex = jnp.exp(logits - m)
    probs = ex / jnp.sum(ex, axis=-1, keepdims=True)
    cols8 = lax.broadcasted_iota(jnp.int32, (1, E), 1)
    masks = []
    for j in range(E):
        pj = probs[:, j:j + 1]
        rk = (jnp.sum((probs > pj).astype(jnp.float32), axis=1,
                      keepdims=True)
              + jnp.sum(((probs == pj) & (cols8 < j)).astype(jnp.float32),
                        axis=1, keepdims=True))
        masks.append((rk < float(K)).astype(jnp.float32))
    mask = jnp.concatenate(masks, axis=1)
    wsel = probs * mask
    wn = wsel / jnp.sum(wsel, axis=1, keepdims=True)

    ri = lax.broadcasted_iota(jnp.int32, (CB, CB), 0)
    ci = lax.broadcasted_iota(jnp.int32, (CB, CB), 1)
    ltri = (ci < ri).astype(jnp.bfloat16)
    prev = jnp.zeros((1, E), jnp.float32)
    ranks = []
    for b in range(N // CB):
        mb = mask[b * CB:(b + 1) * CB, :]
        ranks.append(jnp.dot(ltri, mb.astype(jnp.bfloat16),
                             preferred_element_type=jnp.float32) + prev)
        prev = prev + jnp.sum(mb, axis=0, keepdims=True)
    rank = jnp.concatenate(ranks, axis=0)
    counts = prev

    ntile = jnp.floor((counts + float(T - 1)) * (1.0 / T))
    ut = (lax.broadcasted_iota(jnp.int32, (E, E), 0)
          <= lax.broadcasted_iota(jnp.int32, (E, E), 1)).astype(jnp.float32)
    cum = jnp.dot(ntile, ut, preferred_element_type=jnp.float32)
    row_off = (cum - ntile) * float(T)
    pos = row_off + rank

    eidx = lax.broadcasted_iota(jnp.int32, (N, E), 1).astype(jnp.float32)
    e0 = jnp.min(jnp.where(mask > 0, eidx, 1e9), axis=1, keepdims=True)
    e1 = jnp.max(jnp.where(mask > 0, eidx, -1.0), axis=1, keepdims=True)
    oh0 = (eidx == e0).astype(jnp.float32)
    oh1 = (eidx == e1).astype(jnp.float32)
    pos0_ref[...] = jnp.sum(pos * oh0, axis=1,
                            keepdims=True).astype(jnp.int32)
    pos1_ref[...] = jnp.sum(pos * oh1, axis=1,
                            keepdims=True).astype(jnp.int32)
    w0_ref[...] = jnp.sum(wn * oh0, axis=1, keepdims=True)
    w1_ref[...] = jnp.sum(wn * oh1, axis=1, keepdims=True)

    ti = lax.broadcasted_iota(jnp.int32, (1, NT), 1).astype(jnp.float32)
    te = jnp.zeros((1, NT), jnp.float32)
    for e in range(E):
        te = te + (ti >= cum[:, e:e + 1]).astype(jnp.float32)
    te_ref[...] = jnp.minimum(te, float(E - 1)).astype(jnp.int32)
    tv_ref[...] = (ti < cum[:, E - 1:E]).astype(jnp.int32)


def _gate_route(x, Wg, bg2):
    return pl.pallas_call(
        _gate_route_body,
        out_shape=(
            jax.ShapeDtypeStruct((N, 1), jnp.int32),
            jax.ShapeDtypeStruct((N, 1), jnp.int32),
            jax.ShapeDtypeStruct((N, 1), jnp.float32),
            jax.ShapeDtypeStruct((N, 1), jnp.float32),
            jax.ShapeDtypeStruct((1, NT), jnp.int32),
            jax.ShapeDtypeStruct((1, NT), jnp.int32),
        ),
    )(x, Wg, bg2)


def _route_gather_body(p0_hbm, p1_hbm, w0_hbm, w1_hbm, x_hbm,
                       xg_hbm, ws_hbm,
                       p0_v, p1_v, w0_v, w1_v, tok_s, ws_s,
                       rows_v, rows2_v, sem, sem2):
    wid = lax.axis_index("s") * NC + lax.axis_index("c")
    pltpu.sync_copy(p0_hbm, p0_v)
    pltpu.sync_copy(p1_hbm, p1_v)
    pltpu.sync_copy(w0_hbm, w0_v)
    pltpu.sync_copy(w1_hbm, w1_v)

    zi = jnp.zeros((16,), jnp.int32)
    zf = jnp.zeros((16,), jnp.float32)

    @plsc.parallel_loop(0, PADTOT // 16, unroll=4)
    def _init(i):
        tok_s[pl.ds(i * 16, 16)] = zi
        ws_s[pl.ds(i * 16, 16)] = zf

    lane = lax.iota(jnp.int32, 16)

    @plsc.parallel_loop(0, N // 16, unroll=4)
    def _scat(i):
        base = i * 16
        tok = base + lane
        sl = pl.ds(base, 16)
        plsc.store_scatter(tok_s, [p0_v[sl]], tok)
        plsc.store_scatter(ws_s, [p0_v[sl]], w0_v[sl])
        plsc.store_scatter(tok_s, [p1_v[sl]], tok)
        plsc.store_scatter(ws_s, [p1_v[sl]], w1_v[sl])

    base = wid * ROW_W
    nch = ROW_W // CH
    bufs = (rows_v, rows2_v)
    sems = (sem, sem2)
    descs = [None, None]
    descs[0] = pltpu.async_copy(x_hbm.at[tok_s.at[pl.ds(base, CH)]],
                                bufs[0], sems[0])
    for c in range(nch):
        if c + 1 < nch:
            cb = base + (c + 1) * CH
            descs[(c + 1) % 2] = pltpu.async_copy(
                x_hbm.at[tok_s.at[pl.ds(cb, CH)]],
                bufs[(c + 1) % 2], sems[(c + 1) % 2])
        descs[c % 2].wait()
        pltpu.sync_copy(bufs[c % 2], xg_hbm.at[pl.ds(base + c * CH, CH)])
    pltpu.sync_copy(ws_s.at[pl.ds(base, ROW_W)],
                    ws_hbm.at[pl.ds(base, ROW_W)])


def _route_gather(p0, p1, w0, w1, x3):
    mesh = plsc.VectorSubcoreMesh(core_axis_name="c", subcore_axis_name="s")
    return pl.kernel(
        _route_gather_body,
        out_type=(
            jax.ShapeDtypeStruct((PADTOT, D), jnp.float32),
            jax.ShapeDtypeStruct((PADTOT,), jnp.float32),
        ),
        mesh=mesh,
        compiler_params=pltpu.CompilerParams(needs_layout_passes=False),
        scratch_types=[
            pltpu.VMEM((N,), jnp.int32),
            pltpu.VMEM((N,), jnp.int32),
            pltpu.VMEM((N,), jnp.float32),
            pltpu.VMEM((N,), jnp.float32),
            pltpu.VMEM((PADTOT,), jnp.int32),
            pltpu.VMEM((PADTOT,), jnp.float32),
            pltpu.VMEM((CH, D), jnp.float32),
            pltpu.VMEM((CH, D), jnp.float32),
            pltpu.SemaphoreType.DMA,
            pltpu.SemaphoreType.DMA,
        ],
    )(p0, p1, w0, w1, x3)


def _expert_body(te_ref, tv_ref, xg_ref, ws_ref,
                 w1_ref, b1_ref, g1_ref, be1_ref, w2_ref, b2_ref, eo_ref):
    t = pl.program_id(0)

    @pl.when(tv_ref[t] == 1)
    def _():
        xb = xg_ref[...].astype(jnp.bfloat16)
        h = jnp.dot(xb, w1_ref[0].astype(jnp.bfloat16),
                    preferred_element_type=jnp.float32) + b1_ref[0]
        mu = jnp.mean(h, axis=-1, keepdims=True)
        var = jnp.mean((h - mu) * (h - mu), axis=-1, keepdims=True)
        hn = (h - mu) * lax.rsqrt(var + EPS) * g1_ref[0] + be1_ref[0]
        ha = hn * 0.5 * (1.0 + lax.erf(hn * _INV_SQRT2))
        eo = jnp.dot(ha.astype(jnp.bfloat16), w2_ref[0].astype(jnp.bfloat16),
                     preferred_element_type=jnp.float32) + b2_ref[0]
        wsc = ws_ref[...]
        eo_ref[...] = jnp.where(wsc > 0.0, eo * wsc, 0.0)


def _expert_ffn(ten, tvn, xg, ws2, W1b, b1r, g1r, be1r, W2b, b2r):
    grid_spec = pltpu.PrefetchScalarGridSpec(
        num_scalar_prefetch=2,
        grid=(NT,),
        in_specs=[
            pl.BlockSpec((T, D), lambda t, te, tv: (t, 0)),
            pl.BlockSpec((T, 1), lambda t, te, tv: (t, 0)),
            pl.BlockSpec((1, D, H), lambda t, te, tv: (te[t], 0, 0)),
            pl.BlockSpec((1, 1, H), lambda t, te, tv: (te[t], 0, 0)),
            pl.BlockSpec((1, 1, H), lambda t, te, tv: (te[t], 0, 0)),
            pl.BlockSpec((1, 1, H), lambda t, te, tv: (te[t], 0, 0)),
            pl.BlockSpec((1, H, H), lambda t, te, tv: (te[t], 0, 0)),
            pl.BlockSpec((1, 1, H), lambda t, te, tv: (te[t], 0, 0)),
        ],
        out_specs=pl.BlockSpec((T, H), lambda t, te, tv: (t, 0)),
    )
    return pl.pallas_call(
        _expert_body,
        grid_spec=grid_spec,
        out_shape=jax.ShapeDtypeStruct((PADTOT, H), jnp.float32),
    )(ten, tvn, xg, ws2, W1b, b1r, g1r, be1r, W2b, b2r)


def _combine_body(eo_hbm, p0_hbm, p1_hbm, out_hbm,
                  p0_v, p1_v, rows0_v, rows1_v, acc_v, sem, sem2):
    wid = lax.axis_index("s") * NC + lax.axis_index("c")
    tokbase = wid * TOK_W
    for sc in range(TOK_W // TSUB):
        tb = tokbase + sc * TSUB
        pltpu.sync_copy(p0_hbm.at[pl.ds(tb, TSUB)], p0_v)
        pltpu.sync_copy(p1_hbm.at[pl.ds(tb, TSUB)], p1_v)
        d0 = pltpu.async_copy(eo_hbm.at[p0_v], rows0_v, sem)
        d1 = pltpu.async_copy(eo_hbm.at[p1_v], rows1_v, sem2)
        d0.wait()
        d1.wait()

        @plsc.parallel_loop(0, TSUB * (H // 16), unroll=8)
        def _add(i):
            t = i // (H // 16)
            c = i % (H // 16)
            sl = pl.ds(c * 16, 16)
            acc_v[t, sl] = rows0_v[t, sl] + rows1_v[t, sl]
        pltpu.sync_copy(acc_v, out_hbm.at[pl.ds(tb, TSUB)])


def _combine(eoF, p0, p1):
    mesh = plsc.VectorSubcoreMesh(core_axis_name="c", subcore_axis_name="s")
    return pl.kernel(
        _combine_body,
        out_type=jax.ShapeDtypeStruct((N, H), jnp.float32),
        mesh=mesh,
        compiler_params=pltpu.CompilerParams(needs_layout_passes=False),
        scratch_types=[
            pltpu.VMEM((TSUB,), jnp.int32),
            pltpu.VMEM((TSUB,), jnp.int32),
            pltpu.VMEM((TSUB, H), jnp.float32),
            pltpu.VMEM((TSUB, H), jnp.float32),
            pltpu.VMEM((TSUB, H), jnp.float32),
            pltpu.SemaphoreType.DMA,
            pltpu.SemaphoreType.DMA,
        ],
    )(eoF, p0, p1)


@jax.jit
def kernel(x, W1, b1, g1, be1, W2, b2, Wg, bg):
    bg2 = bg.reshape(1, E)
    b1r = b1.reshape(E, 1, H)
    g1r = g1.reshape(E, 1, H)
    be1r = be1.reshape(E, 1, H)
    b2r = b2.reshape(E, 1, H)

    pos0, pos1, w0, w1, te, tv = _gate_route(x, Wg, bg2)
    p0 = pos0.reshape(N)
    p1 = pos1.reshape(N)
    w0f = w0.reshape(N)
    w1f = w1.reshape(N)
    ten = te.reshape(NT)
    tvn = tv.reshape(NT)

    xg, ws = _route_gather(p0, p1, w0f, w1f, x)
    eoF = _expert_ffn(ten, tvn, xg, ws.reshape(PADTOT, 1),
                      W1, b1r, g1r, be1r, W2, b2r)
    out = _combine(eoF, p0, p1)
    return out

# --- scband reference (transcript-rebuilt; emitter-appended) ---
"""Pipeline reference for scband-mo-e-21698174779633 (READ-ONLY COPY).

The authoritative reference and input builder live on the scoring server;
editing this copy changes nothing except your own understanding.
"""

import jax, jax.numpy as jnp
import numpy as np

N = 2048   # tokens (batch=1 * seq_len=2048)
D = 1024   # input_dim (d_model)
H = 1024   # hidden_dim
E = 8      # num_experts
K = 2      # num_selected_experts
EPS = 1e-5


def setup_inputs(seed: int = 0) -> dict:
    key = jax.random.key(seed)
    ks = jax.random.split(key, 6)
    x = jax.random.normal(ks[0], (N, D), dtype=jnp.float32)
    W1 = jax.random.normal(ks[1], (E, D, H), dtype=jnp.float32) * 0.02
    b1 = jnp.zeros((E, H), dtype=jnp.float32)
    g1 = jnp.ones((E, H), dtype=jnp.float32)
    be1 = jnp.zeros((E, H), dtype=jnp.float32)
    W2 = jax.random.normal(ks[2], (E, H, H), dtype=jnp.float32) * 0.02
    b2 = jnp.zeros((E, H), dtype=jnp.float32)
    Wg = jax.random.normal(ks[3], (D, E), dtype=jnp.float32) * 0.02
    bg = jnp.zeros((E,), dtype=jnp.float32)
    return {"x": x, "W1": W1, "b1": b1, "g1": g1, "be1": be1,
            "W2": W2, "b2": b2, "Wg": Wg, "bg": bg}


def reference(x, W1, b1, g1, be1, W2, b2, Wg, bg):
    # gate: Linear + Softmax
    weights = jax.nn.softmax(x @ Wg + bg, axis=-1)                 # [N, E]
    top_w, top_idx = jax.lax.top_k(weights, K)                     # [N, K]
    top_w = top_w / jnp.sum(top_w, axis=-1, keepdims=True)
    # all experts computed densely: Linear -> LayerNorm -> GELU -> Linear
    h = jnp.einsum('nd,edh->neh', x, W1) + b1[None]                # [N, E, H]
    mu = jnp.mean(h, axis=-1, keepdims=True)
    var = jnp.var(h, axis=-1, keepdims=True)
    hn = (h - mu) / jnp.sqrt(var + EPS) * g1[None] + be1[None]
    ha = jax.nn.gelu(hn, approximate=False)                        # exact GELU (torch default)
    eo = jnp.einsum('neh,ehk->nek', ha, W2) + b2[None]             # [N, E, H]
    # gather top-k experts and combine
    sel = jnp.take_along_axis(eo, top_idx[:, :, None], axis=1)     # [N, K, H]
    out = jnp.sum(sel * top_w[:, :, None], axis=1)                 # [N, H]
    return out

if __name__ == "__main__":
    import jax
    _d = setup_inputs()
    print(jax.jit(kernel)(*tuple(_d.values())))

</pallas_src>

<mosaic_0001>
#map = affine_map<(d0, d1) -> (0)>
#map1 = affine_map<(d0, d1) -> (0, 0)>
module attributes {stable_mosaic.version = 14 : i64} {
  func.func @_route_gather_body(%arg0: i32, %arg1: i32, %arg2: memref<2048xi32, #tpu.memory_space<hbm>>, %arg3: memref<2048xi32, #tpu.memory_space<hbm>>, %arg4: memref<2048xf32, #tpu.memory_space<hbm>>, %arg5: memref<2048xf32, #tpu.memory_space<hbm>>, %arg6: memref<2048x1024xf32, #tpu.memory_space<hbm>>, %arg7: memref<5120x1024xf32, #tpu.memory_space<hbm>>, %arg8: memref<5120xf32, #tpu.memory_space<hbm>>, %arg9: memref<2048xi32, #tpu.memory_space<vmem>>, %arg10: memref<2048xi32, #tpu.memory_space<vmem>>, %arg11: memref<2048xf32, #tpu.memory_space<vmem>>, %arg12: memref<2048xf32, #tpu.memory_space<vmem>>, %arg13: memref<5120xi32, #tpu.memory_space<vmem>>, %arg14: memref<5120xf32, #tpu.memory_space<vmem>>, %arg15: memref<40x1024xf32, #tpu.memory_space<vmem>>, %arg16: memref<40x1024xf32, #tpu.memory_space<vmem>>, %arg17: memref<!tpu.dma_semaphore, #tpu.memory_space<semaphore_mem>>, %arg18: memref<!tpu.dma_semaphore, #tpu.memory_space<semaphore_mem>>) attributes {dimension_semantics = [#tpu.dimension_semantics<core_parallel>, #tpu.dimension_semantics<subcore_parallel>], iteration_bounds = array<i64: 2, 16>, scalar_prefetch = 0 : i64, scratch_operands = 10 : i64, tpu.core_type = #tpu.core_type<sc_vector_subcore>, window_params = [{transform_indices = #map}, {transform_indices = #map}, {transform_indices = #map}, {transform_indices = #map}, {transform_indices = #map1}, {transform_indices = #map1}, {transform_indices = #map}]} {
    %mul3A = arith.constant 2 : i32
    %mul3A_0 = arith.muli %arg1, %mul3A : i32
    %add3A = arith.addi %mul3A_0, %arg0 : i32
    "tpu.region"() ({
      %run_scoped3A = tpu.sem_alloc : memref<!tpu.dma_semaphore, #tpu.memory_space<semaphore_mem>>
      tpu.enqueue_dma source(%arg2 : memref<2048xi32, #tpu.memory_space<hbm>>) target(%arg9 : memref<2048xi32, #tpu.memory_space<vmem>>) target_semaphore(%run_scoped3A : memref<!tpu.dma_semaphore, #tpu.memory_space<semaphore_mem>>)
      tpu.wait_dma2 semaphore(%run_scoped3A : memref<!tpu.dma_semaphore, #tpu.memory_space<semaphore_mem>>) src(%arg2 : memref<2048xi32, #tpu.memory_space<hbm>>) dst(%arg9 : memref<2048xi32, #tpu.memory_space<vmem>>)
      tpu.yield
    }) : () -> ()
    "tpu.region"() ({
      %run_scoped3A = tpu.sem_alloc : memref<!tpu.dma_semaphore, #tpu.memory_space<semaphore_mem>>
      tpu.enqueue_dma source(%arg3 : memref<2048xi32, #tpu.memory_space<hbm>>) target(%arg10 : memref<2048xi32, #tpu.memory_space<vmem>>) target_semaphore(%run_scoped3A : memref<!tpu.dma_semaphore, #tpu.memory_space<semaphore_mem>>)
      tpu.wait_dma2 semaphore(%run_scoped3A : memref<!tpu.dma_semaphore, #tpu.memory_space<semaphore_mem>>) src(%arg3 : memref<2048xi32, #tpu.memory_space<hbm>>) dst(%arg10 : memref<2048xi32, #tpu.memory_space<vmem>>)
      tpu.yield
    }) : () -> ()
    "tpu.region"() ({
      %run_scoped3A = tpu.sem_alloc : memref<!tpu.dma_semaphore, #tpu.memory_space<semaphore_mem>>
      tpu.enqueue_dma source(%arg4 : memref<2048xf32, #tpu.memory_space<hbm>>) target(%arg11 : memref<2048xf32, #tpu.memory_space<vmem>>) target_semaphore(%run_scoped3A : memref<!tpu.dma_semaphore, #tpu.memory_space<semaphore_mem>>)
      tpu.wait_dma2 semaphore(%run_scoped3A : memref<!tpu.dma_semaphore, #tpu.memory_space<semaphore_mem>>) src(%arg4 : memref<2048xf32, #tpu.memory_space<hbm>>) dst(%arg11 : memref<2048xf32, #tpu.memory_space<vmem>>)
      tpu.yield
    }) : () -> ()
    "tpu.region"() ({
      %run_scoped3A = tpu.sem_alloc : memref<!tpu.dma_semaphore, #tpu.memory_space<semaphore_mem>>
      tpu.enqueue_dma source(%arg5 : memref<2048xf32, #tpu.memory_space<hbm>>) target(%arg12 : memref<2048xf32, #tpu.memory_space<vmem>>) target_semaphore(%run_scoped3A : memref<!tpu.dma_semaphore, #tpu.memory_space<semaphore_mem>>)
      tpu.wait_dma2 semaphore(%run_scoped3A : memref<!tpu.dma_semaphore, #tpu.memory_space<semaphore_mem>>) src(%arg5 : memref<2048xf32, #tpu.memory_space<hbm>>) dst(%arg12 : memref<2048xf32, #tpu.memory_space<vmem>>)
      tpu.yield
    }) : () -> ()
    %broadcast_in_dim3A = arith.constant 0 : i32
    %broadcast_in_dim3A_1 = vector.broadcast %broadcast_in_dim3A : i32 to vector<16xi32>
    %broadcast_in_dim3A_2 = arith.constant 0.000000e+00 : f32
    %broadcast_in_dim3A_3 = vector.broadcast %broadcast_in_dim3A_2 : f32 to vector<16xf32>
    %parallel_loop3A = arith.constant 0 : i32
    %parallel_loop3A_4 = arith.constant 320 : i32
    %parallel_loop3A_5 = arith.constant 1 : i32
    scf.for %parallel_loop3A_55 = %parallel_loop3A to %parallel_loop3A_4 step %parallel_loop3A_5  : i32 {
      %parallel_loop3A_56 = arith.constant 16 : i32
      %parallel_loop3A_57 = arith.muli %parallel_loop3A_55, %parallel_loop3A_56 : i32
      %parallel_loop3A_58 = arith.index_cast %parallel_loop3A_57 : i32 to index
      %parallel_loop3A_59 = tpu.vector_load %arg13[%parallel_loop3A_58] {strides = array<i32>} : memref<5120xi32, #tpu.memory_space<vmem>>, vector<16xi32>,
      tpu.vector_store %arg13[%parallel_loop3A_58], %broadcast_in_dim3A_1 {strides = array<i32>} : memref<5120xi32, #tpu.memory_space<vmem>>, vector<16xi32>,
      %parallel_loop3A_60 = arith.constant 16 : i32
      %parallel_loop3A_61 = arith.muli %parallel_loop3A_55, %parallel_loop3A_60 : i32
      %parallel_loop3A_62 = arith.index_cast %parallel_loop3A_61 : i32 to index
      %parallel_loop3A_63 = tpu.vector_load %arg14[%parallel_loop3A_62] {strides = array<i32>} : memref<5120xf32, #tpu.memory_space<vmem>>, vector<16xf32>,
      tpu.vector_store %arg14[%parallel_loop3A_62], %broadcast_in_dim3A_3 {strides = array<i32>} : memref<5120xf32, #tpu.memory_space<vmem>>, vector<16xf32>,
    } {sc.loop_unroll_factor = 4 : i64, sc.parallel_access}
    %iota3A = tpu.iota {dimensions = array<i32: 0>} : vector<16xi32>
    %parallel_loop3A_6 = arith.constant 0 : i32
    %parallel_loop3A_7 = arith.constant 128 : i32
    %parallel_loop3A_8 = arith.constant 1 : i32
    scf.for %parallel_loop3A_55 = %parallel_loop3A_6 to %parallel_loop3A_7 step %parallel_loop3A_8  : i32 {
      %parallel_loop3A_56 = arith.constant 16 : i32
      %parallel_loop3A_57 = arith.muli %parallel_loop3A_55, %parallel_loop3A_56 : i32
      %parallel_loop3A_58 = vector.broadcast %parallel_loop3A_57 : i32 to vector<16xi32>
      %parallel_loop3A_59 = arith.addi %parallel_loop3A_58, %iota3A : vector<16xi32>
      %parallel_loop3A_60 = arith.index_cast %parallel_loop3A_57 : i32 to index
      %parallel_loop3A_61 = tpu.vector_load %arg9[%parallel_loop3A_60] {strides = array<i32>} : memref<2048xi32, #tpu.memory_space<vmem>>, vector<16xi32>,
      tpu.vector_store_idx %arg13[%parallel_loop3A_61], %parallel_loop3A_59 : memref<5120xi32, #tpu.memory_space<vmem>>[vector<16xi32>], vector<16xi32>,
      %parallel_loop3A_62 = arith.index_cast %parallel_loop3A_57 : i32 to index
      %parallel_loop3A_63 = tpu.vector_load %arg9[%parallel_loop3A_62] {strides = array<i32>} : memref<2048xi32, #tpu.memory_space<vmem>>, vector<16xi32>,
      %parallel_loop3A_64 = arith.index_cast %parallel_loop3A_57 : i32 to index
      %parallel_loop3A_65 = tpu.vector_load %arg11[%parallel_loop3A_64] {strides = array<i32>} : memref<2048xf32, #tpu.memory_space<vmem>>, vector<16xf32>,
      tpu.vector_store_idx %arg14[%parallel_loop3A_63], %parallel_loop3A_65 : memref<5120xf32, #tpu.memory_space<vmem>>[vector<16xi32>], vector<16xf32>,
      %parallel_loop3A_66 = arith.index_cast %parallel_loop3A_57 : i32 to index
      %parallel_loop3A_67 = tpu.vector_load %arg10[%parallel_loop3A_66] {strides = array<i32>} : memref<2048xi32, #tpu.memory_space<vmem>>, vector<16xi32>,
      tpu.vector_store_idx %arg13[%parallel_loop3A_67], %parallel_loop3A_59 : memref<5120xi32, #tpu.memory_space<vmem>>[vector<16xi32>], vector<16xi32>,
      %parallel_loop3A_68 = arith.index_cast %parallel_loop3A_57 : i32 to index
      %parallel_loop3A_69 = tpu.vector_load %arg10[%parallel_loop3A_68] {strides = array<i32>} : memref<2048xi32, #tpu.memory_space<vmem>>, vector<16xi32>,
      %parallel_loop3A_70 = arith.index_cast %parallel_loop3A_57 : i32 to index
      %parallel_loop3A_71 = tpu.vector_load %arg12[%parallel_loop3A_70] {strides = array<i32>} : memref<2048xf32, #tpu.memory_space<vmem>>, vector<16xf32>,
      tpu.vector_store_idx %arg14[%parallel_loop3A_69], %parallel_loop3A_71 : memref<5120xf32, #tpu.memory_space<vmem>>[vector<16xi32>], vector<16xf32>,
    } {sc.loop_unroll_factor = 4 : i64, sc.parallel_access}
    %mul3A_9 = arith.constant 160 : i32
    %mul3A_10 = arith.muli %add3A, %mul3A_9 : i32
    %dma_start3A = tpu.memref_slice %arg13[%mul3A_10] : memref<5120xi32, #tpu.memory_space<vmem>> -> memref<40xi32, #tpu.memory_space<vmem>>
    %dma_start3A_11 = arith.constant 0 : i32
    %dma_start3A_12 = arith.constant 0 : i32
    %dma_start3A_13 = tpu.memref_slice %arg6[%dma_start3A_11, %dma_start3A_12] : memref<2048x1024xf32, #tpu.memory_space<hbm>> -> memref<2048x1024xf32, #tpu.memory_space<hbm>>
    tpu.enqueue_indirect_dma source(%dma_start3A_13 : memref<2048x1024xf32, #tpu.memory_space<hbm>>) target(%arg15 : memref<40x1024xf32, #tpu.memory_space<vmem>>) offsets(%dma_start3A : memref<40xi32, #tpu.memory_space<vmem>>) semaphore(%arg17 : memref<!tpu.dma_semaphore, #tpu.memory_space<semaphore_mem>>)
    %add3A_14 = arith.constant 40 : i32
    %add3A_15 = arith.addi %mul3A_10, %add3A_14 : i32
    %dma_start3A_16 = tpu.memref_slice %arg13[%add3A_15] : memref<5120xi32, #tpu.memory_space<vmem>> -> memref<40xi32, #tpu.memory_space<vmem>>
    %dma_start3A_17 = arith.constant 0 : i32
    %dma_start3A_18 = arith.constant 0 : i32
    %dma_start3A_19 = tpu.memref_slice %arg6[%dma_start3A_17, %dma_start3A_18] : memref<2048x1024xf32, #tpu.memory_space<hbm>> -> memref<2048x1024xf32, #tpu.memory_space<hbm>>
    tpu.enqueue_indirect_dma source(%dma_start3A_19 : memref<2048x1024xf32, #tpu.memory_space<hbm>>) target(%arg16 : memref<40x1024xf32, #tpu.memory_space<vmem>>) offsets(%dma_start3A_16 : memref<40xi32, #tpu.memory_space<vmem>>) semaphore(%arg18 : memref<!tpu.dma_semaphore, #tpu.memory_space<semaphore_mem>>)
    %dma_wait3A = tpu.memref_slice %arg13[%mul3A_10] : memref<5120xi32, #tpu.memory_space<vmem>> -> memref<40xi32, #tpu.memory_space<vmem>>
    %dma_wait3A_20 = arith.constant 0 : i32
    %dma_wait3A_21 = arith.constant 0 : i32
    %dma_wait3A_22 = tpu.memref_slice %arg6[%dma_wait3A_20, %dma_wait3A_21] : memref<2048x1024xf32, #tpu.memory_space<hbm>> -> memref<2048x1024xf32, #tpu.memory_space<hbm>>
    tpu.wait_indirect_dma semaphore(%arg17 : memref<!tpu.dma_semaphore, #tpu.memory_space<semaphore_mem>>) src(%dma_wait3A_22 : memref<2048x1024xf32, #tpu.memory_space<hbm>>) dst(%arg15 : memref<40x1024xf32, #tpu.memory_space<vmem>>)
    %add3A_23 = arith.constant 0 : i32
    %add3A_24 = arith.addi %mul3A_10, %add3A_23 : i32
    "tpu.region"() ({
      %run_scoped3A = tpu.sem_alloc : memref<!tpu.dma_semaphore, #tpu.memory_space<semaphore_mem>>
      %dma_start3A_55 = arith.constant 0 : i32
      %dma_start3A_56 = tpu.memref_slice %arg7[%add3A_24, %dma_start3A_55] : memref<5120x1024xf32, #tpu.memory_space<hbm>> -> memref<40x1024xf32, #tpu.memory_space<hbm>>
      %dma_start3A_57 = arith.constant 0 : i32
      %dma_start3A_58 = tpu.memref_slice %arg7[%add3A_24, %dma_start3A_57] : memref<5120x1024xf32, #tpu.memory_space<hbm>> -> memref<40x1024xf32, #tpu.memory_space<hbm>>
      tpu.enqueue_dma source(%arg15 : memref<40x1024xf32, #tpu.memory_space<vmem>>) target(%dma_start3A_58 : memref<40x1024xf32, #tpu.memory_space<hbm>>) target_semaphore(%run_scoped3A : memref<!tpu.dma_semaphore, #tpu.memory_space<semaphore_mem>>)
      %dma_wait3A_59 = arith.constant 0 : i32
      %dma_wait3A_60 = tpu.memref_slice %arg7[%add3A_24, %dma_wait3A_59] : memref<5120x1024xf32, #tpu.memory_space<hbm>> -> memref<40x1024xf32, #tpu.memory_space<hbm>>
      %dma_wait3A_61 = arith.constant 0 : i32
      %dma_wait3A_62 = tpu.memref_slice %arg7[%add3A_24, %dma_wait3A_61] : memref<5120x1024xf32, #tpu.memory_space<hbm>> -> memref<40x1024xf32, #tpu.memory_space<hbm>>
      tpu.wait_dma2 semaphore(%run_scoped3A : memref<!tpu.dma_semaphore, #tpu.memory_space<semaphore_mem>>) src(%arg15 : memref<40x1024xf32, #tpu.memory_space<vmem>>) dst(%dma_wait3A_62 : memref<40x1024xf32, #tpu.memory_space<hbm>>)
      tpu.yield
    }) : () -> ()
    %add3A_25 = arith.constant 80 : i32
    %add3A_26 = arith.addi %mul3A_10, %add3A_25 : i32
    %dma_start3A_27 = tpu.memref_slice %arg13[%add3A_26] : memref<5120xi32, #tpu.memory_space<vmem>> -> memref<40xi32, #tpu.memory_space<vmem>>
    %dma_start3A_28 = arith.constant 0 : i32
    %dma_start3A_29 = arith.constant 0 : i32
    %dma_start3A_30 = tpu.memref_slice %arg6[%dma_start3A_28, %dma_start3A_29] : memref<2048x1024xf32, #tpu.memory_space<hbm>> -> memref<2048x1024xf32, #tpu.memory_space<hbm>>
    tpu.enqueue_indirect_dma source(%dma_start3A_30 : memref<2048x1024xf32, #tpu.memory_space<hbm>>) target(%arg15 : memref<40x1024xf32, #tpu.memory_space<vmem>>) offsets(%dma_start3A_27 : memref<40xi32, #tpu.memory_space<vmem>>) semaphore(%arg17 : memref<!tpu.dma_semaphore, #tpu.memory_space<semaphore_mem>>)
    %dma_wait3A_31 = tpu.memref_slice %arg13[%add3A_15] : memref<5120xi32, #tpu.memory_space<vmem>> -> memref<40xi32, #tpu.memory_space<vmem>>
    %dma_wait3A_32 = arith.constant 0 : i32
    %dma_wait3A_33 = arith.constant 0 : i32
    %dma_wait3A_34 = tpu.memref_slice %arg6[%dma_wait3A_32, %dma_wait3A_33] : memref<2048x1024xf32, #tpu.memory_space<hbm>> -> memref<2048x1024xf32, #tpu.memory_space<hbm>>
    tpu.wait_indirect_dma semaphore(%arg18 : memref<!tpu.dma_semaphore, #tpu.memory_space<semaphore_mem>>) src(%dma_wait3A_34 : memref<2048x1024xf32, #tpu.memory_space<hbm>>) dst(%arg16 : memref<40x1024xf32, #tpu.memory_space<vmem>>)
    %add3A_35 = arith.constant 40 : i32
    %add3A_36 = arith.addi %mul3A_10, %add3A_35 : i32
    "tpu.region"() ({
      %run_scoped3A = tpu.sem_alloc : memref<!tpu.dma_semaphore, #tpu.memory_space<semaphore_mem>>
      %dma_start3A_55 = arith.constant 0 : i32
      %dma_start3A_56 = tpu.memref_slice %arg7[%add3A_36, %dma_start3A_55] : memref<5120x1024xf32, #tpu.memory_space<hbm>> -> memref<40x1024xf32, #tpu.memory_space<hbm>>
      %dma_start3A_57 = arith.constant 0 : i32
      %dma_start3A_58 = tpu.memref_slice %arg7[%add3A_36, %dma_start3A_57] : memref<5120x1024xf32, #tpu.memory_space<hbm>> -> memref<40x1024xf32, #tpu.memory_space<hbm>>
      tpu.enqueue_dma source(%arg16 : memref<40x1024xf32, #tpu.memory_space<vmem>>) target(%dma_start3A_58 : memref<40x1024xf32, #tpu.memory_space<hbm>>) target_semaphore(%run_scoped3A : memref<!tpu.dma_semaphore, #tpu.memory_space<semaphore_mem>>)
      %dma_wait3A_59 = arith.constant 0 : i32
      %dma_wait3A_60 = tpu.memref_slice %arg7[%add3A_36, %dma_wait3A_59] : memref<5120x1024xf32, #tpu.memory_space<hbm>> -> memref<40x1024xf32, #tpu.memory_space<hbm>>
      %dma_wait3A_61 = arith.constant 0 : i32
      %dma_wait3A_62 = tpu.memref_slice %arg7[%add3A_36, %dma_wait3A_61] : memref<5120x1024xf32, #tpu.memory_space<hbm>> -> memref<40x1024xf32, #tpu.memory_space<hbm>>
      tpu.wait_dma2 semaphore(%run_scoped3A : memref<!tpu.dma_semaphore, #tpu.memory_space<semaphore_mem>>) src(%arg16 : memref<40x1024xf32, #tpu.memory_space<vmem>>) dst(%dma_wait3A_62 : memref<40x1024xf32, #tpu.memory_space<hbm>>)
      tpu.yield
    }) : () -> ()
    %add3A_37 = arith.constant 120 : i32
    %add3A_38 = arith.addi %mul3A_10, %add3A_37 : i32
    %dma_start3A_39 = tpu.memref_slice %arg13[%add3A_38] : memref<5120xi32, #tpu.memory_space<vmem>> -> memref<40xi32, #tpu.memory_space<vmem>>
    %dma_start3A_40 = arith.constant 0 : i32
    %dma_start3A_41 = arith.constant 0 : i32
    %dma_start3A_42 = tpu.memref_slice %arg6[%dma_start3A_40, %dma_start3A_41] : memref<2048x1024xf32, #tpu.memory_space<hbm>> -> memref<2048x1024xf32, #tpu.memory_space<hbm>>
    tpu.enqueue_indirect_dma source(%dma_start3A_42 : memref<2048x1024xf32, #tpu.memory_space<hbm>>) target(%arg16 : memref<40x1024xf32, #tpu.memory_space<vmem>>) offsets(%dma_start3A_39 : memref<40xi32, #tpu.memory_space<vmem>>) semaphore(%arg18 : memref<!tpu.dma_semaphore, #tpu.memory_space<semaphore_mem>>)
    %dma_wait3A_43 = tpu.memref_slice %arg13[%add3A_26] : memref<5120xi32, #tpu.memory_space<vmem>> -> memref<40xi32, #tpu.memory_space<vmem>>
    %dma_wait3A_44 = arith.constant 0 : i32
    %dma_wait3A_45 = arith.constant 0 : i32
    %dma_wait3A_46 = tpu.memref_slice %arg6[%dma_wait3A_44, %dma_wait3A_45] : memref<2048x1024xf32, #tpu.memory_space<hbm>> -> memref<2048x1024xf32, #tpu.memory_space<hbm>>
    tpu.wait_indirect_dma semaphore(%arg17 : memref<!tpu.dma_semaphore, #tpu.memory_space<semaphore_mem>>) src(%dma_wait3A_46 : memref<2048x1024xf32, #tpu.memory_space<hbm>>) dst(%arg15 : memref<40x1024xf32, #tpu.memory_space<vmem>>)
    %add3A_47 = arith.constant 80 : i32
    %add3A_48 = arith.addi %mul3A_10, %add3A_47 : i32
    "tpu.region"() ({
      %run_scoped3A = tpu.sem_alloc : memref<!tpu.dma_semaphore, #tpu.memory_space<semaphore_mem>>
      %dma_start3A_55 = arith.constant 0 : i32
      %dma_start3A_56 = tpu.memref_slice %arg7[%add3A_48, %dma_start3A_55] : memref<5120x1024xf32, #tpu.memory_space<hbm>> -> memref<40x1024xf32, #tpu.memory_space<hbm>>
      %dma_start3A_57 = arith.constant 0 : i32
      %dma_start3A_58 = tpu.memref_slice %arg7[%add3A_48, %dma_start3A_57] : memref<5120x1024xf32, #tpu.memory_space<hbm>> -> memref<40x1024xf32, #tpu.memory_space<hbm>>
      tpu.enqueue_dma source(%arg15 : memref<40x1024xf32, #tpu.memory_space<vmem>>) target(%dma_start3A_58 : memref<40x1024xf32, #tpu.memory_space<hbm>>) target_semaphore(%run_scoped3A : memref<!tpu.dma_semaphore, #tpu.memory_space<semaphore_mem>>)
      %dma_wait3A_59 = arith.constant 0 : i32
      %dma_wait3A_60 = tpu.memref_slice %arg7[%add3A_48, %dma_wait3A_59] : memref<5120x1024xf32, #tpu.memory_space<hbm>> -> memref<40x1024xf32, #tpu.memory_space<hbm>>
      %dma_wait3A_61 = arith.constant 0 : i32
      %dma_wait3A_62 = tpu.memref_slice %arg7[%add3A_48, %dma_wait3A_61] : memref<5120x1024xf32, #tpu.memory_space<hbm>> -> memref<40x1024xf32, #tpu.memory_space<hbm>>
      tpu.wait_dma2 semaphore(%run_scoped3A : memref<!tpu.dma_semaphore, #tpu.memory_space<semaphore_mem>>) src(%arg15 : memref<40x1024xf32, #tpu.memory_space<vmem>>) dst(%dma_wait3A_62 : memref<40x1024xf32, #tpu.memory_space<hbm>>)
      tpu.yield
    }) : () -> ()
    %dma_wait3A_49 = tpu.memref_slice %arg13[%add3A_38] : memref<5120xi32, #tpu.memory_space<vmem>> -> memref<40xi32, #tpu.memory_space<vmem>>
    %dma_wait3A_50 = arith.constant 0 : i32
    %dma_wait3A_51 = arith.constant 0 : i32
    %dma_wait3A_52 = tpu.memref_slice %arg6[%dma_wait3A_50, %dma_wait3A_51] : memref<2048x1024xf32, #tpu.memory_space<hbm>> -> memref<2048x1024xf32, #tpu.memory_space<hbm>>
    tpu.wait_indirect_dma semaphore(%arg18 : memref<!tpu.dma_semaphore, #tpu.memory_space<semaphore_mem>>) src(%dma_wait3A_52 : memref<2048x1024xf32, #tpu.memory_space<hbm>>) dst(%arg16 : memref<40x1024xf32, #tpu.memory_space<vmem>>)
    %add3A_53 = arith.constant 120 : i32
    %add3A_54 = arith.addi %mul3A_10, %add3A_53 : i32
    "tpu.region"() ({
      %run_scoped3A = tpu.sem_alloc : memref<!tpu.dma_semaphore, #tpu.memory_space<semaphore_mem>>
      %dma_start3A_55 = arith.constant 0 : i32
      %dma_start3A_56 = tpu.memref_slice %arg7[%add3A_54, %dma_start3A_55] : memref<5120x1024xf32, #tpu.memory_space<hbm>> -> memref<40x1024xf32, #tpu.memory_space<hbm>>
      %dma_start3A_57 = arith.constant 0 : i32
      %dma_start3A_58 = tpu.memref_slice %arg7[%add3A_54, %dma_start3A_57] : memref<5120x1024xf32, #tpu.memory_space<hbm>> -> memref<40x1024xf32, #tpu.memory_space<hbm>>
      tpu.enqueue_dma source(%arg16 : memref<40x1024xf32, #tpu.memory_space<vmem>>) target(%dma_start3A_58 : memref<40x1024xf32, #tpu.memory_space<hbm>>) target_semaphore(%run_scoped3A : memref<!tpu.dma_semaphore, #tpu.memory_space<semaphore_mem>>)
      %dma_wait3A_59 = arith.constant 0 : i32
      %dma_wait3A_60 = tpu.memref_slice %arg7[%add3A_54, %dma_wait3A_59] : memref<5120x1024xf32, #tpu.memory_space<hbm>> -> memref<40x1024xf32, #tpu.memory_space<hbm>>
      %dma_wait3A_61 = arith.constant 0 : i32
      %dma_wait3A_62 = tpu.memref_slice %arg7[%add3A_54, %dma_wait3A_61] : memref<5120x1024xf32, #tpu.memory_space<hbm>> -> memref<40x1024xf32, #tpu.memory_space<hbm>>
      tpu.wait_dma2 semaphore(%run_scoped3A : memref<!tpu.dma_semaphore, #tpu.memory_space<semaphore_mem>>) src(%arg16 : memref<40x1024xf32, #tpu.memory_space<vmem>>) dst(%dma_wait3A_62 : memref<40x1024xf32, #tpu.memory_space<hbm>>)
      tpu.yield
    }) : () -> ()
    "tpu.region"() ({
      %run_scoped3A = tpu.sem_alloc : memref<!tpu.dma_semaphore, #tpu.memory_space<semaphore_mem>>
      %dma_start3A_55 = tpu.memref_slice %arg14[%mul3A_10] : memref<5120xf32, #tpu.memory_space<vmem>> -> memref<160xf32, #tpu.memory_space<vmem>>
      %dma_start3A_56 = tpu.memref_slice %arg8[%mul3A_10] : memref<5120xf32, #tpu.memory_space<hbm>> -> memref<160xf32, #tpu.memory_space<hbm>>
      %dma_start3A_57 = tpu.memref_slice %arg8[%mul3A_10] : memref<5120xf32, #tpu.memory_space<hbm>> -> memref<160xf32, #tpu.memory_space<hbm>>
      %dma_start3A_58 = tpu.memref_slice %arg14[%mul3A_10] : memref<5120xf32, #tpu.memory_space<vmem>> -> memref<160xf32, #tpu.memory_space<vmem>>
      tpu.enqueue_dma source(%dma_start3A_58 : memref<160xf32, #tpu.memory_space<vmem>>) target(%dma_start3A_57 : memref<160xf32, #tpu.memory_space<hbm>>) target_semaphore(%run_scoped3A : memref<!tpu.dma_semaphore, #tpu.memory_space<semaphore_mem>>)
      %dma_wait3A_59 = tpu.memref_slice %arg14[%mul3A_10] : memref<5120xf32, #tpu.memory_space<vmem>> -> memref<160xf32, #tpu.memory_space<vmem>>
      %dma_wait3A_60 = tpu.memref_slice %arg8[%mul3A_10] : memref<5120xf32, #tpu.memory_space<hbm>> -> memref<160xf32, #tpu.memory_space<hbm>>
      %dma_wait3A_61 = tpu.memref_slice %arg8[%mul3A_10] : memref<5120xf32, #tpu.memory_space<hbm>> -> memref<160xf32, #tpu.memory_space<hbm>>
      %dma_wait3A_62 = tpu.memref_slice %arg14[%mul3A_10] : memref<5120xf32, #tpu.memory_space<vmem>> -> memref<160xf32, #tpu.memory_space<vmem>>
      tpu.wait_dma2 semaphore(%run_scoped3A : memref<!tpu.dma_semaphore, #tpu.memory_space<semaphore_mem>>) src(%dma_wait3A_62 : memref<160xf32, #tpu.memory_space<vmem>>) dst(%dma_wait3A_61 : memref<160xf32, #tpu.memory_space<hbm>>)
      tpu.yield
    }) : () -> ()
    return
  }
}

#map = affine_map<(d0, d1) -> (0, 0)>
#map1 = affine_map<(d0, d1) -> (0)>
module attributes {stable_mosaic.version = 14 : i64} {
  func.func @_combine_body(%arg0: i32, %arg1: i32, %arg2: memref<5120x1024xf32, #tpu.memory_space<hbm>>, %arg3: memref<2048xi32, #tpu.memory_space<hbm>>, %arg4: memref<2048xi32, #tpu.memory_space<hbm>>, %arg5: memref<2048x1024xf32, #tpu.memory_space<hbm>>, %arg6: memref<32xi32, #tpu.memory_space<vmem>>, %arg7: memref<32xi32, #tpu.memory_space<vmem>>, %arg8: memref<32x1024xf32, #tpu.memory_space<vmem>>, %arg9: memref<32x1024xf32, #tpu.memory_space<vmem>>, %arg10: memref<32x1024xf32, #tpu.memory_space<vmem>>, %arg11: memref<!tpu.dma_semaphore, #tpu.memory_space<semaphore_mem>>, %arg12: memref<!tpu.dma_semaphore, #tpu.memory_space<semaphore_mem>>) attributes {dimension_semantics = [#tpu.dimension_semantics<core_parallel>, #tpu.dimension_semantics<subcore_parallel>], iteration_bounds = array<i64: 2, 16>, scalar_prefetch = 0 : i64, scratch_operands = 7 : i64, tpu.core_type = #tpu.core_type<sc_vector_subcore>, window_params = [{transform_indices = #map}, {transform_indices = #map1}, {transform_indices = #map1}, {transform_indices = #map}]} {
    %mul3A = arith.constant 2 : i32
    %mul3A_0 = arith.muli %arg1, %mul3A : i32
    %add3A = arith.addi %mul3A_0, %arg0 : i32
    %mul3A_1 = arith.constant 64 : i32
    %mul3A_2 = arith.muli %add3A, %mul3A_1 : i32
    %add3A_3 = arith.constant 0 : i32
    %add3A_4 = arith.addi %mul3A_2, %add3A_3 : i32
    "tpu.region"() ({
      %run_scoped3A = tpu.sem_alloc : memref<!tpu.dma_semaphore, #tpu.memory_space<semaphore_mem>>
      %dma_start3A_34 = tpu.memref_slice %arg3[%add3A_4] : memref<2048xi32, #tpu.memory_space<hbm>> -> memref<32xi32, #tpu.memory_space<hbm>>
      %dma_start3A_35 = tpu.memref_slice %arg3[%add3A_4] : memref<2048xi32, #tpu.memory_space<hbm>> -> memref<32xi32, #tpu.memory_space<hbm>>
      tpu.enqueue_dma source(%dma_start3A_35 : memref<32xi32, #tpu.memory_space<hbm>>) target(%arg6 : memref<32xi32, #tpu.memory_space<vmem>>) target_semaphore(%run_scoped3A : memref<!tpu.dma_semaphore, #tpu.memory_space<semaphore_mem>>)
      %dma_wait3A_36 = tpu.memref_slice %arg3[%add3A_4] : memref<2048xi32, #tpu.memory_space<hbm>> -> memref<32xi32, #tpu.memory_space<hbm>>
      %dma_wait3A_37 = tpu.memref_slice %arg3[%add3A_4] : memref<2048xi32, #tpu.memory_space<hbm>> -> memref<32xi32, #tpu.memory_space<hbm>>
      tpu.wait_dma2 semaphore(%run_scoped3A : memref<!tpu.dma_semaphore, #tpu.memory_space<semaphore_mem>>) src(%dma_wait3A_37 : memref<32xi32, #tpu.memory_space<hbm>>) dst(%arg6 : memref<32xi32, #tpu.memory_space<vmem>>)
      tpu.yield
    }) : () -> ()
    "tpu.region"() ({
      %run_scoped3A = tpu.sem_alloc : memref<!tpu.dma_semaphore, #tpu.memory_space<semaphore_mem>>
      %dma_start3A_34 = tpu.memref_slice %arg4[%add3A_4] : memref<2048xi32, #tpu.memory_space<hbm>> -> memref<32xi32, #tpu.memory_space<hbm>>
      %dma_start3A_35 = tpu.memref_slice %arg4[%add3A_4] : memref<2048xi32, #tpu.memory_space<hbm>> -> memref<32xi32, #tpu.memory_space<hbm>>
      tpu.enqueue_dma source(%dma_start3A_35 : memref<32xi32, #tpu.memory_space<hbm>>) target(%arg7 : memref<32xi32, #tpu.memory_space<vmem>>) target_semaphore(%run_scoped3A : memref<!tpu.dma_semaphore, #tpu.memory_space<semaphore_mem>>)
      %dma_wait3A_36 = tpu.memref_slice %arg4[%add3A_4] : memref<2048xi32, #tpu.memory_space<hbm>> -> memref<32xi32, #tpu.memory_space<hbm>>
      %dma_wait3A_37 = tpu.memref_slice %arg4[%add3A_4] : memref<2048xi32, #tpu.memory_space<hbm>> -> memref<32xi32, #tpu.memory_space<hbm>>
      tpu.wait_dma2 semaphore(%run_scoped3A : memref<!tpu.dma_semaphore, #tpu.memory_space<semaphore_mem>>) src(%dma_wait3A_37 : memref<32xi32, #tpu.memory_space<hbm>>) dst(%arg7 : memref<32xi32, #tpu.memory_space<vmem>>)
      tpu.yield
    }) : () -> ()
    %dma_start3A = arith.constant 0 : i32
    %dma_start3A_5 = arith.constant 0 : i32
    %dma_start3A_6 = tpu.memref_slice %arg2[%dma_start3A, %dma_start3A_5] : memref<5120x1024xf32, #tpu.memory_space<hbm>> -> memref<5120x1024xf32, #tpu.memory_space<hbm>>
    tpu.enqueue_indirect_dma source(%dma_start3A_6 : memref<5120x1024xf32, #tpu.memory_space<hbm>>) target(%arg8 : memref<32x1024xf32, #tpu.memory_space<vmem>>) offsets(%arg6 : memref<32xi32, #tpu.memory_space<vmem>>) semaphore(%arg11 : memref<!tpu.dma_semaphore, #tpu.memory_space<semaphore_mem>>)
    %dma_start3A_7 = arith.constant 0 : i32
    %dma_start3A_8 = arith.constant 0 : i32
    %dma_start3A_9 = tpu.memref_slice %arg2[%dma_start3A_7, %dma_start3A_8] : memref<5120x1024xf32, #tpu.memory_space<hbm>> -> memref<5120x1024xf32, #tpu.memory_space<hbm>>
    tpu.enqueue_indirect_dma source(%dma_start3A_9 : memref<5120x1024xf32, #tpu.memory_space<hbm>>) target(%arg9 : memref<32x1024xf32, #tpu.memory_space<vmem>>) offsets(%arg7 : memref<32xi32, #tpu.memory_space<vmem>>) semaphore(%arg12 : memref<!tpu.dma_semaphore, #tpu.memory_space<semaphore_mem>>)
    %dma_wait3A = arith.constant 0 : i32
    %dma_wait3A_10 = arith.constant 0 : i32
    %dma_wait3A_11 = tpu.memref_slice %arg2[%dma_wait3A, %dma_wait3A_10] : memref<5120x1024xf32, #tpu.memory_space<hbm>> -> memref<5120x1024xf32, #tpu.memory_space<hbm>>
    tpu.wait_indirect_dma semaphore(%arg11 : memref<!tpu.dma_semaphore, #tpu.memory_space<semaphore_mem>>) src(%dma_wait3A_11 : memref<5120x1024xf32, #tpu.memory_space<hbm>>) dst(%arg8 : memref<32x1024xf32, #tpu.memory_space<vmem>>)
    %dma_wait3A_12 = arith.constant 0 : i32
    %dma_wait3A_13 = arith.constant 0 : i32
    %dma_wait3A_14 = tpu.memref_slice %arg2[%dma_wait3A_12, %dma_wait3A_13] : memref<5120x1024xf32, #tpu.memory_space<hbm>> -> memref<5120x1024xf32, #tpu.memory_space<hbm>>
    tpu.wait_indirect_dma semaphore(%arg12 : memref<!tpu.dma_semaphore, #tpu.memory_space<semaphore_mem>>) src(%dma_wait3A_14 : memref<5120x1024xf32, #tpu.memory_space<hbm>>) dst(%arg9 : memref<32x1024xf32, #tpu.memory_space<vmem>>)
    %parallel_loop3A = arith.constant 0 : i32
    %parallel_loop3A_15 = arith.constant 2048 : i32
    %parallel_loop3A_16 = arith.constant 1 : i32
    scf.for %parallel_loop3A_34 = %parallel_loop3A to %parallel_loop3A_15 step %parallel_loop3A_16  : i32 {
      %parallel_loop3A_35 = arith.constant 64 : i32
      %parallel_loop3A_36 = arith.divsi %parallel_loop3A_34, %parallel_loop3A_35 : i32
      %parallel_loop3A_37 = arith.constant 0 : i32
      %parallel_loop3A_38 = arith.cmpi sgt, %parallel_loop3A_34, %parallel_loop3A_37 : i32
      %parallel_loop3A_39 = arith.extui %parallel_loop3A_38 : i1 to i32
      %parallel_loop3A_40 = arith.constant 0 : i32
      %parallel_loop3A_41 = arith.cmpi slt, %parallel_loop3A_34, %parallel_loop3A_40 : i32
      %parallel_loop3A_42 = arith.extui %parallel_loop3A_41 : i1 to i32
      %parallel_loop3A_43 = arith.subi %parallel_loop3A_39, %parallel_loop3A_42 : i32
      %parallel_loop3A_44 = arith.constant 0 : i32
      %parallel_loop3A_45 = arith.cmpi sgt, %parallel_loop3A_35, %parallel_loop3A_44 : i32
      %parallel_loop3A_46 = arith.extui %parallel_loop3A_45 : i1 to i32
      %parallel_loop3A_47 = arith.constant 0 : i32
      %parallel_loop3A_48 = arith.cmpi slt, %parallel_loop3A_35, %parallel_loop3A_47 : i32
      %parallel_loop3A_49 = arith.extui %parallel_loop3A_48 : i1 to i32
      %parallel_loop3A_50 = arith.subi %parallel_loop3A_46, %parallel_loop3A_49 : i32
      %parallel_loop3A_51 = arith.cmpi ne, %parallel_loop3A_43, %parallel_loop3A_50 : i32
      %parallel_loop3A_52 = arith.remsi %parallel_loop3A_34, %parallel_loop3A_35 : i32
      %parallel_loop3A_53 = arith.constant 0 : i32
      %parallel_loop3A_54 = arith.cmpi ne, %parallel_loop3A_52, %parallel_loop3A_53 : i32
      %parallel_loop3A_55 = arith.andi %parallel_loop3A_51, %parallel_loop3A_54 : i1
      %parallel_loop3A_56 = arith.constant 1 : i32
      %parallel_loop3A_57 = arith.subi %parallel_loop3A_36, %parallel_loop3A_56 : i32
      %parallel_loop3A_58 = arith.select %parallel_loop3A_55, %parallel_loop3A_57, %parallel_loop3A_36 : i32
      %parallel_loop3A_59 = arith.constant 64 : i32
      %parallel_loop3A_60 = arith.constant 0 : i32
      %parallel_loop3A_61 = arith.cmpi eq, %parallel_loop3A_59, %parallel_loop3A_60 : i32
      %parallel_loop3A_62 = arith.constant 1 : i32
      %parallel_loop3A_63 = arith.select %parallel_loop3A_61, %parallel_loop3A_62, %parallel_loop3A_59 : i32
      %parallel_loop3A_64 = arith.remsi %parallel_loop3A_34, %parallel_loop3A_63 : i32
      %parallel_loop3A_65 = arith.constant 0 : i32
      %parallel_loop3A_66 = arith.cmpi ne, %parallel_loop3A_64, %parallel_loop3A_65 : i32
      %parallel_loop3A_67 = arith.constant 0 : i32
      %parallel_loop3A_68 = arith.cmpi slt, %parallel_loop3A_64, %parallel_loop3A_67 : i32
      %parallel_loop3A_69 = arith.constant 0 : i32
      %parallel_loop3A_70 = arith.cmpi slt, %parallel_loop3A_63, %parallel_loop3A_69 : i32
      %parallel_loop3A_71 = arith.xori %parallel_loop3A_68, %parallel_loop3A_70 : i1
      %parallel_loop3A_72 = arith.andi %parallel_loop3A_71, %parallel_loop3A_66 : i1
      %parallel_loop3A_73 = arith.addi %parallel_loop3A_64, %parallel_loop3A_63 : i32
      %parallel_loop3A_74 = arith.select %parallel_loop3A_72, %parallel_loop3A_73, %parallel_loop3A_64 : i32
      %parallel_loop3A_75 = arith.constant 16 : i32
      %parallel_loop3A_76 = arith.muli %parallel_loop3A_74, %parallel_loop3A_75 : i32
      %parallel_loop3A_77 = arith.index_cast %parallel_loop3A_58 : i32 to index
      %parallel_loop3A_78 = arith.index_cast %parallel_loop3A_76 : i32 to index
      %parallel_loop3A_79 = tpu.vector_load %arg8[%parallel_loop3A_77, %parallel_loop3A_78] {strides = array<i32>} : memref<32x1024xf32, #tpu.memory_space<vmem>>, vector<16xf32>,
      %parallel_loop3A_80 = arith.index_cast %parallel_loop3A_58 : i32 to index
      %parallel_loop3A_81 = arith.index_cast %parallel_loop3A_76 : i32 to index
      %parallel_loop3A_82 = tpu.vector_load %arg9[%parallel_loop3A_80, %parallel_loop3A_81] {strides = array<i32>} : memref<32x1024xf32, #tpu.memory_space<vmem>>, vector<16xf32>,
      %parallel_loop3A_83 = arith.addf %parallel_loop3A_79, %parallel_loop3A_82 : vector<16xf32>
      %parallel_loop3A_84 = arith.index_cast %parallel_loop3A_58 : i32 to index
      %parallel_loop3A_85 = arith.index_cast %parallel_loop3A_76 : i32 to index
      %parallel_loop3A_86 = tpu.vector_load %arg10[%parallel_loop3A_84, %parallel_loop3A_85] {strides = array<i32>} : memref<32x1024xf32, #tpu.memory_space<vmem>>, vector<16xf32>,
      tpu.vector_store %arg10[%parallel_loop3A_84, %parallel_loop3A_85], %parallel_loop3A_83 {strides = array<i32>} : memref<32x1024xf32, #tpu.memory_space<vmem>>, vector<16xf32>,
    } {sc.loop_unroll_factor = 8 : i64, sc.parallel_access}
    "tpu.region"() ({
      %run_scoped3A = tpu.sem_alloc : memref<!tpu.dma_semaphore, #tpu.memory_space<semaphore_mem>>
      %dma_start3A_34 = arith.constant 0 : i32
      %dma_start3A_35 = tpu.memref_slice %arg5[%add3A_4, %dma_start3A_34] : memref<2048x1024xf32, #tpu.memory_space<hbm>> -> memref<32x1024xf32, #tpu.memory_space<hbm>>
      %dma_start3A_36 = arith.constant 0 : i32
      %dma_start3A_37 = tpu.memref_slice %arg5[%add3A_4, %dma_start3A_36] : memref<2048x1024xf32, #tpu.memory_space<hbm>> -> memref<32x1024xf32, #tpu.memory_space<hbm>>
      tpu.enqueue_dma source(%arg10 : memref<32x1024xf32, #tpu.memory_space<vmem>>) target(%dma_start3A_37 : memref<32x1024xf32, #tpu.memory_space<hbm>>) target_semaphore(%run_scoped3A : memref<!tpu.dma_semaphore, #tpu.memory_space<semaphore_mem>>)
      %dma_wait3A_38 = arith.constant 0 : i32
      %dma_wait3A_39 = tpu.memref_slice %arg5[%add3A_4, %dma_wait3A_38] : memref<2048x1024xf32, #tpu.memory_space<hbm>> -> memref<32x1024xf32, #tpu.memory_space<hbm>>
      %dma_wait3A_40 = arith.constant 0 : i32
      %dma_wait3A_41 = tpu.memref_slice %arg5[%add3A_4, %dma_wait3A_40] : memref<2048x1024xf32, #tpu.memory_space<hbm>> -> memref<32x1024xf32, #tpu.memory_space<hbm>>
      tpu.wait_dma2 semaphore(%run_scoped3A : memref<!tpu.dma_semaphore, #tpu.memory_space<semaphore_mem>>) src(%arg10 : memref<32x1024xf32, #tpu.memory_space<vmem>>) dst(%dma_wait3A_41 : memref<32x1024xf32, #tpu.memory_space<hbm>>)
      tpu.yield
    }) : () -> ()
    %add3A_17 = arith.constant 32 : i32
    %add3A_18 = arith.addi %mul3A_2, %add3A_17 : i32
    "tpu.region"() ({
      %run_scoped3A = tpu.sem_alloc : memref<!tpu.dma_semaphore, #tpu.memory_space<semaphore_mem>>
      %dma_start3A_34 = tpu.memref_slice %arg3[%add3A_18] : memref<2048xi32, #tpu.memory_space<hbm>> -> memref<32xi32, #tpu.memory_space<hbm>>
      %dma_start3A_35 = tpu.memref_slice %arg3[%add3A_18] : memref<2048xi32, #tpu.memory_space<hbm>> -> memref<32xi32, #tpu.memory_space<hbm>>
      tpu.enqueue_dma source(%dma_start3A_35 : memref<32xi32, #tpu.memory_space<hbm>>) target(%arg6 : memref<32xi32, #tpu.memory_space<vmem>>) target_semaphore(%run_scoped3A : memref<!tpu.dma_semaphore, #tpu.memory_space<semaphore_mem>>)
      %dma_wait3A_36 = tpu.memref_slice %arg3[%add3A_18] : memref<2048xi32, #tpu.memory_space<hbm>> -> memref<32xi32, #tpu.memory_space<hbm>>
      %dma_wait3A_37 = tpu.memref_slice %arg3[%add3A_18] : memref<2048xi32, #tpu.memory_space<hbm>> -> memref<32xi32, #tpu.memory_space<hbm>>
      tpu.wait_dma2 semaphore(%run_scoped3A : memref<!tpu.dma_semaphore, #tpu.memory_space<semaphore_mem>>) src(%dma_wait3A_37 : memref<32xi32, #tpu.memory_space<hbm>>) dst(%arg6 : memref<32xi32, #tpu.memory_space<vmem>>)
      tpu.yield
    }) : () -> ()
    "tpu.region"() ({
      %run_scoped3A = tpu.sem_alloc : memref<!tpu.dma_semaphore, #tpu.memory_space<semaphore_mem>>
      %dma_start3A_34 = tpu.memref_slice %arg4[%add3A_18] : memref<2048xi32, #tpu.memory_space<hbm>> -> memref<32xi32, #tpu.memory_space<hbm>>
      %dma_start3A_35 = tpu.memref_slice %arg4[%add3A_18] : memref<2048xi32, #tpu.memory_space<hbm>> -> memref<32xi32, #tpu.memory_space<hbm>>
      tpu.enqueue_dma source(%dma_start3A_35 : memref<32xi32, #tpu.memory_space<hbm>>) target(%arg7 : memref<32xi32, #tpu.memory_space<vmem>>) target_semaphore(%run_scoped3A : memref<!tpu.dma_semaphore, #tpu.memory_space<semaphore_mem>>)
      %dma_wait3A_36 = tpu.memref_slice %arg4[%add3A_18] : memref<2048xi32, #tpu.memory_space<hbm>> -> memref<32xi32, #tpu.memory_space<hbm>>
      %dma_wait3A_37 = tpu.memref_slice %arg4[%add3A_18] : memref<2048xi32, #tpu.memory_space<hbm>> -> memref<32xi32, #tpu.memory_space<hbm>>
      tpu.wait_dma2 semaphore(%run_scoped3A : memref<!tpu.dma_semaphore, #tpu.memory_space<semaphore_mem>>) src(%dma_wait3A_37 : memref<32xi32, #tpu.memory_space<hbm>>) dst(%arg7 : memref<32xi32, #tpu.memory_space<vmem>>)
      tpu.yield
    }) : () -> ()
    %dma_start3A_19 = arith.constant 0 : i32
    %dma_start3A_20 = arith.constant 0 : i32
    %dma_start3A_21 = tpu.memref_slice %arg2[%dma_start3A_19, %dma_start3A_20] : memref<5120x1024xf32, #tpu.memory_space<hbm>> -> memref<5120x1024xf32, #tpu.memory_space<hbm>>
    tpu.enqueue_indirect_dma source(%dma_start3A_21 : memref<5120x1024xf32, #tpu.memory_space<hbm>>) target(%arg8 : memref<32x1024xf32, #tpu.memory_space<vmem>>) offsets(%arg6 : memref<32xi32, #tpu.memory_space<vmem>>) semaphore(%arg11 : memref<!tpu.dma_semaphore, #tpu.memory_space<semaphore_mem>>)
    %dma_start3A_22 = arith.constant 0 : i32
    %dma_start3A_23 = arith.constant 0 : i32
    %dma_start3A_24 = tpu.memref_slice %arg2[%dma_start3A_22, %dma_start3A_23] : memref<5120x1024xf32, #tpu.memory_space<hbm>> -> memref<5120x1024xf32, #tpu.memory_space<hbm>>
    tpu.enqueue_indirect_dma source(%dma_start3A_24 : memref<5120x1024xf32, #tpu.memory_space<hbm>>) target(%arg9 : memref<32x1024xf32, #tpu.memory_space<vmem>>) offsets(%arg7 : memref<32xi32, #tpu.memory_space<vmem>>) semaphore(%arg12 : memref<!tpu.dma_semaphore, #tpu.memory_space<semaphore_mem>>)
    %dma_wait3A_25 = arith.constant 0 : i32
    %dma_wait3A_26 = arith.constant 0 : i32
    %dma_wait3A_27 = tpu.memref_slice %arg2[%dma_wait3A_25, %dma_wait3A_26] : memref<5120x1024xf32, #tpu.memory_space<hbm>> -> memref<5120x1024xf32, #tpu.memory_space<hbm>>
    tpu.wait_indirect_dma semaphore(%arg11 : memref<!tpu.dma_semaphore, #tpu.memory_space<semaphore_mem>>) src(%dma_wait3A_27 : memref<5120x1024xf32, #tpu.memory_space<hbm>>) dst(%arg8 : memref<32x1024xf32, #tpu.memory_space<vmem>>)
    %dma_wait3A_28 = arith.constant 0 : i32
    %dma_wait3A_29 = arith.constant 0 : i32
    %dma_wait3A_30 = tpu.memref_slice %arg2[%dma_wait3A_28, %dma_wait3A_29] : memref<5120x1024xf32, #tpu.memory_space<hbm>> -> memref<5120x1024xf32, #tpu.memory_space<hbm>>
    tpu.wait_indirect_dma semaphore(%arg12 : memref<!tpu.dma_semaphore, #tpu.memory_space<semaphore_mem>>) src(%dma_wait3A_30 : memref<5120x1024xf32, #tpu.memory_space<hbm>>) dst(%arg9 : memref<32x1024xf32, #tpu.memory_space<vmem>>)
    %parallel_loop3A_31 = arith.constant 0 : i32
    %parallel_loop3A_32 = arith.constant 2048 : i32
    %parallel_loop3A_33 = arith.constant 1 : i32
    scf.for %parallel_loop3A_34 = %parallel_loop3A_31 to %parallel_loop3A_32 step %parallel_loop3A_33  : i32 {
      %parallel_loop3A_35 = arith.constant 64 : i32
      %parallel_loop3A_36 = arith.divsi %parallel_loop3A_34, %parallel_loop3A_35 : i32
      %parallel_loop3A_37 = arith.constant 0 : i32
      %parallel_loop3A_38 = arith.cmpi sgt, %parallel_loop3A_34, %parallel_loop3A_37 : i32
      %parallel_loop3A_39 = arith.extui %parallel_loop3A_38 : i1 to i32
      %parallel_loop3A_40 = arith.constant 0 : i32
      %parallel_loop3A_41 = arith.cmpi slt, %parallel_loop3A_34, %parallel_loop3A_40 : i32
      %parallel_loop3A_42 = arith.extui %parallel_loop3A_41 : i1 to i32
      %parallel_loop3A_43 = arith.subi %parallel_loop3A_39, %parallel_loop3A_42 : i32
      %parallel_loop3A_44 = arith.constant 0 : i32
      %parallel_loop3A_45 = arith.cmpi sgt, %parallel_loop3A_35, %parallel_loop3A_44 : i32
      %parallel_loop3A_46 = arith.extui %parallel_loop3A_45 : i1 to i32
      %parallel_loop3A_47 = arith.constant 0 : i32
      %parallel_loop3A_48 = arith.cmpi slt, %parallel_loop3A_35, %parallel_loop3A_47 : i32
      %parallel_loop3A_49 = arith.extui %parallel_loop3A_48 : i1 to i32
      %parallel_loop3A_50 = arith.subi %parallel_loop3A_46, %parallel_loop3A_49 : i32
      %parallel_loop3A_51 = arith.cmpi ne, %parallel_loop3A_43, %parallel_loop3A_50 : i32
      %parallel_loop3A_52 = arith.remsi %parallel_loop3A_34, %parallel_loop3A_35 : i32
      %parallel_loop3A_53 = arith.constant 0 : i32
      %parallel_loop3A_54 = arith.cmpi ne, %parallel_loop3A_52, %parallel_loop3A_53 : i32
      %parallel_loop3A_55 = arith.andi %parallel_loop3A_51, %parallel_loop3A_54 : i1
      %parallel_loop3A_56 = arith.constant 1 : i32
      %parallel_loop3A_57 = arith.subi %parallel_loop3A_36, %parallel_loop3A_56 : i32
      %parallel_loop3A_58 = arith.select %parallel_loop3A_55, %parallel_loop3A_57, %parallel_loop3A_36 : i32
      %parallel_loop3A_59 = arith.constant 64 : i32
      %parallel_loop3A_60 = arith.constant 0 : i32
      %parallel_loop3A_61 = arith.cmpi eq, %parallel_loop3A_59, %parallel_loop3A_60 : i32
      %parallel_loop3A_62 = arith.constant 1 : i32
      %parallel_loop3A_63 = arith.select %parallel_loop3A_61, %parallel_loop3A_62, %parallel_loop3A_59 : i32
      %parallel_loop3A_64 = arith.remsi %parallel_loop3A_34, %parallel_loop3A_63 : i32
      %parallel_loop3A_65 = arith.constant 0 : i32
      %parallel_loop3A_66 = arith.cmpi ne, %parallel_loop3A_64, %parallel_loop3A_65 : i32
      %parallel_loop3A_67 = arith.constant 0 : i32
      %parallel_loop3A_68 = arith.cmpi slt, %parallel_loop3A_64, %parallel_loop3A_67 : i32
      %parallel_loop3A_69 = arith.constant 0 : i32
      %parallel_loop3A_70 = arith.cmpi slt, %parallel_loop3A_63, %parallel_loop3A_69 : i32
      %parallel_loop3A_71 = arith.xori %parallel_loop3A_68, %parallel_loop3A_70 : i1
      %parallel_loop3A_72 = arith.andi %parallel_loop3A_71, %parallel_loop3A_66 : i1
      %parallel_loop3A_73 = arith.addi %parallel_loop3A_64, %parallel_loop3A_63 : i32
      %parallel_loop3A_74 = arith.select %parallel_loop3A_72, %parallel_loop3A_73, %parallel_loop3A_64 : i32
      %parallel_loop3A_75 = arith.constant 16 : i32
      %parallel_loop3A_76 = arith.muli %parallel_loop3A_74, %parallel_loop3A_75 : i32
      %parallel_loop3A_77 = arith.index_cast %parallel_loop3A_58 : i32 to index
      %parallel_loop3A_78 = arith.index_cast %parallel_loop3A_76 : i32 to index
      %parallel_loop3A_79 = tpu.vector_load %arg8[%parallel_loop3A_77, %parallel_loop3A_78] {strides = array<i32>} : memref<32x1024xf32, #tpu.memory_space<vmem>>, vector<16xf32>,
      %parallel_loop3A_80 = arith.index_cast %parallel_loop3A_58 : i32 to index
      %parallel_loop3A_81 = arith.index_cast %parallel_loop3A_76 : i32 to index
      %parallel_loop3A_82 = tpu.vector_load %arg9[%parallel_loop3A_80, %parallel_loop3A_81] {strides = array<i32>} : memref<32x1024xf32, #tpu.memory_space<vmem>>, vector<16xf32>,
      %parallel_loop3A_83 = arith.addf %parallel_loop3A_79, %parallel_loop3A_82 : vector<16xf32>
      %parallel_loop3A_84 = arith.index_cast %parallel_loop3A_58 : i32 to index
      %parallel_loop3A_85 = arith.index_cast %parallel_loop3A_76 : i32 to index
      %parallel_loop3A_86 = tpu.vector_load %arg10[%parallel_loop3A_84, %parallel_loop3A_85] {strides = array<i32>} : memref<32x1024xf32, #tpu.memory_space<vmem>>, vector<16xf32>,
      tpu.vector_store %arg10[%parallel_loop3A_84, %parallel_loop3A_85], %parallel_loop3A_83 {strides = array<i32>} : memref<32x1024xf32, #tpu.memory_space<vmem>>, vector<16xf32>,
    } {sc.loop_unroll_factor = 8 : i64, sc.parallel_access}
    "tpu.region"() ({
      %run_scoped3A = tpu.sem_alloc : memref<!tpu.dma_semaphore, #tpu.memory_space<semaphore_mem>>
      %dma_start3A_34 = arith.constant 0 : i32
      %dma_start3A_35 = tpu.memref_slice %arg5[%add3A_18, %dma_start3A_34] : memref<2048x1024xf32, #tpu.memory_space<hbm>> -> memref<32x1024xf32, #tpu.memory_space<hbm>>
      %dma_start3A_36 = arith.constant 0 : i32
      %dma_start3A_37 = tpu.memref_slice %arg5[%add3A_18, %dma_start3A_36] : memref<2048x1024xf32, #tpu.memory_space<hbm>> -> memref<32x1024xf32, #tpu.memory_space<hbm>>
      tpu.enqueue_dma source(%arg10 : memref<32x1024xf32, #tpu.memory_space<vmem>>) target(%dma_start3A_37 : memref<32x1024xf32, #tpu.memory_space<hbm>>) target_semaphore(%run_scoped3A : memref<!tpu.dma_semaphore, #tpu.memory_space<semaphore_mem>>)
      %dma_wait3A_38 = arith.constant 0 : i32
      %dma_wait3A_39 = tpu.memref_slice %arg5[%add3A_18, %dma_wait3A_38] : memref<2048x1024xf32, #tpu.memory_space<hbm>> -> memref<32x1024xf32, #tpu.memory_space<hbm>>
      %dma_wait3A_40 = arith.constant 0 : i32
      %dma_wait3A_41 = tpu.memref_slice %arg5[%add3A_18, %dma_wait3A_40] : memref<2048x1024xf32, #tpu.memory_space<hbm>> -> memref<32x1024xf32, #tpu.memory_space<hbm>>
      tpu.wait_dma2 semaphore(%run_scoped3A : memref<!tpu.dma_semaphore, #tpu.memory_space<semaphore_mem>>) src(%arg10 : memref<32x1024xf32, #tpu.memory_space<vmem>>) dst(%dma_wait3A_41 : memref<32x1024xf32, #tpu.memory_space<hbm>>)
      tpu.yield
    }) : () -> ()
    return
  }
}

module attributes {stable_mosaic.version = 14 : i64} {
  func.func @_gate_route_body(%arg0: memref<2048x1024xf32, #tpu.memory_space<vmem>>, %arg1: memref<1024x8xf32, #tpu.memory_space<vmem>>, %arg2: memref<1x8xf32, #tpu.memory_space<vmem>>, %arg3: memref<2048x1xi32, #tpu.memory_space<vmem>>, %arg4: memref<2048x1xi32, #tpu.memory_space<vmem>>, %arg5: memref<2048x1xf32, #tpu.memory_space<vmem>>, %arg6: memref<2048x1xf32, #tpu.memory_space<vmem>>, %arg7: memref<1x40xi32, #tpu.memory_space<vmem>>, %arg8: memref<1x40xi32, #tpu.memory_space<vmem>>) attributes {dimension_semantics = [], scalar_prefetch = 0 : i64, scratch_operands = 0 : i64, tpu.core_type = #tpu.core_type<tc>} {
    %get3A = arith.constant 0 : index
    %get3A_0 = arith.constant 0 : index
    %get3A_1 = vector.load %arg0[%get3A, %get3A_0] : memref<2048x1024xf32, #tpu.memory_space<vmem>>, vector<2048x1024xf32>
    %get3A_2 = arith.constant 0 : index
    %get3A_3 = arith.constant 0 : index
    %get3A_4 = vector.load %arg1[%get3A_2, %get3A_3] : memref<1024x8xf32, #tpu.memory_space<vmem>>, vector<1024x8xf32>
    %dot_general3A = arith.constant dense<0.000000e+00> : vector<2048x8xf32>
    %dot_general3A_5 = tpu.matmul %get3A_1, %get3A_4, %dot_general3A {dimension_numbers = #tpu.dot_dimension_numbers<[1], [0], [0], [1], [0, 0, 1, 1], [], []>, transpose_lhs_hint = false} : vector<2048x1024xf32>, vector<1024x8xf32>, vector<2048x8xf32> -> vector<2048x8xf32>
    %get3A_6 = arith.constant 0 : index
    %get3A_7 = arith.constant 0 : index
    %get3A_8 = vector.load %arg2[%get3A_6, %get3A_7] : memref<1x8xf32, #tpu.memory_space<vmem>>, vector<1x8xf32>
    %get3A_9 = vector.shape_cast %get3A_8 : vector<1x8xf32> to vector<8xf32>
    %broadcast_in_dim3A = vector.shape_cast %get3A_9 : vector<8xf32> to vector<1x8xf32>
    %add3A = vector.broadcast %broadcast_in_dim3A : vector<1x8xf32> to vector<2048x8xf32>
    %add3A_10 = arith.addf %dot_general3A_5, %add3A : vector<2048x8xf32>
    %reduce_max3A = arith.constant dense<0xFF800000> : vector<2048xf32>
    %reduce_max3A_11 = vector.multi_reduction <maximumf>, %add3A_10, %reduce_max3A [1] : vector<2048x8xf32> to vector<2048xf32>
    %broadcast_in_dim3A_12 = vector.shape_cast %reduce_max3A_11 : vector<2048xf32> to vector<2048x1xf32>
    %sub3A = vector.broadcast %broadcast_in_dim3A_12 : vector<2048x1xf32> to vector<2048x8xf32>
    %sub3A_13 = arith.subf %add3A_10, %sub3A : vector<2048x8xf32>
    %exp3A = math.exp %sub3A_13 : vector<2048x8xf32>
    %reduce_sum3A = arith.constant dense<0.000000e+00> : vector<2048xf32>
    %reduce_sum3A_14 = vector.multi_reduction <add>, %exp3A, %reduce_sum3A [1] : vector<2048x8xf32> to vector<2048xf32>
    %broadcast_in_dim3A_15 = vector.shape_cast %reduce_sum3A_14 : vector<2048xf32> to vector<2048x1xf32>
    %div3A = vector.broadcast %broadcast_in_dim3A_15 : vector<2048x1xf32> to vector<2048x8xf32>
    %div3A_16 = arith.divf %exp3A, %div3A : vector<2048x8xf32>
    %iota3A = tpu.iota {dimensions = array<i32: 1>} : vector<1x8xi32>
    %slice3A = vector.extract_strided_slice %div3A_16 {offsets = [0, 0], sizes = [2048, 1], strides = [1, 1]} : vector<2048x8xf32> to vector<2048x1xf32>
    %gt3A = vector.broadcast %slice3A : vector<2048x1xf32> to vector<2048x8xf32>
    %gt3A_17 = arith.cmpf ogt, %div3A_16, %gt3A : vector<2048x8xf32>
    %convert_element_type3A = arith.extui %gt3A_17 : vector<2048x8xi1> to vector<2048x8xi32>
    %convert_element_type3A_18 = arith.sitofp %convert_element_type3A : vector<2048x8xi32> to vector<2048x8xf32>
    %reduce_sum3A_19 = arith.constant dense<0.000000e+00> : vector<2048xf32>
    %reduce_sum3A_20 = vector.multi_reduction <add>, %convert_element_type3A_18, %reduce_sum3A_19 [1] : vector<2048x8xf32> to vector<2048xf32>
    %broadcast_in_dim3A_21 = vector.shape_cast %reduce_sum3A_20 : vector<2048xf32> to vector<2048x1xf32>
    %eq3A = vector.broadcast %slice3A : vector<2048x1xf32> to vector<2048x8xf32>
    %eq3A_22 = arith.cmpf oeq, %div3A_16, %eq3A : vector<2048x8xf32>
    %lt3A = arith.constant 0 : i32
    %lt3A_23 = vector.broadcast %lt3A : i32 to vector<1x8xi32>
    %lt3A_24 = arith.cmpi slt, %iota3A, %lt3A_23 : vector<1x8xi32>
    %and3A = vector.broadcast %lt3A_24 : vector<1x8xi1> to vector<2048x8xi1>
    %and3A_25 = arith.andi %eq3A_22, %and3A : vector<2048x8xi1>
    %convert_element_type3A_26 = arith.extui %and3A_25 : vector<2048x8xi1> to vector<2048x8xi32>
    %convert_element_type3A_27 = arith.sitofp %convert_element_type3A_26 : vector<2048x8xi32> to vector<2048x8xf32>
    %reduce_sum3A_28 = arith.constant dense<0.000000e+00> : vector<2048xf32>
    %reduce_sum3A_29 = vector.multi_reduction <add>, %convert_element_type3A_27, %reduce_sum3A_28 [1] : vector<2048x8xf32> to vector<2048xf32>
    %broadcast_in_dim3A_30 = vector.shape_cast %reduce_sum3A_29 : vector<2048xf32> to vector<2048x1xf32>
    %add3A_31 = arith.addf %broadcast_in_dim3A_21, %broadcast_in_dim3A_30 : vector<2048x1xf32>
    %lt3A_32 = arith.constant 2.000000e+00 : f32
    %lt3A_33 = vector.broadcast %lt3A_32 : f32 to vector<2048x1xf32>
    %lt3A_34 = arith.cmpf olt, %add3A_31, %lt3A_33 : vector<2048x1xf32>
    %convert_element_type3A_35 = arith.extui %lt3A_34 : vector<2048x1xi1> to vector<2048x1xi32>
    %convert_element_type3A_36 = arith.sitofp %convert_element_type3A_35 : vector<2048x1xi32> to vector<2048x1xf32>
    %slice3A_37 = vector.extract_strided_slice %div3A_16 {offsets = [0, 1], sizes = [2048, 1], strides = [1, 1]} : vector<2048x8xf32> to vector<2048x1xf32>
    %gt3A_38 = vector.broadcast %slice3A_37 : vector<2048x1xf32> to vector<2048x8xf32>
    %gt3A_39 = arith.cmpf ogt, %div3A_16, %gt3A_38 : vector<2048x8xf32>
    %convert_element_type3A_40 = arith.extui %gt3A_39 : vector<2048x8xi1> to vector<2048x8xi32>
    %convert_element_type3A_41 = arith.sitofp %convert_element_type3A_40 : vector<2048x8xi32> to vector<2048x8xf32>
    %reduce_sum3A_42 = arith.constant dense<0.000000e+00> : vector<2048xf32>
    %reduce_sum3A_43 = vector.multi_reduction <add>, %convert_element_type3A_41, %reduce_sum3A_42 [1] : vector<2048x8xf32> to vector<2048xf32>
    %broadcast_in_dim3A_44 = vector.shape_cast %reduce_sum3A_43 : vector<2048xf32> to vector<2048x1xf32>
    %eq3A_45 = vector.broadcast %slice3A_37 : vector<2048x1xf32> to vector<2048x8xf32>
    %eq3A_46 = arith.cmpf oeq, %div3A_16, %eq3A_45 : vector<2048x8xf32>
    %lt3A_47 = arith.constant 1 : i32
    %lt3A_48 = vector.broadcast %lt3A_47 : i32 to vector<1x8xi32>
    %lt3A_49 = arith.cmpi slt, %iota3A, %lt3A_48 : vector<1x8xi32>
    %and3A_50 = vector.broadcast %lt3A_49 : vector<1x8xi1> to vector<2048x8xi1>
    %and3A_51 = arith.andi %eq3A_46, %and3A_50 : vector<2048x8xi1>
    %convert_element_type3A_52 = arith.extui %and3A_51 : vector<2048x8xi1> to vector<2048x8xi32>
    %convert_element_type3A_53 = arith.sitofp %convert_element_type3A_52 : vector<2048x8xi32> to vector<2048x8xf32>
    %reduce_sum3A_54 = arith.constant dense<0.000000e+00> : vector<2048xf32>
    %reduce_sum3A_55 = vector.multi_reduction <add>, %convert_element_type3A_53, %reduce_sum3A_54 [1] : vector<2048x8xf32> to vector<2048xf32>
    %broadcast_in_dim3A_56 = vector.shape_cast %reduce_sum3A_55 : vector<2048xf32> to vector<2048x1xf32>
    %add3A_57 = arith.addf %broadcast_in_dim3A_44, %broadcast_in_dim3A_56 : vector<2048x1xf32>
    %lt3A_58 = arith.constant 2.000000e+00 : f32
    %lt3A_59 = vector.broadcast %lt3A_58 : f32 to vector<2048x1xf32>
    %lt3A_60 = arith.cmpf olt, %add3A_57, %lt3A_59 : vector<2048x1xf32>
    %convert_element_type3A_61 = arith.extui %lt3A_60 : vector<2048x1xi1> to vector<2048x1xi32>
    %convert_element_type3A_62 = arith.sitofp %convert_element_type3A_61 : vector<2048x1xi32> to vector<2048x1xf32>
    %slice3A_63 = vector.extract_strided_slice %div3A_16 {offsets = [0, 2], sizes = [2048, 1], strides = [1, 1]} : vector<2048x8xf32> to vector<2048x1xf32>
    %gt3A_64 = vector.broadcast %slice3A_63 : vector<2048x1xf32> to vector<2048x8xf32>
    %gt3A_65 = arith.cmpf ogt, %div3A_16, %gt3A_64 : vector<2048x8xf32>
    %convert_element_type3A_66 = arith.extui %gt3A_65 : vector<2048x8xi1> to vector<2048x8xi32>
    %convert_element_type3A_67 = arith.sitofp %convert_element_type3A_66 : vector<2048x8xi32> to vector<2048x8xf32>
    %reduce_sum3A_68 = arith.constant dense<0.000000e+00> : vector<2048xf32>
    %reduce_sum3A_69 = vector.multi_reduction <add>, %convert_element_type3A_67, %reduce_sum3A_68 [1] : vector<2048x8xf32> to vector<2048xf32>
    %broadcast_in_dim3A_70 = vector.shape_cast %reduce_sum3A_69 : vector<2048xf32> to vector<2048x1xf32>
    %eq3A_71 = vector.broadcast %slice3A_63 : vector<2048x1xf32> to vector<2048x8xf32>
    %eq3A_72 = arith.cmpf oeq, %div3A_16, %eq3A_71 : vector<2048x8xf32>
    %lt3A_73 = arith.constant 2 : i32
    %lt3A_74 = vector.broadcast %lt3A_73 : i32 to vector<1x8xi32>
    %lt3A_75 = arith.cmpi slt, %iota3A, %lt3A_74 : vector<1x8xi32>
    %and3A_76 = vector.broadcast %lt3A_75 : vector<1x8xi1> to vector<2048x8xi1>
    %and3A_77 = arith.andi %eq3A_72, %and3A_76 : vector<2048x8xi1>
    %convert_element_type3A_78 = arith.extui %and3A_77 : vector<2048x8xi1> to vector<2048x8xi32>
    %convert_element_type3A_79 = arith.sitofp %convert_element_type3A_78 : vector<2048x8xi32> to vector<2048x8xf32>
    %reduce_sum3A_80 = arith.constant dense<0.000000e+00> : vector<2048xf32>
    %reduce_sum3A_81 = vector.multi_reduction <add>, %convert_element_type3A_79, %reduce_sum3A_80 [1] : vector<2048x8xf32> to vector<2048xf32>
    %broadcast_in_dim3A_82 = vector.shape_cast %reduce_sum3A_81 : vector<2048xf32> to vector<2048x1xf32>
    %add3A_83 = arith.addf %broadcast_in_dim3A_70, %broadcast_in_dim3A_82 : vector<2048x1xf32>
    %lt3A_84 = arith.constant 2.000000e+00 : f32
    %lt3A_85 = vector.broadcast %lt3A_84 : f32 to vector<2048x1xf32>
    %lt3A_86 = arith.cmpf olt, %add3A_83, %lt3A_85 : vector<2048x1xf32>
    %convert_element_type3A_87 = arith.extui %lt3A_86 : vector<2048x1xi1> to vector<2048x1xi32>
    %convert_element_type3A_88 = arith.sitofp %convert_element_type3A_87 : vector<2048x1xi32> to vector<2048x1xf32>
    %slice3A_89 = vector.extract_strided_slice %div3A_16 {offsets = [0, 3], sizes = [2048, 1], strides = [1, 1]} : vector<2048x8xf32> to vector<2048x1xf32>
    %gt3A_90 = vector.broadcast %slice3A_89 : vector<2048x1xf32> to vector<2048x8xf32>
    %gt3A_91 = arith.cmpf ogt, %div3A_16, %gt3A_90 : vector<2048x8xf32>
    %convert_element_type3A_92 = arith.extui %gt3A_91 : vector<2048x8xi1> to vector<2048x8xi32>
    %convert_element_type3A_93 = arith.sitofp %convert_element_type3A_92 : vector<2048x8xi32> to vector<2048x8xf32>
    %reduce_sum3A_94 = arith.constant dense<0.000000e+00> : vector<2048xf32>
    %reduce_sum3A_95 = vector.multi_reduction <add>, %convert_element_type3A_93, %reduce_sum3A_94 [1] : vector<2048x8xf32> to vector<2048xf32>
    %broadcast_in_dim3A_96 = vector.shape_cast %reduce_sum3A_95 : vector<2048xf32> to vector<2048x1xf32>
    %eq3A_97 = vector.broadcast %slice3A_89 : vector<2048x1xf32> to vector<2048x8xf32>
    %eq3A_98 = arith.cmpf oeq, %div3A_16, %eq3A_97 : vector<2048x8xf32>
    %lt3A_99 = arith.constant 3 : i32
    %lt3A_100 = vector.broadcast %lt3A_99 : i32 to vector<1x8xi32>
    %lt3A_101 = arith.cmpi slt, %iota3A, %lt3A_100 : vector<1x8xi32>
    %and3A_102 = vector.broadcast %lt3A_101 : vector<1x8xi1> to vector<2048x8xi1>
    %and3A_103 = arith.andi %eq3A_98, %and3A_102 : vector<2048x8xi1>
    %convert_element_type3A_104 = arith.extui %and3A_103 : vector<2048x8xi1> to vector<2048x8xi32>
    %convert_element_type3A_105 = arith.sitofp %convert_element_type3A_104 : vector<2048x8xi32> to vector<2048x8xf32>
    %reduce_sum3A_106 = arith.constant dense<0.000000e+00> : vector<2048xf32>
    %reduce_sum3A_107 = vector.multi_reduction <add>, %convert_element_type3A_105, %reduce_sum3A_106 [1] : vector<2048x8xf32> to vector<2048xf32>
    %broadcast_in_dim3A_108 = vector.shape_cast %reduce_sum3A_107 : vector<2048xf32> to vector<2048x1xf32>
    %add3A_109 = arith.addf %broadcast_in_dim3A_96, %broadcast_in_dim3A_108 : vector<2048x1xf32>
    %lt3A_110 = arith.constant 2.000000e+00 : f32
    %lt3A_111 = vector.broadcast %lt3A_110 : f32 to vector<2048x1xf32>
    %lt3A_112 = arith.cmpf olt, %add3A_109, %lt3A_111 : vector<2048x1xf32>
    %convert_element_type3A_113 = arith.extui %lt3A_112 : vector<2048x1xi1> to vector<2048x1xi32>
    %convert_element_type3A_114 = arith.sitofp %convert_element_type3A_113 : vector<2048x1xi32> to vector<2048x1xf32>
    %slice3A_115 = vector.extract_strided_slice %div3A_16 {offsets = [0, 4], sizes = [2048, 1], strides = [1, 1]} : vector<2048x8xf32> to vector<2048x1xf32>
    %gt3A_116 = vector.broadcast %slice3A_115 : vector<2048x1xf32> to vector<2048x8xf32>
    %gt3A_117 = arith.cmpf ogt, %div3A_16, %gt3A_116 : vector<2048x8xf32>
    %convert_element_type3A_118 = arith.extui %gt3A_117 : vector<2048x8xi1> to vector<2048x8xi32>
    %convert_element_type3A_119 = arith.sitofp %convert_element_type3A_118 : vector<2048x8xi32> to vector<2048x8xf32>
    %reduce_sum3A_120 = arith.constant dense<0.000000e+00> : vector<2048xf32>
    %reduce_sum3A_121 = vector.multi_reduction <add>, %convert_element_type3A_119, %reduce_sum3A_120 [1] : vector<2048x8xf32> to vector<2048xf32>
    %broadcast_in_dim3A_122 = vector.shape_cast %reduce_sum3A_121 : vector<2048xf32> to vector<2048x1xf32>
    %eq3A_123 = vector.broadcast %slice3A_115 : vector<2048x1xf32> to vector<2048x8xf32>
    %eq3A_124 = arith.cmpf oeq, %div3A_16, %eq3A_123 : vector<2048x8xf32>
    %lt3A_125 = arith.constant 4 : i32
    %lt3A_126 = vector.broadcast %lt3A_125 : i32 to vector<1x8xi32>
    %lt3A_127 = arith.cmpi slt, %iota3A, %lt3A_126 : vector<1x8xi32>
    %and3A_128 = vector.broadcast %lt3A_127 : vector<1x8xi1> to vector<2048x8xi1>
    %and3A_129 = arith.andi %eq3A_124, %and3A_128 : vector<2048x8xi1>
    %convert_element_type3A_130 = arith.extui %and3A_129 : vector<2048x8xi1> to vector<2048x8xi32>
    %convert_element_type3A_131 = arith.sitofp %convert_element_type3A_130 : vector<2048x8xi32> to vector<2048x8xf32>
    %reduce_sum3A_132 = arith.constant dense<0.000000e+00> : vector<2048xf32>
    %reduce_sum3A_133 = vector.multi_reduction <add>, %convert_element_type3A_131, %reduce_sum3A_132 [1] : vector<2048x8xf32> to vector<2048xf32>
    %broadcast_in_dim3A_134 = vector.shape_cast %reduce_sum3A_133 : vector<2048xf32> to vector<2048x1xf32>
    %add3A_135 = arith.addf %broadcast_in_dim3A_122, %broadcast_in_dim3A_134 : vector<2048x1xf32>
    %lt3A_136 = arith.constant 2.000000e+00 : f32
    %lt3A_137 = vector.broadcast %lt3A_136 : f32 to vector<2048x1xf32>
    %lt3A_138 = arith.cmpf olt, %add3A_135, %lt3A_137 : vector<2048x1xf32>
    %convert_element_type3A_139 = arith.extui %lt3A_138 : vector<2048x1xi1> to vector<2048x1xi32>
    %convert_element_type3A_140 = arith.sitofp %convert_element_type3A_139 : vector<2048x1xi32> to vector<2048x1xf32>
    %slice3A_141 = vector.extract_strided_slice %div3A_16 {offsets = [0, 5], sizes = [2048, 1], strides = [1, 1]} : vector<2048x8xf32> to vector<2048x1xf32>
    %gt3A_142 = vector.broadcast %slice3A_141 : vector<2048x1xf32> to vector<2048x8xf32>
    %gt3A_143 = arith.cmpf ogt, %div3A_16, %gt3A_142 : vector<2048x8xf32>
    %convert_element_type3A_144 = arith.extui %gt3A_143 : vector<2048x8xi1> to vector<2048x8xi32>
    %convert_element_type3A_145 = arith.sitofp %convert_element_type3A_144 : vector<2048x8xi32> to vector<2048x8xf32>
    %reduce_sum3A_146 = arith.constant dense<0.000000e+00> : vector<2048xf32>
    %reduce_sum3A_147 = vector.multi_reduction <add>, %convert_element_type3A_145, %reduce_sum3A_146 [1] : vector<2048x8xf32> to vector<2048xf32>
    %broadcast_in_dim3A_148 = vector.shape_cast %reduce_sum3A_147 : vector<2048xf32> to vector<2048x1xf32>
    %eq3A_149 = vector.broadcast %slice3A_141 : vector<2048x1xf32> to vector<2048x8xf32>
    %eq3A_150 = arith.cmpf oeq, %div3A_16, %eq3A_149 : vector<2048x8xf32>
    %lt3A_151 = arith.constant 5 : i32
    %lt3A_152 = vector.broadcast %lt3A_151 : i32 to vector<1x8xi32>
    %lt3A_153 = arith.cmpi slt, %iota3A, %lt3A_152 : vector<1x8xi32>
    %and3A_154 = vector.broadcast %lt3A_153 : vector<1x8xi1> to vector<2048x8xi1>
    %and3A_155 = arith.andi %eq3A_150, %and3A_154 : vector<2048x8xi1>
    %convert_element_type3A_156 = arith.extui %and3A_155 : vector<2048x8xi1> to vector<2048x8xi32>
    %convert_element_type3A_157 = arith.sitofp %convert_element_type3A_156 : vector<2048x8xi32> to vector<2048x8xf32>
    %reduce_sum3A_158 = arith.constant dense<0.000000e+00> : vector<2048xf32>
    %reduce_sum3A_159 = vector.multi_reduction <add>, %convert_element_type3A_157, %reduce_sum3A_158 [1] : vector<2048x8xf32> to vector<2048xf32>
    %broadcast_in_dim3A_160 = vector.shape_cast %reduce_sum3A_159 : vector<2048xf32> to vector<2048x1xf32>
    %add3A_161 = arith.addf %broadcast_in_dim3A_148, %broadcast_in_dim3A_160 : vector<2048x1xf32>
    %lt3A_162 = arith.constant 2.000000e+00 : f32
    %lt3A_163 = vector.broadcast %lt3A_162 : f32 to vector<2048x1xf32>
    %lt3A_164 = arith.cmpf olt, %add3A_161, %lt3A_163 : vector<2048x1xf32>
    %convert_element_type3A_165 = arith.extui %lt3A_164 : vector<2048x1xi1> to vector<2048x1xi32>
    %convert_element_type3A_166 = arith.sitofp %convert_element_type3A_165 : vector<2048x1xi32> to vector<2048x1xf32>
    %slice3A_167 = vector.extract_strided_slice %div3A_16 {offsets = [0, 6], sizes = [2048, 1], strides = [1, 1]} : vector<2048x8xf32> to vector<2048x1xf32>
    %gt3A_168 = vector.broadcast %slice3A_167 : vector<2048x1xf32> to vector<2048x8xf32>
    %gt3A_169 = arith.cmpf ogt, %div3A_16, %gt3A_168 : vector<2048x8xf32>
    %convert_element_type3A_170 = arith.extui %gt3A_169 : vector<2048x8xi1> to vector<2048x8xi32>
    %convert_element_type3A_171 = arith.sitofp %convert_element_type3A_170 : vector<2048x8xi32> to vector<2048x8xf32>
    %reduce_sum3A_172 = arith.constant dense<0.000000e+00> : vector<2048xf32>
    %reduce_sum3A_173 = vector.multi_reduction <add>, %convert_element_type3A_171, %reduce_sum3A_172 [1] : vector<2048x8xf32> to vector<2048xf32>
    %broadcast_in_dim3A_174 = vector.shape_cast %reduce_sum3A_173 : vector<2048xf32> to vector<2048x1xf32>
    %eq3A_175 = vector.broadcast %slice3A_167 : vector<2048x1xf32> to vector<2048x8xf32>
    %eq3A_176 = arith.cmpf oeq, %div3A_16, %eq3A_175 : vector<2048x8xf32>
    %lt3A_177 = arith.constant 6 : i32
    %lt3A_178 = vector.broadcast %lt3A_177 : i32 to vector<1x8xi32>
    %lt3A_179 = arith.cmpi slt, %iota3A, %lt3A_178 : vector<1x8xi32>
    %and3A_180 = vector.broadcast %lt3A_179 : vector<1x8xi1> to vector<2048x8xi1>
    %and3A_181 = arith.andi %eq3A_176, %and3A_180 : vector<2048x8xi1>
    %convert_element_type3A_182 = arith.extui %and3A_181 : vector<2048x8xi1> to vector<2048x8xi32>
    %convert_element_type3A_183 = arith.sitofp %convert_element_type3A_182 : vector<2048x8xi32> to vector<2048x8xf32>
    %reduce_sum3A_184 = arith.constant dense<0.000000e+00> : vector<2048xf32>
    %reduce_sum3A_185 = vector.multi_reduction <add>, %convert_element_type3A_183, %reduce_sum3A_184 [1] : vector<2048x8xf32> to vector<2048xf32>
    %broadcast_in_dim3A_186 = vector.shape_cast %reduce_sum3A_185 : vector<2048xf32> to vector<2048x1xf32>
    %add3A_187 = arith.addf %broadcast_in_dim3A_174, %broadcast_in_dim3A_186 : vector<2048x1xf32>
    %lt3A_188 = arith.constant 2.000000e+00 : f32
    %lt3A_189 = vector.broadcast %lt3A_188 : f32 to vector<2048x1xf32>
    %lt3A_190 = arith.cmpf olt, %add3A_187, %lt3A_189 : vector<2048x1xf32>
    %convert_element_type3A_191 = arith.extui %lt3A_190 : vector<2048x1xi1> to vector<2048x1xi32>
    %convert_element_type3A_192 = arith.sitofp %convert_element_type3A_191 : vector<2048x1xi32> to vector<2048x1xf32>
    %slice3A_193 = vector.extract_strided_slice %div3A_16 {offsets = [0, 7], sizes = [2048, 1], strides = [1, 1]} : vector<2048x8xf32> to vector<2048x1xf32>
    %gt3A_194 = vector.broadcast %slice3A_193 : vector<2048x1xf32> to vector<2048x8xf32>
    %gt3A_195 = arith.cmpf ogt, %div3A_16, %gt3A_194 : vector<2048x8xf32>
    %convert_element_type3A_196 = arith.extui %gt3A_195 : vector<2048x8xi1> to vector<2048x8xi32>
    %convert_element_type3A_197 = arith.sitofp %convert_element_type3A_196 : vector<2048x8xi32> to vector<2048x8xf32>
    %reduce_sum3A_198 = arith.constant dense<0.000000e+00> : vector<2048xf32>
    %reduce_sum3A_199 = vector.multi_reduction <add>, %convert_element_type3A_197, %reduce_sum3A_198 [1] : vector<2048x8xf32> to vector<2048xf32>
    %broadcast_in_dim3A_200 = vector.shape_cast %reduce_sum3A_199 : vector<2048xf32> to vector<2048x1xf32>
    %eq3A_201 = vector.broadcast %slice3A_193 : vector<2048x1xf32> to vector<2048x8xf32>
    %eq3A_202 = arith.cmpf oeq, %div3A_16, %eq3A_201 : vector<2048x8xf32>
    %lt3A_203 = arith.constant 7 : i32
    %lt3A_204 = vector.broadcast %lt3A_203 : i32 to vector<1x8xi32>
    %lt3A_205 = arith.cmpi slt, %iota3A, %lt3A_204 : vector<1x8xi32>
    %and3A_206 = vector.broadcast %lt3A_205 : vector<1x8xi1> to vector<2048x8xi1>
    %and3A_207 = arith.andi %eq3A_202, %and3A_206 : vector<2048x8xi1>
    %convert_element_type3A_208 = arith.extui %and3A_207 : vector<2048x8xi1> to vector<2048x8xi32>
    %convert_element_type3A_209 = arith.sitofp %convert_element_type3A_208 : vector<2048x8xi32> to vector<2048x8xf32>
    %reduce_sum3A_210 = arith.constant dense<0.000000e+00> : vector<2048xf32>
    %reduce_sum3A_211 = vector.multi_reduction <add>, %convert_element_type3A_209, %reduce_sum3A_210 [1] : vector<2048x8xf32> to vector<2048xf32>
    %broadcast_in_dim3A_212 = vector.shape_cast %reduce_sum3A_211 : vector<2048xf32> to vector<2048x1xf32>
    %add3A_213 = arith.addf %broadcast_in_dim3A_200, %broadcast_in_dim3A_212 : vector<2048x1xf32>
    %lt3A_214 = arith.constant 2.000000e+00 : f32
    %lt3A_215 = vector.broadcast %lt3A_214 : f32 to vector<2048x1xf32>
    %lt3A_216 = arith.cmpf olt, %add3A_213, %lt3A_215 : vector<2048x1xf32>
    %convert_element_type3A_217 = arith.extui %lt3A_216 : vector<2048x1xi1> to vector<2048x1xi32>
    %convert_element_type3A_218 = arith.sitofp %convert_element_type3A_217 : vector<2048x1xi32> to vector<2048x1xf32>
    %concatenate3A = tpu.concatenate %convert_element_type3A_36, %convert_element_type3A_62, %convert_element_type3A_88, %convert_element_type3A_114, %convert_element_type3A_140, %convert_element_type3A_166, %convert_element_type3A_192, %convert_element_type3A_218 in 1 : vector<2048x1xf32>, vector<2048x1xf32>, vector<2048x1xf32>, vector<2048x1xf32>, vector<2048x1xf32>, vector<2048x1xf32>, vector<2048x1xf32>, vector<2048x1xf32> -> vector<2048x8xf32>
    %mul3A = arith.mulf %div3A_16, %concatenate3A : vector<2048x8xf32>
    %reduce_sum3A_219 = arith.constant dense<0.000000e+00> : vector<2048xf32>
    %reduce_sum3A_220 = vector.multi_reduction <add>, %mul3A, %reduce_sum3A_219 [1] : vector<2048x8xf32> to vector<2048xf32>
    %broadcast_in_dim3A_221 = vector.shape_cast %reduce_sum3A_220 : vector<2048xf32> to vector<2048x1xf32>
    %div3A_222 = vector.broadcast %broadcast_in_dim3A_221 : vector<2048x1xf32> to vector<2048x8xf32>
    %div3A_223 = arith.divf %mul3A, %div3A_222 : vector<2048x8xf32>
    %iota3A_224 = tpu.iota {dimensions = array<i32: 0>} : vector<256x256xi32>
    %iota3A_225 = tpu.iota {dimensions = array<i32: 1>} : vector<256x256xi32>
    %lt3A_226 = arith.cmpi slt, %iota3A_225, %iota3A_224 : vector<256x256xi32>
    %convert_element_type3A_227 = arith.extui %lt3A_226 : vector<256x256xi1> to vector<256x256xi32>
    %convert_element_type3A_228 = arith.sitofp %convert_element_type3A_227 : vector<256x256xi32> to vector<256x256xf32>
    %convert_element_type3A_229 = arith.truncf %convert_element_type3A_228 : vector<256x256xf32> to vector<256x256xbf16>
    %broadcast_in_dim3A_230 = arith.constant 0.000000e+00 : f32
    %broadcast_in_dim3A_231 = vector.broadcast %broadcast_in_dim3A_230 : f32 to vector<1x8xf32>
    %slice3A_232 = vector.extract_strided_slice %concatenate3A {offsets = [0, 0], sizes = [256, 8], strides = [1, 1]} : vector<2048x8xf32> to vector<256x8xf32>
    %convert_element_type3A_233 = arith.truncf %slice3A_232 : vector<256x8xf32> to vector<256x8xbf16>
    %dot_general3A_234 = arith.constant dense<0.000000e+00> : vector<256x8xf32>
    %dot_general3A_235 = tpu.matmul %convert_element_type3A_229, %convert_element_type3A_233, %dot_general3A_234 {dimension_numbers = #tpu.dot_dimension_numbers<[1], [0], [0], [1], [0, 0, 1, 1], [], []>, transpose_lhs_hint = false} : vector<256x256xbf16>, vector<256x8xbf16>, vector<256x8xf32> -> vector<256x8xf32>
    %add3A_236 = vector.broadcast %broadcast_in_dim3A_231 : vector<1x8xf32> to vector<256x8xf32>
    %add3A_237 = arith.addf %dot_general3A_235, %add3A_236 : vector<256x8xf32>
    %reduce_sum3A_238 = arith.constant dense<0.000000e+00> : vector<8xf32>
    %reduce_sum3A_239 = vector.multi_reduction <add>, %slice3A_232, %reduce_sum3A_238 [0] : vector<256x8xf32> to vector<8xf32>
    %broadcast_in_dim3A_240 = vector.shape_cast %reduce_sum3A_239 : vector<8xf32> to vector<1x8xf32>
    %add3A_241 = arith.addf %broadcast_in_dim3A_231, %broadcast_in_dim3A_240 : vector<1x8xf32>
    %slice3A_242 = vector.extract_strided_slice %concatenate3A {offsets = [256, 0], sizes = [256, 8], strides = [1, 1]} : vector<2048x8xf32> to vector<256x8xf32>
    %convert_element_type3A_243 = arith.truncf %slice3A_242 : vector<256x8xf32> to vector<256x8xbf16>
    %dot_general3A_244 = arith.constant dense<0.000000e+00> : vector<256x8xf32>
    %dot_general3A_245 = tpu.matmul %convert_element_type3A_229, %convert_element_type3A_243, %dot_general3A_244 {dimension_numbers = #tpu.dot_dimension_numbers<[1], [0], [0], [1], [0, 0, 1, 1], [], []>, transpose_lhs_hint = false} : vector<256x256xbf16>, vector<256x8xbf16>, vector<256x8xf32> -> vector<256x8xf32>
    %add3A_246 = vector.broadcast %add3A_241 : vector<1x8xf32> to vector<256x8xf32>
    %add3A_247 = arith.addf %dot_general3A_245, %add3A_246 : vector<256x8xf32>
    %reduce_sum3A_248 = arith.constant dense<0.000000e+00> : vector<8xf32>
    %reduce_sum3A_249 = vector.multi_reduction <add>, %slice3A_242, %reduce_sum3A_248 [0] : vector<256x8xf32> to vector<8xf32>
    %broadcast_in_dim3A_250 = vector.shape_cast %reduce_sum3A_249 : vector<8xf32> to vector<1x8xf32>
    %add3A_251 = arith.addf %add3A_241, %broadcast_in_dim3A_250 : vector<1x8xf32>
    %slice3A_252 = vector.extract_strided_slice %concatenate3A {offsets = [512, 0], sizes = [256, 8], strides = [1, 1]} : vector<2048x8xf32> to vector<256x8xf32>
    %convert_element_type3A_253 = arith.truncf %slice3A_252 : vector<256x8xf32> to vector<256x8xbf16>
    %dot_general3A_254 = arith.constant dense<0.000000e+00> : vector<256x8xf32>
    %dot_general3A_255 = tpu.matmul %convert_element_type3A_229, %convert_element_type3A_253, %dot_general3A_254 {dimension_numbers = #tpu.dot_dimension_numbers<[1], [0], [0], [1], [0, 0, 1, 1], [], []>, transpose_lhs_hint = false} : vector<256x256xbf16>, vector<256x8xbf16>, vector<256x8xf32> -> vector<256x8xf32>
    %add3A_256 = vector.broadcast %add3A_251 : vector<1x8xf32> to vector<256x8xf32>
    %add3A_257 = arith.addf %dot_general3A_255, %add3A_256 : vector<256x8xf32>
    %reduce_sum3A_258 = arith.constant dense<0.000000e+00> : vector<8xf32>
    %reduce_sum3A_259 = vector.multi_reduction <add>, %slice3A_252, %reduce_sum3A_258 [0] : vector<256x8xf32> to vector<8xf32>
    %broadcast_in_dim3A_260 = vector.shape_cast %reduce_sum3A_259 : vector<8xf32> to vector<1x8xf32>
    %add3A_261 = arith.addf %add3A_251, %broadcast_in_dim3A_260 : vector<1x8xf32>
    %slice3A_262 = vector.extract_strided_slice %concatenate3A {offsets = [768, 0], sizes = [256, 8], strides = [1, 1]} : vector<2048x8xf32> to vector<256x8xf32>
    %convert_element_type3A_263 = arith.truncf %slice3A_262 : vector<256x8xf32> to vector<256x8xbf16>
    %dot_general3A_264 = arith.constant dense<0.000000e+00> : vector<256x8xf32>
    %dot_general3A_265 = tpu.matmul %convert_element_type3A_229, %convert_element_type3A_263, %dot_general3A_264 {dimension_numbers = #tpu.dot_dimension_numbers<[1], [0], [0], [1], [0, 0, 1, 1], [], []>, transpose_lhs_hint = false} : vector<256x256xbf16>, vector<256x8xbf16>, vector<256x8xf32> -> vector<256x8xf32>
    %add3A_266 = vector.broadcast %add3A_261 : vector<1x8xf32> to vector<256x8xf32>
    %add3A_267 = arith.addf %dot_general3A_265, %add3A_266 : vector<256x8xf32>
    %reduce_sum3A_268 = arith.constant dense<0.000000e+00> : vector<8xf32>
    %reduce_sum3A_269 = vector.multi_reduction <add>, %slice3A_262, %reduce_sum3A_268 [0] : vector<256x8xf32> to vector<8xf32>
    %broadcast_in_dim3A_270 = vector.shape_cast %reduce_sum3A_269 : vector<8xf32> to vector<1x8xf32>
    %add3A_271 = arith.addf %add3A_261, %broadcast_in_dim3A_270 : vector<1x8xf32>
    %slice3A_272 = vector.extract_strided_slice %concatenate3A {offsets = [1024, 0], sizes = [256, 8], strides = [1, 1]} : vector<2048x8xf32> to vector<256x8xf32>
    %convert_element_type3A_273 = arith.truncf %slice3A_272 : vector<256x8xf32> to vector<256x8xbf16>
    %dot_general3A_274 = arith.constant dense<0.000000e+00> : vector<256x8xf32>
    %dot_general3A_275 = tpu.matmul %convert_element_type3A_229, %convert_element_type3A_273, %dot_general3A_274 {dimension_numbers = #tpu.dot_dimension_numbers<[1], [0], [0], [1], [0, 0, 1, 1], [], []>, transpose_lhs_hint = false} : vector<256x256xbf16>, vector<256x8xbf16>, vector<256x8xf32> -> vector<256x8xf32>
    %add3A_276 = vector.broadcast %add3A_271 : vector<1x8xf32> to vector<256x8xf32>
    %add3A_277 = arith.addf %dot_general3A_275, %add3A_276 : vector<256x8xf32>
    %reduce_sum3A_278 = arith.constant dense<0.000000e+00> : vector<8xf32>
    %reduce_sum3A_279 = vector.multi_reduction <add>, %slice3A_272, %reduce_sum3A_278 [0] : vector<256x8xf32> to vector<8xf32>
    %broadcast_in_dim3A_280 = vector.shape_cast %reduce_sum3A_279 : vector<8xf32> to vector<1x8xf32>
    %add3A_281 = arith.addf %add3A_271, %broadcast_in_dim3A_280 : vector<1x8xf32>
    %slice3A_282 = vector.extract_strided_slice %concatenate3A {offsets = [1280, 0], sizes = [256, 8], strides = [1, 1]} : vector<2048x8xf32> to vector<256x8xf32>
    %convert_element_type3A_283 = arith.truncf %slice3A_282 : vector<256x8xf32> to vector<256x8xbf16>
    %dot_general3A_284 = arith.constant dense<0.000000e+00> : vector<256x8xf32>
    %dot_general3A_285 = tpu.matmul %convert_element_type3A_229, %convert_element_type3A_283, %dot_general3A_284 {dimension_numbers = #tpu.dot_dimension_numbers<[1], [0], [0], [1], [0, 0, 1, 1], [], []>, transpose_lhs_hint = false} : vector<256x256xbf16>, vector<256x8xbf16>, vector<256x8xf32> -> vector<256x8xf32>
    %add3A_286 = vector.broadcast %add3A_281 : vector<1x8xf32> to vector<256x8xf32>
    %add3A_287 = arith.addf %dot_general3A_285, %add3A_286 : vector<256x8xf32>
    %reduce_sum3A_288 = arith.constant dense<0.000000e+00> : vector<8xf32>
    %reduce_sum3A_289 = vector.multi_reduction <add>, %slice3A_282, %reduce_sum3A_288 [0] : vector<256x8xf32> to vector<8xf32>
    %broadcast_in_dim3A_290 = vector.shape_cast %reduce_sum3A_289 : vector<8xf32> to vector<1x8xf32>
    %add3A_291 = arith.addf %add3A_281, %broadcast_in_dim3A_290 : vector<1x8xf32>
    %slice3A_292 = vector.extract_strided_slice %concatenate3A {offsets = [1536, 0], sizes = [256, 8], strides = [1, 1]} : vector<2048x8xf32> to vector<256x8xf32>
    %convert_element_type3A_293 = arith.truncf %slice3A_292 : vector<256x8xf32> to vector<256x8xbf16>
    %dot_general3A_294 = arith.constant dense<0.000000e+00> : vector<256x8xf32>
    %dot_general3A_295 = tpu.matmul %convert_element_type3A_229, %convert_element_type3A_293, %dot_general3A_294 {dimension_numbers = #tpu.dot_dimension_numbers<[1], [0], [0], [1], [0, 0, 1, 1], [], []>, transpose_lhs_hint = false} : vector<256x256xbf16>, vector<256x8xbf16>, vector<256x8xf32> -> vector<256x8xf32>
    %add3A_296 = vector.broadcast %add3A_291 : vector<1x8xf32> to vector<256x8xf32>
    %add3A_297 = arith.addf %dot_general3A_295, %add3A_296 : vector<256x8xf32>
    %reduce_sum3A_298 = arith.constant dense<0.000000e+00> : vector<8xf32>
    %reduce_sum3A_299 = vector.multi_reduction <add>, %slice3A_292, %reduce_sum3A_298 [0] : vector<256x8xf32> to vector<8xf32>
    %broadcast_in_dim3A_300 = vector.shape_cast %reduce_sum3A_299 : vector<8xf32> to vector<1x8xf32>
    %add3A_301 = arith.addf %add3A_291, %broadcast_in_dim3A_300 : vector<1x8xf32>
    %slice3A_302 = vector.extract_strided_slice %concatenate3A {offsets = [1792, 0], sizes = [256, 8], strides = [1, 1]} : vector<2048x8xf32> to vector<256x8xf32>
    %convert_element_type3A_303 = arith.truncf %slice3A_302 : vector<256x8xf32> to vector<256x8xbf16>
    %dot_general3A_304 = arith.constant dense<0.000000e+00> : vector<256x8xf32>
    %dot_general3A_305 = tpu.matmul %convert_element_type3A_229, %convert_element_type3A_303, %dot_general3A_304 {dimension_numbers = #tpu.dot_dimension_numbers<[1], [0], [0], [1], [0, 0, 1, 1], [], []>, transpose_lhs_hint = false} : vector<256x256xbf16>, vector<256x8xbf16>, vector<256x8xf32> -> vector<256x8xf32>
    %add3A_306 = vector.broadcast %add3A_301 : vector<1x8xf32> to vector<256x8xf32>
    %add3A_307 = arith.addf %dot_general3A_305, %add3A_306 : vector<256x8xf32>
    %reduce_sum3A_308 = arith.constant dense<0.000000e+00> : vector<8xf32>
    %reduce_sum3A_309 = vector.multi_reduction <add>, %slice3A_302, %reduce_sum3A_308 [0] : vector<256x8xf32> to vector<8xf32>
    %broadcast_in_dim3A_310 = vector.shape_cast %reduce_sum3A_309 : vector<8xf32> to vector<1x8xf32>
    %add3A_311 = arith.addf %add3A_301, %broadcast_in_dim3A_310 : vector<1x8xf32>
    %concatenate3A_312 = tpu.concatenate %add3A_237, %add3A_247, %add3A_257, %add3A_267, %add3A_277, %add3A_287, %add3A_297, %add3A_307 in 0 : vector<256x8xf32>, vector<256x8xf32>, vector<256x8xf32>, vector<256x8xf32>, vector<256x8xf32>, vector<256x8xf32>, vector<256x8xf32>, vector<256x8xf32> -> vector<2048x8xf32>
    %add3A_313 = arith.constant 1.270000e+02 : f32
    %add3A_314 = vector.broadcast %add3A_313 : f32 to vector<1x8xf32>
    %add3A_315 = arith.addf %add3A_311, %add3A_314 : vector<1x8xf32>
    %mul3A_316 = arith.constant 7.812500e-03 : f32
    %mul3A_317 = vector.broadcast %mul3A_316 : f32 to vector<1x8xf32>
    %mul3A_318 = arith.mulf %add3A_315, %mul3A_317 : vector<1x8xf32>
    %floor3A = math.floor %mul3A_318 : vector<1x8xf32>
    %iota3A_319 = tpu.iota {dimensions = array<i32: 0>} : vector<8x8xi32>
    %iota3A_320 = tpu.iota {dimensions = array<i32: 1>} : vector<8x8xi32>
    %le3A = arith.cmpi sle, %iota3A_319, %iota3A_320 : vector<8x8xi32>
    %convert_element_type3A_321 = arith.extui %le3A : vector<8x8xi1> to vector<8x8xi32>
    %convert_element_type3A_322 = arith.sitofp %convert_element_type3A_321 : vector<8x8xi32> to vector<8x8xf32>
    %dot_general3A_323 = arith.constant dense<0.000000e+00> : vector<1x8xf32>
    %dot_general3A_324 = tpu.matmul %floor3A, %convert_element_type3A_322, %dot_general3A_323 {dimension_numbers = #tpu.dot_dimension_numbers<[1], [0], [0], [1], [0, 0, 1, 1], [], []>, transpose_lhs_hint = false} : vector<1x8xf32>, vector<8x8xf32>, vector<1x8xf32> -> vector<1x8xf32>
    %sub3A_325 = arith.subf %dot_general3A_324, %floor3A : vector<1x8xf32>
    %mul3A_326 = arith.constant 1.280000e+02 : f32
    %mul3A_327 = vector.broadcast %mul3A_326 : f32 to vector<1x8xf32>
    %mul3A_328 = arith.mulf %sub3A_325, %mul3A_327 : vector<1x8xf32>
    %add3A_329 = vector.broadcast %mul3A_328 : vector<1x8xf32> to vector<2048x8xf32>
    %add3A_330 = arith.addf %add3A_329, %concatenate3A_312 : vector<2048x8xf32>
    %iota3A_331 = tpu.iota {dimensions = array<i32: 1>} : vector<2048x8xi32>
    %convert_element_type3A_332 = arith.sitofp %iota3A_331 : vector<2048x8xi32> to vector<2048x8xf32>
    %gt3A_333 = arith.constant 0.000000e+00 : f32
    %gt3A_334 = vector.broadcast %gt3A_333 : f32 to vector<2048x8xf32>
    %gt3A_335 = arith.cmpf ogt, %concatenate3A, %gt3A_334 : vector<2048x8xf32>
    %jit3A = arith.constant 1.000000e+09 : f32
    %broadcast_in_dim3A_336 = vector.broadcast %jit3A : f32 to vector<2048x8xf32>
    %select_n3A = arith.select %gt3A_335, %convert_element_type3A_332, %broadcast_in_dim3A_336 : vector<2048x8xi1>, vector<2048x8xf32>
    %reduce_min3A = arith.constant dense<0x7F800000> : vector<2048xf32>
    %reduce_min3A_337 = vector.multi_reduction <minimumf>, %select_n3A, %reduce_min3A [1] : vector<2048x8xf32> to vector<2048xf32>
    %broadcast_in_dim3A_338 = vector.shape_cast %reduce_min3A_337 : vector<2048xf32> to vector<2048x1xf32>
    %gt3A_339 = arith.constant 0.000000e+00 : f32
    %gt3A_340 = vector.broadcast %gt3A_339 : f32 to vector<2048x8xf32>
    %gt3A_341 = arith.cmpf ogt, %concatenate3A, %gt3A_340 : vector<2048x8xf32>
    %jit3A_342 = arith.constant -1.000000e+00 : f32
    %broadcast_in_dim3A_343 = vector.broadcast %jit3A_342 : f32 to vector<2048x8xf32>
    %select_n3A_344 = arith.select %gt3A_341, %convert_element_type3A_332, %broadcast_in_dim3A_343 : vector<2048x8xi1>, vector<2048x8xf32>
    %reduce_max3A_345 = arith.constant dense<0xFF800000> : vector<2048xf32>
    %reduce_max3A_346 = vector.multi_reduction <maximumf>, %select_n3A_344, %reduce_max3A_345 [1] : vector<2048x8xf32> to vector<2048xf32>
    %broadcast_in_dim3A_347 = vector.shape_cast %reduce_max3A_346 : vector<2048xf32> to vector<2048x1xf32>
    %eq3A_348 = vector.broadcast %broadcast_in_dim3A_338 : vector<2048x1xf32> to vector<2048x8xf32>
    %eq3A_349 = arith.cmpf oeq, %convert_element_type3A_332, %eq3A_348 : vector<2048x8xf32>
    %convert_element_type3A_350 = arith.extui %eq3A_349 : vector<2048x8xi1> to vector<2048x8xi32>
    %convert_element_type3A_351 = arith.sitofp %convert_element_type3A_350 : vector<2048x8xi32> to vector<2048x8xf32>
    %eq3A_352 = vector.broadcast %broadcast_in_dim3A_347 : vector<2048x1xf32> to vector<2048x8xf32>
    %eq3A_353 = arith.cmpf oeq, %convert_element_type3A_332, %eq3A_352 : vector<2048x8xf32>
    %convert_element_type3A_354 = arith.extui %eq3A_353 : vector<2048x8xi1> to vector<2048x8xi32>
    %convert_element_type3A_355 = arith.sitofp %convert_element_type3A_354 : vector<2048x8xi32> to vector<2048x8xf32>
    %mul3A_356 = arith.mulf %add3A_330, %convert_element_type3A_351 : vector<2048x8xf32>
    %reduce_sum3A_357 = arith.constant dense<0.000000e+00> : vector<2048xf32>
    %reduce_sum3A_358 = vector.multi_reduction <add>, %mul3A_356, %reduce_sum3A_357 [1] : vector<2048x8xf32> to vector<2048xf32>
    %broadcast_in_dim3A_359 = vector.shape_cast %reduce_sum3A_358 : vector<2048xf32> to vector<2048x1xf32>
    %convert_element_type3A_360 = arith.fptosi %broadcast_in_dim3A_359 : vector<2048x1xf32> to vector<2048x1xi32>
    %swap3A = arith.constant 0 : index
    %swap3A_361 = arith.constant 0 : index
    %swap3A_362 = vector.load %arg3[%swap3A, %swap3A_361] : memref<2048x1xi32, #tpu.memory_space<vmem>>, vector<2048x1xi32>
    tpu.vector_store %arg3[%swap3A, %swap3A_361], %convert_element_type3A_360 {strides = array<i32>} : memref<2048x1xi32, #tpu.memory_space<vmem>>, vector<2048x1xi32>,
    %mul3A_363 = arith.mulf %add3A_330, %convert_element_type3A_355 : vector<2048x8xf32>
    %reduce_sum3A_364 = arith.constant dense<0.000000e+00> : vector<2048xf32>
    %reduce_sum3A_365 = vector.multi_reduction <add>, %mul3A_363, %reduce_sum3A_364 [1] : vector<2048x8xf32> to vector<2048xf32>
    %broadcast_in_dim3A_366 = vector.shape_cast %reduce_sum3A_365 : vector<2048xf32> to vector<2048x1xf32>
    %convert_element_type3A_367 = arith.fptosi %broadcast_in_dim3A_366 : vector<2048x1xf32> to vector<2048x1xi32>
    %swap3A_368 = arith.constant 0 : index
    %swap3A_369 = arith.constant 0 : index
    %swap3A_370 = vector.load %arg4[%swap3A_368, %swap3A_369] : memref<2048x1xi32, #tpu.memory_space<vmem>>, vector<2048x1xi32>
    tpu.vector_store %arg4[%swap3A_368, %swap3A_369], %convert_element_type3A_367 {strides = array<i32>} : memref<2048x1xi32, #tpu.memory_space<vmem>>, vector<2048x1xi32>,
    %mul3A_371 = arith.mulf %div3A_223, %convert_element_type3A_351 : vector<2048x8xf32>
    %reduce_sum3A_372 = arith.constant dense<0.000000e+00> : vector<2048xf32>
    %reduce_sum3A_373 = vector.multi_reduction <add>, %mul3A_371, %reduce_sum3A_372 [1] : vector<2048x8xf32> to vector<2048xf32>
    %broadcast_in_dim3A_374 = vector.shape_cast %reduce_sum3A_373 : vector<2048xf32> to vector<2048x1xf32>
    %swap3A_375 = arith.constant 0 : index
    %swap3A_376 = arith.constant 0 : index
    %swap3A_377 = vector.load %arg5[%swap3A_375, %swap3A_376] : memref<2048x1xf32, #tpu.memory_space<vmem>>, vector<2048x1xf32>
    tpu.vector_store %arg5[%swap3A_375, %swap3A_376], %broadcast_in_dim3A_374 {strides = array<i32>} : memref<2048x1xf32, #tpu.memory_space<vmem>>, vector<2048x1xf32>,
    %mul3A_378 = arith.mulf %div3A_223, %convert_element_type3A_355 : vector<2048x8xf32>
    %reduce_sum3A_379 = arith.constant dense<0.000000e+00> : vector<2048xf32>
    %reduce_sum3A_380 = vector.multi_reduction <add>, %mul3A_378, %reduce_sum3A_379 [1] : vector<2048x8xf32> to vector<2048xf32>
    %broadcast_in_dim3A_381 = vector.shape_cast %reduce_sum3A_380 : vector<2048xf32> to vector<2048x1xf32>
    %swap3A_382 = arith.constant 0 : index
    %swap3A_383 = arith.constant 0 : index
    %swap3A_384 = vector.load %arg6[%swap3A_382, %swap3A_383] : memref<2048x1xf32, #tpu.memory_space<vmem>>, vector<2048x1xf32>
    tpu.vector_store %arg6[%swap3A_382, %swap3A_383], %broadcast_in_dim3A_381 {strides = array<i32>} : memref<2048x1xf32, #tpu.memory_space<vmem>>, vector<2048x1xf32>,
    %iota3A_385 = tpu.iota {dimensions = array<i32: 1>} : vector<1x40xi32>
    %convert_element_type3A_386 = arith.sitofp %iota3A_385 : vector<1x40xi32> to vector<1x40xf32>
    %broadcast_in_dim3A_387 = arith.constant 0.000000e+00 : f32
    %broadcast_in_dim3A_388 = vector.broadcast %broadcast_in_dim3A_387 : f32 to vector<1x40xf32>
    %slice3A_389 = vector.extract_strided_slice %dot_general3A_324 {offsets = [0, 0], sizes = [1, 1], strides = [1, 1]} : vector<1x8xf32> to vector<1x1xf32>
    %ge3A = vector.broadcast %slice3A_389 : vector<1x1xf32> to vector<1x40xf32>
    %ge3A_390 = arith.cmpf oge, %convert_element_type3A_386, %ge3A : vector<1x40xf32>
    %convert_element_type3A_391 = arith.extui %ge3A_390 : vector<1x40xi1> to vector<1x40xi32>
    %convert_element_type3A_392 = arith.sitofp %convert_element_type3A_391 : vector<1x40xi32> to vector<1x40xf32>
    %add3A_393 = arith.addf %broadcast_in_dim3A_388, %convert_element_type3A_392 : vector<1x40xf32>
    %slice3A_394 = vector.extract_strided_slice %dot_general3A_324 {offsets = [0, 1], sizes = [1, 1], strides = [1, 1]} : vector<1x8xf32> to vector<1x1xf32>
    %ge3A_395 = vector.broadcast %slice3A_394 : vector<1x1xf32> to vector<1x40xf32>
    %ge3A_396 = arith.cmpf oge, %convert_element_type3A_386, %ge3A_395 : vector<1x40xf32>
    %convert_element_type3A_397 = arith.extui %ge3A_396 : vector<1x40xi1> to vector<1x40xi32>
    %convert_element_type3A_398 = arith.sitofp %convert_element_type3A_397 : vector<1x40xi32> to vector<1x40xf32>
    %add3A_399 = arith.addf %add3A_393, %convert_element_type3A_398 : vector<1x40xf32>
    %slice3A_400 = vector.extract_strided_slice %dot_general3A_324 {offsets = [0, 2], sizes = [1, 1], strides = [1, 1]} : vector<1x8xf32> to vector<1x1xf32>
    %ge3A_401 = vector.broadcast %slice3A_400 : vector<1x1xf32> to vector<1x40xf32>
    %ge3A_402 = arith.cmpf oge, %convert_element_type3A_386, %ge3A_401 : vector<1x40xf32>
    %convert_element_type3A_403 = arith.extui %ge3A_402 : vector<1x40xi1> to vector<1x40xi32>
    %convert_element_type3A_404 = arith.sitofp %convert_element_type3A_403 : vector<1x40xi32> to vector<1x40xf32>
    %add3A_405 = arith.addf %add3A_399, %convert_element_type3A_404 : vector<1x40xf32>
    %slice3A_406 = vector.extract_strided_slice %dot_general3A_324 {offsets = [0, 3], sizes = [1, 1], strides = [1, 1]} : vector<1x8xf32> to vector<1x1xf32>
    %ge3A_407 = vector.broadcast %slice3A_406 : vector<1x1xf32> to vector<1x40xf32>
    %ge3A_408 = arith.cmpf oge, %convert_element_type3A_386, %ge3A_407 : vector<1x40xf32>
    %convert_element_type3A_409 = arith.extui %ge3A_408 : vector<1x40xi1> to vector<1x40xi32>
    %convert_element_type3A_410 = arith.sitofp %convert_element_type3A_409 : vector<1x40xi32> to vector<1x40xf32>
    %add3A_411 = arith.addf %add3A_405, %convert_element_type3A_410 : vector<1x40xf32>
    %slice3A_412 = vector.extract_strided_slice %dot_general3A_324 {offsets = [0, 4], sizes = [1, 1], strides = [1, 1]} : vector<1x8xf32> to vector<1x1xf32>
    %ge3A_413 = vector.broadcast %slice3A_412 : vector<1x1xf32> to vector<1x40xf32>
    %ge3A_414 = arith.cmpf oge, %convert_element_type3A_386, %ge3A_413 : vector<1x40xf32>
    %convert_element_type3A_415 = arith.extui %ge3A_414 : vector<1x40xi1> to vector<1x40xi32>
    %convert_element_type3A_416 = arith.sitofp %convert_element_type3A_415 : vector<1x40xi32> to vector<1x40xf32>
    %add3A_417 = arith.addf %add3A_411, %convert_element_type3A_416 : vector<1x40xf32>
    %slice3A_418 = vector.extract_strided_slice %dot_general3A_324 {offsets = [0, 5], sizes = [1, 1], strides = [1, 1]} : vector<1x8xf32> to vector<1x1xf32>
    %ge3A_419 = vector.broadcast %slice3A_418 : vector<1x1xf32> to vector<1x40xf32>
    %ge3A_420 = arith.cmpf oge, %convert_element_type3A_386, %ge3A_419 : vector<1x40xf32>
    %convert_element_type3A_421 = arith.extui %ge3A_420 : vector<1x40xi1> to vector<1x40xi32>
    %convert_element_type3A_422 = arith.sitofp %convert_element_type3A_421 : vector<1x40xi32> to vector<1x40xf32>
    %add3A_423 = arith.addf %add3A_417, %convert_element_type3A_422 : vector<1x40xf32>
    %slice3A_424 = vector.extract_strided_slice %dot_general3A_324 {offsets = [0, 6], sizes = [1, 1], strides = [1, 1]} : vector<1x8xf32> to vector<1x1xf32>
    %ge3A_425 = vector.broadcast %slice3A_424 : vector<1x1xf32> to vector<1x40xf32>
    %ge3A_426 = arith.cmpf oge, %convert_element_type3A_386, %ge3A_425 : vector<1x40xf32>
    %convert_element_type3A_427 = arith.extui %ge3A_426 : vector<1x40xi1> to vector<1x40xi32>
    %convert_element_type3A_428 = arith.sitofp %convert_element_type3A_427 : vector<1x40xi32> to vector<1x40xf32>
    %add3A_429 = arith.addf %add3A_423, %convert_element_type3A_428 : vector<1x40xf32>
    %slice3A_430 = vector.extract_strided_slice %dot_general3A_324 {offsets = [0, 7], sizes = [1, 1], strides = [1, 1]} : vector<1x8xf32> to vector<1x1xf32>
    %ge3A_431 = vector.broadcast %slice3A_430 : vector<1x1xf32> to vector<1x40xf32>
    %ge3A_432 = arith.cmpf oge, %convert_element_type3A_386, %ge3A_431 : vector<1x40xf32>
    %convert_element_type3A_433 = arith.extui %ge3A_432 : vector<1x40xi1> to vector<1x40xi32>
    %convert_element_type3A_434 = arith.sitofp %convert_element_type3A_433 : vector<1x40xi32> to vector<1x40xf32>
    %add3A_435 = arith.addf %add3A_429, %convert_element_type3A_434 : vector<1x40xf32>
    %min3A = arith.constant 7.000000e+00 : f32
    %min3A_436 = vector.broadcast %min3A : f32 to vector<1x40xf32>
    %min3A_437 = arith.minimumf %add3A_435, %min3A_436 : vector<1x40xf32>
    %convert_element_type3A_438 = arith.fptosi %min3A_437 : vector<1x40xf32> to vector<1x40xi32>
    %swap3A_439 = arith.constant 0 : index
    %swap3A_440 = arith.constant 0 : index
    %swap3A_441 = vector.load %arg7[%swap3A_439, %swap3A_440] : memref<1x40xi32, #tpu.memory_space<vmem>>, vector<1x40xi32>
    tpu.vector_store %arg7[%swap3A_439, %swap3A_440], %convert_element_type3A_438 {strides = array<i32>} : memref<1x40xi32, #tpu.memory_space<vmem>>, vector<1x40xi32>,
    %slice3A_442 = vector.extract_strided_slice %dot_general3A_324 {offsets = [0, 7], sizes = [1, 1], strides = [1, 1]} : vector<1x8xf32> to vector<1x1xf32>
    %lt3A_443 = vector.broadcast %slice3A_442 : vector<1x1xf32> to vector<1x40xf32>
    %lt3A_444 = arith.cmpf olt, %convert_element_type3A_386, %lt3A_443 : vector<1x40xf32>
    %convert_element_type3A_445 = arith.extui %lt3A_444 : vector<1x40xi1> to vector<1x40xi32>
    %swap3A_446 = arith.constant 0 : index
    %swap3A_447 = arith.constant 0 : index
    %swap3A_448 = vector.load %arg8[%swap3A_446, %swap3A_447] : memref<1x40xi32, #tpu.memory_space<vmem>>, vector<1x40xi32>
    tpu.vector_store %arg8[%swap3A_446, %swap3A_447], %convert_element_type3A_445 {strides = array<i32>} : memref<1x40xi32, #tpu.memory_space<vmem>>, vector<1x40xi32>,
    return
  }
}

module attributes {stable_mosaic.version = 14 : i64} {
  func.func @_expert_body(%arg0: i32, %arg1: memref<40xi32, #tpu.memory_space<smem>>, %arg2: memref<40xi32, #tpu.memory_space<smem>>, %arg3: memref<128x1024xf32, #tpu.memory_space<vmem>>, %arg4: memref<128x1xf32, #tpu.memory_space<vmem>>, %arg5: memref<1x1024x1024xf32, #tpu.memory_space<vmem>>, %arg6: memref<1x1x1024xf32, #tpu.memory_space<vmem>>, %arg7: memref<1x1x1024xf32, #tpu.memory_space<vmem>>, %arg8: memref<1x1x1024xf32, #tpu.memory_space<vmem>>, %arg9: memref<1x1024x1024xf32, #tpu.memory_space<vmem>>, %arg10: memref<1x1x1024xf32, #tpu.memory_space<vmem>>, %arg11: memref<128x1024xf32, #tpu.memory_space<vmem>>) attributes {dimension_semantics = [#tpu.dimension_semantics<arbitrary>], iteration_bounds = array<i64: 40>, scalar_prefetch = 2 : i64, scratch_operands = 0 : i64, tpu.core_type = #tpu.core_type<tc>, window_params = [{transform_indices = @transform_0, window_bounds = array<i64: 128, 1024>}, {transform_indices = @transform_1, window_bounds = array<i64: 128, 1>}, {transform_indices = @transform_2, window_bounds = array<i64: 1, 1024, 1024>}, {transform_indices = @transform_3, window_bounds = array<i64: 1, 1, 1024>}, {transform_indices = @transform_4, window_bounds = array<i64: 1, 1, 1024>}, {transform_indices = @transform_5, window_bounds = array<i64: 1, 1, 1024>}, {transform_indices = @transform_6, window_bounds = array<i64: 1, 1024, 1024>}, {transform_indices = @transform_7, window_bounds = array<i64: 1, 1, 1024>}, {transform_indices = @transform_8, window_bounds = array<i64: 128, 1024>}]} {
    %get3A = arith.index_cast %arg0 : i32 to index
    %get3A_0 = memref.load %arg2[%get3A] : memref<40xi32, #tpu.memory_space<smem>>
    %eq3A = arith.constant 1 : i32
    %eq3A_1 = arith.cmpi eq, %get3A_0, %eq3A : i32
    %convert_element_type3A = arith.extui %eq3A_1 : i1 to i32
    %cond3A = arith.constant 0 : i32
    %cond3A_2 = arith.cmpi ne, %convert_element_type3A, %cond3A : i32
    scf.if %cond3A_2 {
      %get3A_3 = arith.constant 0 : index
      %get3A_4 = arith.constant 0 : index
      %get3A_5 = vector.load %arg3[%get3A_3, %get3A_4] : memref<128x1024xf32, #tpu.memory_space<vmem>>, vector<128x1024xf32>
      %convert_element_type3A_6 = arith.truncf %get3A_5 : vector<128x1024xf32> to vector<128x1024xbf16>
      %get3A_7 = arith.constant 0 : index
      %get3A_8 = arith.constant 0 : index
      %get3A_9 = arith.constant 0 : index
      %get3A_10 = vector.load %arg5[%get3A_7, %get3A_8, %get3A_9] : memref<1x1024x1024xf32, #tpu.memory_space<vmem>>, vector<1x1024x1024xf32>
      %get3A_11 = vector.shape_cast %get3A_10 : vector<1x1024x1024xf32> to vector<1024x1024xf32>
      %convert_element_type3A_12 = arith.truncf %get3A_11 : vector<1024x1024xf32> to vector<1024x1024xbf16>
      %dot_general3A = arith.constant dense<0.000000e+00> : vector<128x1024xf32>
      %dot_general3A_13 = tpu.matmul %convert_element_type3A_6, %convert_element_type3A_12, %dot_general3A {dimension_numbers = #tpu.dot_dimension_numbers<[1], [0], [0], [1], [0, 0, 1, 1], [], []>, transpose_lhs_hint = false} : vector<128x1024xbf16>, vector<1024x1024xbf16>, vector<128x1024xf32> -> vector<128x1024xf32>
      %get3A_14 = arith.constant 0 : index
      %get3A_15 = arith.constant 0 : index
      %get3A_16 = arith.constant 0 : index
      %get3A_17 = vector.load %arg6[%get3A_14, %get3A_15, %get3A_16] : memref<1x1x1024xf32, #tpu.memory_space<vmem>>, vector<1x1x1024xf32>
      %get3A_18 = vector.shape_cast %get3A_17 : vector<1x1x1024xf32> to vector<1x1024xf32>
      %add3A = vector.broadcast %get3A_18 : vector<1x1024xf32> to vector<128x1024xf32>
      %add3A_19 = arith.addf %dot_general3A_13, %add3A : vector<128x1024xf32>
      %reduce_sum3A = arith.constant dense<0.000000e+00> : vector<128xf32>
      %reduce_sum3A_20 = vector.multi_reduction <add>, %add3A_19, %reduce_sum3A [1] : vector<128x1024xf32> to vector<128xf32>
      %broadcast_in_dim3A = vector.shape_cast %reduce_sum3A_20 : vector<128xf32> to vector<128x1xf32>
      %div3A = arith.constant 1.024000e+03 : f32
      %div3A_21 = vector.broadcast %div3A : f32 to vector<128x1xf32>
      %div3A_22 = arith.divf %broadcast_in_dim3A, %div3A_21 : vector<128x1xf32>
      %sub3A = vector.broadcast %div3A_22 : vector<128x1xf32> to vector<128x1024xf32>
      %sub3A_23 = arith.subf %add3A_19, %sub3A : vector<128x1024xf32>
      %sub3A_24 = vector.broadcast %div3A_22 : vector<128x1xf32> to vector<128x1024xf32>
      %sub3A_25 = arith.subf %add3A_19, %sub3A_24 : vector<128x1024xf32>
      %mul3A = arith.mulf %sub3A_23, %sub3A_25 : vector<128x1024xf32>
      %reduce_sum3A_26 = arith.constant dense<0.000000e+00> : vector<128xf32>
      %reduce_sum3A_27 = vector.multi_reduction <add>, %mul3A, %reduce_sum3A_26 [1] : vector<128x1024xf32> to vector<128xf32>
      %broadcast_in_dim3A_28 = vector.shape_cast %reduce_sum3A_27 : vector<128xf32> to vector<128x1xf32>
      %div3A_29 = arith.constant 1.024000e+03 : f32
      %div3A_30 = vector.broadcast %div3A_29 : f32 to vector<128x1xf32>
      %div3A_31 = arith.divf %broadcast_in_dim3A_28, %div3A_30 : vector<128x1xf32>
      %sub3A_32 = vector.broadcast %div3A_22 : vector<128x1xf32> to vector<128x1024xf32>
      %sub3A_33 = arith.subf %add3A_19, %sub3A_32 : vector<128x1024xf32>
      %add3A_34 = arith.constant 9.99999974E-6 : f32
      %add3A_35 = vector.broadcast %add3A_34 : f32 to vector<128x1xf32>
      %add3A_36 = arith.addf %div3A_31, %add3A_35 : vector<128x1xf32>
      %rsqrt3A = math.rsqrt %add3A_36 : vector<128x1xf32>
      %mul3A_37 = vector.broadcast %rsqrt3A : vector<128x1xf32> to vector<128x1024xf32>
      %mul3A_38 = arith.mulf %sub3A_33, %mul3A_37 : vector<128x1024xf32>
      %get3A_39 = arith.constant 0 : index
      %get3A_40 = arith.constant 0 : index
      %get3A_41 = arith.constant 0 : index
      %get3A_42 = vector.load %arg7[%get3A_39, %get3A_40, %get3A_41] : memref<1x1x1024xf32, #tpu.memory_space<vmem>>, vector<1x1x1024xf32>
      %get3A_43 = vector.shape_cast %get3A_42 : vector<1x1x1024xf32> to vector<1x1024xf32>
      %mul3A_44 = vector.broadcast %get3A_43 : vector<1x1024xf32> to vector<128x1024xf32>
      %mul3A_45 = arith.mulf %mul3A_38, %mul3A_44 : vector<128x1024xf32>
      %get3A_46 = arith.constant 0 : index
      %get3A_47 = arith.constant 0 : index
      %get3A_48 = arith.constant 0 : index
      %get3A_49 = vector.load %arg8[%get3A_46, %get3A_47, %get3A_48] : memref<1x1x1024xf32, #tpu.memory_space<vmem>>, vector<1x1x1024xf32>
      %get3A_50 = vector.shape_cast %get3A_49 : vector<1x1x1024xf32> to vector<1x1024xf32>
      %add3A_51 = vector.broadcast %get3A_50 : vector<1x1024xf32> to vector<128x1024xf32>
      %add3A_52 = arith.addf %mul3A_45, %add3A_51 : vector<128x1024xf32>
      %mul3A_53 = arith.constant 5.000000e-01 : f32
      %mul3A_54 = vector.broadcast %mul3A_53 : f32 to vector<128x1024xf32>
      %mul3A_55 = arith.mulf %add3A_52, %mul3A_54 : vector<128x1024xf32>
      %mul3A_56 = arith.constant 0.707106769 : f32
      %mul3A_57 = vector.broadcast %mul3A_56 : f32 to vector<128x1024xf32>
      %mul3A_58 = arith.mulf %add3A_52, %mul3A_57 : vector<128x1024xf32>
      %erf3A = math.erf %mul3A_58 : vector<128x1024xf32>
      %add3A_59 = arith.constant 1.000000e+00 : f32
      %add3A_60 = vector.broadcast %add3A_59 : f32 to vector<128x1024xf32>
      %add3A_61 = arith.addf %add3A_60, %erf3A : vector<128x1024xf32>
      %mul3A_62 = arith.mulf %mul3A_55, %add3A_61 : vector<128x1024xf32>
      %convert_element_type3A_63 = arith.truncf %mul3A_62 : vector<128x1024xf32> to vector<128x1024xbf16>
      %get3A_64 = arith.constant 0 : index
      %get3A_65 = arith.constant 0 : index
      %get3A_66 = arith.constant 0 : index
      %get3A_67 = vector.load %arg9[%get3A_64, %get3A_65, %get3A_66] : memref<1x1024x1024xf32, #tpu.memory_space<vmem>>, vector<1x1024x1024xf32>
      %get3A_68 = vector.shape_cast %get3A_67 : vector<1x1024x1024xf32> to vector<1024x1024xf32>
      %convert_element_type3A_69 = arith.truncf %get3A_68 : vector<1024x1024xf32> to vector<1024x1024xbf16>
      %dot_general3A_70 = arith.constant dense<0.000000e+00> : vector<128x1024xf32>
      %dot_general3A_71 = tpu.matmul %convert_element_type3A_63, %convert_element_type3A_69, %dot_general3A_70 {dimension_numbers = #tpu.dot_dimension_numbers<[1], [0], [0], [1], [0, 0, 1, 1], [], []>, transpose_lhs_hint = false} : vector<128x1024xbf16>, vector<1024x1024xbf16>, vector<128x1024xf32> -> vector<128x1024xf32>
      %get3A_72 = arith.constant 0 : index
      %get3A_73 = arith.constant 0 : index
      %get3A_74 = arith.constant 0 : index
      %get3A_75 = vector.load %arg10[%get3A_72, %get3A_73, %get3A_74] : memref<1x1x1024xf32, #tpu.memory_space<vmem>>, vector<1x1x1024xf32>
      %get3A_76 = vector.shape_cast %get3A_75 : vector<1x1x1024xf32> to vector<1x1024xf32>
      %add3A_77 = vector.broadcast %get3A_76 : vector<1x1024xf32> to vector<128x1024xf32>
      %add3A_78 = arith.addf %dot_general3A_71, %add3A_77 : vector<128x1024xf32>
      %get3A_79 = arith.constant 0 : index
      %get3A_80 = arith.constant 0 : index
      %get3A_81 = vector.load %arg4[%get3A_79, %get3A_80] : memref<128x1xf32, #tpu.memory_space<vmem>>, vector<128x1xf32>
      %gt3A = arith.constant 0.000000e+00 : f32
      %gt3A_82 = vector.broadcast %gt3A : f32 to vector<128x1xf32>
      %gt3A_83 = arith.cmpf ogt, %get3A_81, %gt3A_82 : vector<128x1xf32>
      %mul3A_84 = vector.broadcast %get3A_81 : vector<128x1xf32> to vector<128x1024xf32>
      %mul3A_85 = arith.mulf %add3A_78, %mul3A_84 : vector<128x1024xf32>
      %jit3A = arith.constant 0.000000e+00 : f32
      %broadcast_in_dim3A_86 = vector.shape_cast %gt3A_83 : vector<128x1xi1> to vector<128x1xi1>
      %broadcast_in_dim3A_87 = vector.broadcast %broadcast_in_dim3A_86 : vector<128x1xi1> to vector<128x1024xi1>
      %broadcast_in_dim3A_88 = vector.broadcast %jit3A : f32 to vector<128x1024xf32>
      %select_n3A = arith.select %broadcast_in_dim3A_87, %mul3A_85, %broadcast_in_dim3A_88 : vector<128x1024xi1>, vector<128x1024xf32>
      %swap3A = arith.constant 0 : index
      %swap3A_89 = arith.constant 0 : index
      %swap3A_90 = vector.load %arg11[%swap3A, %swap3A_89] : memref<128x1024xf32, #tpu.memory_space<vmem>>, vector<128x1024xf32>
      tpu.vector_store %arg11[%swap3A, %swap3A_89], %select_n3A {strides = array<i32>} : memref<128x1024xf32, #tpu.memory_space<vmem>>, vector<128x1024xf32>,
    } else {
    }
    return
  }
  func.func @transform_0(%arg0: i32, %arg1: memref<40xi32, #tpu.memory_space<smem>>, %arg2: memref<40xi32, #tpu.memory_space<smem>>) -> (i32, i32) {
    %c0_i32 = arith.constant 0 : i32
    %c0_i32_0 = arith.constant 0 : i32
    return %arg0, %c0_i32 : i32, i32
  }
  func.func @transform_1(%arg0: i32, %arg1: memref<40xi32, #tpu.memory_space<smem>>, %arg2: memref<40xi32, #tpu.memory_space<smem>>) -> (i32, i32) {
    %c0_i32 = arith.constant 0 : i32
    %c0_i32_0 = arith.constant 0 : i32
    return %arg0, %c0_i32 : i32, i32
  }
  func.func @transform_2(%arg0: i32, %arg1: memref<40xi32, #tpu.memory_space<smem>>, %arg2: memref<40xi32, #tpu.memory_space<smem>>) -> (i32, i32, i32) {
    %get3A = arith.index_cast %arg0 : i32 to index
    %get3A_0 = memref.load %arg1[%get3A] : memref<40xi32, #tpu.memory_space<smem>>
    %c0_i32 = arith.constant 0 : i32
    %c0_i32_1 = arith.constant 0 : i32
    %c0_i32_2 = arith.constant 0 : i32
    return %get3A_0, %c0_i32, %c0_i32_1 : i32, i32, i32
  }
  func.func @transform_3(%arg0: i32, %arg1: memref<40xi32, #tpu.memory_space<smem>>, %arg2: memref<40xi32, #tpu.memory_space<smem>>) -> (i32, i32, i32) {
    %get3A = arith.index_cast %arg0 : i32 to index
    %get3A_0 = memref.load %arg1[%get3A] : memref<40xi32, #tpu.memory_space<smem>>
    %c0_i32 = arith.constant 0 : i32
    %c0_i32_1 = arith.constant 0 : i32
    %c0_i32_2 = arith.constant 0 : i32
    return %get3A_0, %c0_i32, %c0_i32_1 : i32, i32, i32
  }
  func.func @transform_4(%arg0: i32, %arg1: memref<40xi32, #tpu.memory_space<smem>>, %arg2: memref<40xi32, #tpu.memory_space<smem>>) -> (i32, i32, i32) {
    %get3A = arith.index_cast %arg0 : i32 to index
    %get3A_0 = memref.load %arg1[%get3A] : memref<40xi32, #tpu.memory_space<smem>>
    %c0_i32 = arith.constant 0 : i32
    %c0_i32_1 = arith.constant 0 : i32
    %c0_i32_2 = arith.constant 0 : i32
    return %get3A_0, %c0_i32, %c0_i32_1 : i32, i32, i32
  }
  func.func @transform_5(%arg0: i32, %arg1: memref<40xi32, #tpu.memory_space<smem>>, %arg2: memref<40xi32, #tpu.memory_space<smem>>) -> (i32, i32, i32) {
    %get3A = arith.index_cast %arg0 : i32 to index
    %get3A_0 = memref.load %arg1[%get3A] : memref<40xi32, #tpu.memory_space<smem>>
    %c0_i32 = arith.constant 0 : i32
    %c0_i32_1 = arith.constant 0 : i32
    %c0_i32_2 = arith.constant 0 : i32
    return %get3A_0, %c0_i32, %c0_i32_1 : i32, i32, i32
  }
  func.func @transform_6(%arg0: i32, %arg1: memref<40xi32, #tpu.memory_space<smem>>, %arg2: memref<40xi32, #tpu.memory_space<smem>>) -> (i32, i32, i32) {
    %get3A = arith.index_cast %arg0 : i32 to index
    %get3A_0 = memref.load %arg1[%get3A] : memref<40xi32, #tpu.memory_space<smem>>
    %c0_i32 = arith.constant 0 : i32
    %c0_i32_1 = arith.constant 0 : i32
    %c0_i32_2 = arith.constant 0 : i32
    return %get3A_0, %c0_i32, %c0_i32_1 : i32, i32, i32
  }
  func.func @transform_7(%arg0: i32, %arg1: memref<40xi32, #tpu.memory_space<smem>>, %arg2: memref<40xi32, #tpu.memory_space<smem>>) -> (i32, i32, i32) {
    %get3A = arith.index_cast %arg0 : i32 to index
    %get3A_0 = memref.load %arg1[%get3A] : memref<40xi32, #tpu.memory_space<smem>>
    %c0_i32 = arith.constant 0 : i32
    %c0_i32_1 = arith.constant 0 : i32
    %c0_i32_2 = arith.constant 0 : i32
    return %get3A_0, %c0_i32, %c0_i32_1 : i32, i32, i32
  }
  func.func @transform_8(%arg0: i32, %arg1: memref<40xi32, #tpu.memory_space<smem>>, %arg2: memref<40xi32, #tpu.memory_space<smem>>) -> (i32, i32) {
    %c0_i32 = arith.constant 0 : i32
    %c0_i32_0 = arith.constant 0 : i32
    return %arg0, %c0_i32 : i32, i32
  }
}

</mosaic_0001>

<sc_bundles>
// kernel: kernel.6.cloned.1.call-start
scs
__scs_entry_jumppad:
0x0: {  	(pc) =	sbr.rel $0x88, $3  }
0x1: {  	(tag) =	ssettag $0x0;
	lr =	simm.s32 $0x1  }
0x2: {  	[smem:$0x3F98] =	sst lr;
	_ =	strace $0xD0000000  }
0x3: {  	_ = 	snop  }
0x4: {  	_ = 	snop  }
0x5: {  	_ = 	snop  }
0x6: {  	_ = 	snop  }
0x7: {  	_ = 	snop  }
__scs_overlays_trampoline_lowered:
0x8: {  	[smem:$0x3FA7] =	sst s0  }
0x9: {  	[smem:$0x3FA8] =	sst s1  }
0xa: {  	[smem:$0x3FA9] =	sst s2  }
0xb: {  	[smem:$0x3FAA] =	sst s3  }
0xc: {  	[smem:$0x3FAB] =	sst s4  }
0xd: {  	[smem:$0x3FAC] =	sst s5  }
0xe: {  	[smem:$0x3FAD] =	sst s6  }
0xf: {  	[smem:$0x3FAE] =	sst s7  }
0x10: {  	[smem:$0x3FAF] =	sst s8  }
0x11: {  	[smem:$0x3FB0] =	sst s9;
	s0 =	simm.s32 @!p0 $0x0  }
0x12: {  	s1 =	sld [smem:$0x3F96];
	s0 =	simm.s32 @p0 $0x1  }
0x13: {  	[smem:$0x3FB1] =	sst s0;
	s0 =	simm.s32 @!p1 $0x0  }
0x14: {  	s2 =	sld [smem:$0x3F95];
	s0 =	simm.s32 @p1 $0x1  }
0x15: {  	[smem:$0x3FB2] =	sst s0;
	s0 =	simm.s32 @!p2 $0x0  }
0x16: {  	s3 =	sld [smem:$0x3FDB];
	s0 =	simm.s32 @p2 $0x1  }
0x17: {  	s4 =	simm.s32 $0x1BF5;
	[smem:$0x3FB4] =	sst s0  }
0x18: {  	s0 =	sld [smem:$0x3F97];
	_ =	swait.ge [sflag:s4], $0x0  }
0x19: {  	s7 =	sld [smem:$0x3F98]  }
0x1a: {  	s8 =	sadd.s32 $0xFFFFE003, lr  }
0x1b: {  	s9 =	sadd.s32 $0xFFFFFEF7, lr;
	s5 =	simm.s32 $0xFFFFFFFF;
	p2 =	slt.u32 s8, $0xFFFFF086  }
0x1c: {  	p1 =	slt.u32 s9, $0xF7A;
	s5 =	simm.s32 @!p2 $0x0  }
0x1d: {  	s5 =	simm.s32 @p1 $0x1;
	p0 =	seq.s32 s7, s2  }
0x1e: {  	s7 =	smul.u32 @!p0 $0xF7A, s2;
	p2 =	seq.s32 @!p0 s5, $0x0  }
0x1f: {  	s9 =	smul.u32 $0xF7A, s1;
	s8 =	simm.s32 @!p0 $0x1BF5;
	p2 =	por !p2, p0  }
0x20: {  	[sflag:s8] =	ssyncset.s32 @!p0 $0xFFFFF086;
	s6 =	sadd.s32 @!p0 s3, s7;
	s7 =	simm.s32 @!p0 $0x108  }
0x21: {  	s3 =	sadd.s32 s3, s9;
	s6 =	sadd.s32 @!p0 $0x88, s6;
	s7 =	simm.s32 @p2 $0x1082  }
0x22: {  	[simem:s7], [sflag:s8] =	dma.local @!p0 [hbm:s6], $0xF7A  }
0x23: {  	s9 =	sor.u32 $0xD0000000, s2;
	s6 =	simm.s32 $0x108;
	_ =	swait.ge @!p0 [sflag:s8], $0x0  }
0x24: {  	s3 =	sadd.s32 $0x88, s3;
	s6 =	simm.s32 @!p1 $0x1082;
	[sflag:s4] =	ssyncset.s32 $0xFFFFF086  }
0x25: {  	[simem:s6], [sflag:s4] =	dma.local [hbm:s3], $0xF7A  }
0x26: {  	[smem:$0x3F98] =	sst s1;
	(tag) =	ssettag s2;
	_ =	strace s9  }
0x27: {  	s1 =	sld [smem:$0x3FA8]  }
0x28: {  	s2 =	sld [smem:$0x3FA9]  }
0x29: {  	s4 =	sld [smem:$0x3FAB]  }
0x2a: {  	p0 =	seq.s32 s5, $0x0;
	s5 =	sld [smem:$0x3FAC]  }
0x2b: {  	s6 =	sld [smem:$0x3FAD]  }
0x2c: {  	s7 =	sld [smem:$0x3FAE]  }
0x2d: {  	s3 =	simm.s32 $0x108;
	s8 =	sld [smem:$0x3FAF]  }
0x2e: {  	s3 =	simm.s32 @!p0 $0x1082;
	s9 =	sld [smem:$0x3FB0]  }
0x2f: {  	lr =	sadd.s32 s0, s3;
	s0 =	sld [smem:$0x3FA7]  }
0x30: {  	s3 =	sld [smem:$0x3FAA]  }
0x31: {  	[smem:$0x3FB3] =	sst s10  }
0x32: {  	s10 =	sld [smem:$0x3FB1];
	_ =	sdelay $0x3  }
0x33: {  	p0 =	seq.s32 s10, $0x1;
	s10 =	sld [smem:$0x3FB3];
	_ =	sdelay $0x3  }
0x34: {  	[smem:$0x3FB3] =	sst s10  }
0x35: {  	s10 =	sld [smem:$0x3FB2];
	_ =	sdelay $0x3  }
0x36: {  	p1 =	seq.s32 s10, $0x1;
	s10 =	sld [smem:$0x3FB3];
	_ =	sdelay $0x3  }
0x37: {  	[smem:$0x3FB3] =	sst s10  }
0x38: {  	s10 =	sld [smem:$0x3FB4]  }
0x39: {  	_ = 	snop;
	(pc) =	sbr.ind lr, $3  }
0x3a: {  	_ = 	snop  }
0x3b: {  	_ = 	snop  }
0x3c: {  	p2 =	seq.s32 s10, $0x1;
	s10 =	sld [smem:$0x3FB3]  }
0x3d: {  	_ =	shalt  }
0x3e: {  	_ =	shalt  }
0x3f: {  	_ =	shalt  }
0x40: {  	_ =	shalt  }
0x41: {  	_ =	shalt  }
0x42: {  	_ =	shalt  }
0x43: {  	_ =	shalt  }
0x44: {  	_ =	shalt  }
0x45: {  	_ =	shalt  }
0x46: {  	_ =	shalt  }
0x47: {  	_ =	shalt  }
0x48: {  	_ =	shalt  }
0x49: {  	_ =	shalt  }
0x4a: {  	_ =	shalt  }
0x4b: {  	_ =	shalt  }
0x4c: {  	_ =	shalt  }
0x4d: {  	_ =	shalt  }
0x4e: {  	_ =	shalt  }
0x4f: {  	_ =	shalt  }
0x50: {  	_ =	shalt  }
0x51: {  	_ =	shalt  }
0x52: {  	_ =	shalt  }
0x53: {  	_ =	shalt  }
0x54: {  	_ =	shalt  }
0x55: {  	_ =	shalt  }
0x56: {  	_ =	shalt  }
0x57: {  	_ =	shalt  }
0x58: {  	_ =	shalt  }
0x59: {  	_ =	shalt  }
0x5a: {  	_ =	shalt  }
0x5b: {  	_ =	shalt  }
0x5c: {  	_ =	shalt  }
0x5d: {  	_ =	shalt  }
0x5e: {  	_ =	shalt  }
0x5f: {  	_ =	shalt  }
0x60: {  	_ =	shalt  }
0x61: {  	_ =	shalt  }
0x62: {  	_ =	shalt  }
0x63: {  	_ =	shalt  }
0x64: {  	_ =	shalt  }
0x65: {  	_ =	shalt  }
0x66: {  	_ =	shalt  }
0x67: {  	_ =	shalt  }
0x68: {  	_ =	shalt  }
0x69: {  	_ =	shalt  }
0x6a: {  	_ =	shalt  }
0x6b: {  	_ =	shalt  }
0x6c: {  	_ =	shalt  }
0x6d: {  	_ =	shalt  }
0x6e: {  	_ =	shalt  }
0x6f: {  	_ =	shalt  }
0x70: {  	_ =	shalt  }
0x71: {  	_ =	shalt  }
0x72: {  	_ =	shalt  }
0x73: {  	_ =	shalt  }
0x74: {  	_ =	shalt  }
0x75: {  	_ =	shalt  }
0x76: {  	_ =	shalt  }
0x77: {  	_ =	shalt  }
0x78: {  	_ =	shalt  }
0x79: {  	_ =	shalt  }
0x7a: {  	_ =	shalt  }
0x7b: {  	_ =	shalt  }
0x7c: {  	_ =	shalt  }
0x7d: {  	_ =	shalt  }
0x7e: {  	_ =	shalt  }
0x7f: {  	_ =	shalt  }
0x80: {  	_ =	shalt  }
0x81: {  	_ =	shalt  }
0x82: {  	_ =	shalt  }
0x83: {  	_ =	shalt  }
0x84: {  	_ =	shalt  }
0x85: {  	_ =	shalt  }
0x86: {  	_ =	shalt  }
0x87: {  	_ =	shalt  }
.Lfunc_end0:
.L_simem_size_0:
called_computation_lowered:
.L_overlay_start_0:
0x88: {  	s2 =	sld [smem:$0x3FD9]  }
0x89: {  	s3 =	sld [smem:$0x3FFE];
	_ =	sdelay $0x1  }
0x8a: {  	s1 =	srdreg.scid  }
0x8b: {  	s0 =	sand.u32 $0x1, s1  }
0x8c: {  	s17 =	sshll.u32 s0, $0xA;
	s2 =	sadd.s32 s3, s2  }
0x8d: {  	s2 =	sadd.s32 s2, s17  }
0x8e: {  	[smem:$0x3FBF] =	sst s2  }
0x8f: {  	_ = 	snop  }
0x90: {  	s2 =	sld [smem:$0x3FC9]  }
0x91: {  	s18 =	sld [smem:$0x3FD0];
	(tm) =	ssettm $0x1  }
0x92: {  	s4 =	sld [smem:$0x3FFB];
	_ =	sdelay $0x3  }
0x93: {  	_ =	strace s4  }
0x94: {  	s4 =	sld [smem:$0x3FFC];
	_ =	sdelay $0x3  }
0x95: {  	_ =	strace s4  }
0x96: {  	s4 =	sld [smem:$0x3FFD];
	_ =	sdelay $0x3  }
0x97: {  	_ =	strace s4  }
0x98: {  	_ =	strace $0x8FFFFFFF  }
0x99: {  	s19 =	sld [smem:$0x3FDB];
	_ =	sdelay $0x1  }
0x9a: {  	s5 =	simm.s32 $_scs_section_size  }
0x9b: {  	s6 =	simm.s32 $_size__tile_overlayer_lowered;
	s7 =	simm.s32 $_tile_overlayer_lowered  }
0x9c: {  	s22 =	simm.s32 $0x1BFF;
	s21 =	sshll.u32 s7, $0x1;
	s4 =	sadd.s32 s5, s19  }
0x9d: {  	s8 =	simm.s32 $0x0;
	s20 =	sshll.u32 s6, $0x1;
	s6 =	sadd.s32 s21, s4  }
0x9e: {  	[timem:s8], [sflag:s22] =	dma.local [hbm:s6], s20  }
0x9f: {  	_ =	swait.ge [sflag:s22], s20  }
0xa0: {  	s5 =	ssub.s32 $0x0, s20;
	[sflag:s22] =	ssyncset.done $0x0  }
0xa1: {  	[sflag:s22] =	ssyncadd.s32 s5;
	_ =	sdelay $0x1  }
0xa2: {  	s23 =	simm.s32 $0x1B8B  }
0xa3: {  	_ =	swait.ge [sflag:s23], $0x1  }
0xa4: {  	[sflag:s23] =	ssyncset.done $0x0  }
0xa5: {  	s25 =	simm.s32 $0x1B8E;
	s24 =	sld [smem:$0x3FFE];
	[sflag:s23] =	ssyncadd.s32 $0xFFFFFFFF  }
0xa6: {  	s26 =	simm.s32 $execute0_lowered;
	[smem:$0x3FD2] =	sst s25  }
0xa7: {  	s6 =	sshll.u32 s26, $0x1;
	_ =	strace $0x80000046;
	[dreg:$0x1] =	wrdreg $0xFFFFFFFF  }
0xa8: {  	s28 =	simm.s32 $_size_execute0_lowered;
	s4 =	sadd.s32 s4, s6;
	[dreg:$0x0] =	wrdreg $0x0  }
0xa9: {  	s6 =	sshll.u32 s28, $0x1;
	[dreg:$0x2] =	wrdreg s4  }
0xaa: {  	[dreg:$0x3] =	wrdreg s6  }
0xab: {  	[dreg:$0x4] =	wrdreg $0xC0  }
0xac: {  	_ =	task [dreg:s8], $0x5FFFF  }
0xad: {  	[dreg:$0x1] =	wrdreg $0xFFFFFFFF  }
0xae: {  	[dreg:$0x0] =	wrdreg $0x60  }
0xaf: {  	[dreg:$0x2] =	wrdreg s24  }
0xb0: {  	[dreg:$0x3] =	wrdreg s2  }
0xb1: {  	[dreg:$0x4] =	wrdreg s18  }
0xb2: {  	[dreg:$0x5] =	wrdreg $0x9  }
0xb3: {  	_ =	task.clear_ibuf [dreg:s8], $0x6FFFF;
	_ =	strace $0x90000046  }
0xb4: {  	s29 =	simm.s32 $0x9;
	_ =	strace $0x80000048  }
0xb5: {  	_ =	swait.ge [sflag:s29], $0x1  }
0xb6: {  	[sflag:s29] =	ssyncadd.s32 $0xFFFFFFFF  }
0xb7: {  	_ =	strace $0x90000048  }
0xb8: {  	_ =	sfence  }
0xb9: {  	s30 =	sld [smem:$0x0];
	_ =	sdelay $0x2  }
0xba: {  	s31 =	sshll.u32 s1, $0xD;
	s1 =	sshrl.u32 s1, $0x2  }
0xbb: {  	s3 =	sand.u32 $0x4000, s31;
	s1 =	sadd.s32 s1, s30  }
0xbc: {  	s0 =	sor.u32 s3, s0;
	s1 =	sshll.u32 s1, $0x11  }
0xbd: {  	s0 =	sor.u32 s1, s0  }
0xbe: {  	s0 =	sadd.s32 $0x8F2B, s0  }
0xbf: {  	[sflag:s0] =	ssyncadd.remote.s32 $0x1  }
0xc0: {  	_ =	sfence.sel $0xFFFF  }
0xc1: {  	[dreg:$0x0] =	wrdreg $0xFFFFFFFF;
	(pc) =	sbr.abs _section_cstart, $3  }
0xc2: {  	[dreg:$0x1] =	wrdreg $0xFFFFFFFF  }
0xc3: {  	_ =	task.clear_ibuf [dreg:s8], $0x2FFFF;
	_ =	strace $0x9FFFFFFF  }
0xc4: {  	(tm) =	ssettm $0x7FFFFFFF  }
0xc5: {  	_ =	shalt  }
tec
execute0_lowered:
.L_overlay_start_1:
0x0: {  	(tag) =	ssettag $0x1  }
0x1: {  	s0 =	rddreg [dreg:$0x0]  }
0x2: {  	s1 =	rddreg [dreg:$0x1]  }
0x3: {  	s3 =	rddreg [dreg:$0x2];
	s2 =	simm.s32 $0x0;
	s13 =	srdreg.scid  }
0x4: {  	s5 =	stileid.u32;
	s28 =	simm.s32 $0x3400;
	s30 =	simm.s32 $0x9800  }
0x5: {  	s11 =	simm.s32 $0xB800;
	s29 =	simm.s32 $0xD000;
	s31 =	simm.s32 $0x1  }
0x6: {  	[smem:$0x7FF] =	sst s2;
	s4 =	sadd.s32 $0x400, s0;
	s6 =	sadd.s32 $0x600, s0  }
0x7: {  	s5 =	sshll.u32 s5, $0x1;
	s14 =	sadd.s32 $0x800, s0;
	s16 =	sadd.s32 $0xA00, s0  }
0x8: {  	s0 =	sadd.s32 $0xC00, s0;
	s9 =	sadd.s32 $0x100, s1;
	s10 =	sadd.s32 $0x200, s1  }
0x9: {  	_ =	strace $0x80000047;
	[dreg:$0x4] =	wrdreg s4;
	s4 =	sand.u32 $0x1, s13  }
0xa: {  	[dreg:$0x5] =	wrdreg s6;
	s15 =	ssub.s32 $0x2, s4;
	s4 =	sor.u32 s4, s5  }
0xb: {  	s12 =	sadd.s32 $0x300, s1;
	[dreg:$0x6] =	wrdreg s14;
	s8 =	smul.u32 $0xA0, s4  }
0xc: {  	[dreg:$0x7] =	wrdreg s16;
	s17 =	sshrl.u32 s15, $0x1;
	s4 =	smul.u32 $0x5000, s4  }
0xd: {  	s14 =	simm.s32 $0xC000;
	s16 =	simm.s32 $0xC800;
	s5 =	ssub.s32 s15, s17  }
0xe: {  	s18 =	sadd.s32 $0x28, s8;
	s4 =	sadd.s32 s0, s4;
	[dreg:$0x12] =	wrdreg s8  }
0xf: {  	s20 =	sadd.s32 $0x50, s8;
	s7 =	sadd.s32 $0x78, s8;
	[dreg:$0x8] =	wrdreg s4  }
0x10: {  	s23 =	sshrl.u32 s8, $0x3;
	s25 =	sadd.s32 $0x3400, s8;
	[dreg:$0xf] =	wrdreg s18  }
0x11: {  	s26 =	smax.u32 s5, $0x1;
	s8 =	simm.s32 $0xE800;
	[dreg:$0x10] =	wrdreg s20  }
0x12: {  	s19 =	sshll.u32 s18, $0x7;
	s21 =	sshll.u32 s20, $0x7;
	[dreg:$0x11] =	wrdreg s7  }
0x13: {  	s22 =	sshll.u32 s7, $0x7;
	s24 =	sadd.s32 s3, s23;
	[dreg:$0xd] =	wrdreg s25  }
0x14: {  	[dreg:$0xe] =	wrdreg s26;
	s26 =	simm.s32 $0x2000;
	s3 =	simm.s32 $0x0  }
0x15: {  	s20 =	simm.s32 $0x9000;
	s4 =	sadd.s32 s0, s19;
	[dreg:$0xc] =	wrdreg s24  }
0x16: {  	v0 =	vimm.s32 $0x0;
	v1 =	vlaneseq.u32;
	s23 =	simm.s32 $0xD800;
	[dreg:$0x9] =	wrdreg s4;
	s4 =	sadd.s32 s0, s21  }
0x17: {  	v2 =	vimm.f32 $0.0e+00;
	vm0 =	vmmov $0xffff;
	v4 =	vshrl.u32 v1, $0x3;
	s24 =	simm.s32 $0xE000;
	s0 =	sadd.s32 s0, s22;
	[dreg:$0xa] =	wrdreg s4  }
0x18: {  	v3 =	vand.u32 $0x7, v1;
	v5 =	vor.u32 $0x8, v1;
	v4 =	vmul.u32 $0x8, v4;
	s22 =	simm.s32 $0x3;
	s21 =	simm.s32 $0xA000;
	[dreg:$0xb] =	wrdreg s0  }
.LBB2_1:
0x19: {  	s4 =	rddreg [dreg:$0x4]  }
0x1a: {  	[tilespmem:s2], [sflag:$0x3] =	stream.linear.gather [hbm4b:s4+s2], $0x800, $0x38;
	[tilespmem:$0x18800] =	vst v63  }
0x1b: {  	_ =	swait.ge [sflag:s22], $0x800  }
0x1c: {  	[sflag:s22] =	ssyncset.done $0x0  }
0x1d: {  	s5 =	simm.s32 $0x800;
	s13 =	rddreg [dreg:$0x5];
	[sflag:s22] =	ssyncadd.s32 $0xFFFFF800  }
0x1e: {  	[tilespmem:s5], [sflag:$0x3] =	stream.linear.gather [hbm4b:s13+s2], $0x800, $0x38;
	[tilespmem:$0x18800] =	vst v63  }
0x1f: {  	_ =	swait.ge [sflag:s22], $0x800  }
0x20: {  	[sflag:s22] =	ssyncset.done $0x0  }
0x21: {  	s17 =	simm.s32 $0x1000;
	s15 =	rddreg [dreg:$0x6];
	[sflag:s22] =	ssyncadd.s32 $0xFFFFF800  }
0x22: {  	[tilespmem:s17], [sflag:$0x3] =	stream.linear.gather [hbm4b:s15+s2], $0x800, $0x38;
	[tilespmem:$0x18800] =	vst v63  }
0x23: {  	_ =	swait.ge [sflag:s22], $0x800  }
0x24: {  	[sflag:s22] =	ssyncset.done $0x0  }
0x25: {  	s19 =	simm.s32 $0x1800;
	s18 =	rddreg [dreg:$0x7];
	[sflag:s22] =	ssyncadd.s32 $0xFFFFF800  }
0x26: {  	[tilespmem:s19], [sflag:$0x3] =	stream.linear.gather [hbm4b:s18+s2], $0x800, $0x38;
	[tilespmem:$0x18800] =	vst v63  }
0x27: {  	_ =	swait.ge [sflag:s22], $0x800  }
0x28: {  	[sflag:s22] =	ssyncset.done $0x0  }
0x29: {  	s25 =	simm.s32 $0x2020;
	[sflag:s22] =	ssyncadd.s32 $0xFFFFF800  }
0x2a: {  	[tilespmem:s25+$0xFFFFFFF0] =	vst v0  }
0x2b: {  	[tilespmem:s25+$0x0] =	vst v0  }
0x2c: {  	[tilespmem:s25+$0x10] =	vst v0  }
0x2d: {  	s13 =	simm.s32 $0x3420;
	[tilespmem:s25+$0xFFFFFFE0] =	vst v0  }
0x2e: {  	[tilespmem:s13+$0xFFFFFFF0] =	vst v2  }
0x2f: {  	[tilespmem:s13+$0x0] =	vst v2  }
0x30: {  	s6 =	simm.s32 $0x820;
	s7 =	simm.s32 $0x20;
	s4 =	simm.s32 $0x1820;
	[tilespmem:s13+$0x10] =	vst v2  }
0x31: {  	s5 =	simm.s32 $0x1020;
	s15 =	simm.s32 $0x0;
	s17 =	simm.s32 $0x2060;
	[tilespmem:s13+$0xFFFFFFE0] =	vst v2  }
.LBB2_2:
0x32: {  	[tilespmem:s17+$0xFFFFFFF0] =	vst v0;
	s13 =	sadd.s32 $0x40, s13  }
0x33: {  	s15 =	sadd.s32 $0x4, s15;
	[tilespmem:s13+$0xFFFFFFF0] =	vst v2  }
0x34: {  	p0 =	slt.u32 s15, $0x13C;
	[tilespmem:s17+$0x0] =	vst v0  }
.Ltmp0:
0x35: {  	[tilespmem:s13+$0x0] =	vst v2;
	(pc) =	sbr.rel @p0 .LBB2_2-.Ltmp0, $4  }
0x36: {  	[tilespmem:s17+$0x10] =	vst v0  }
0x37: {  	[tilespmem:s13+$0x10] =	vst v2  }
0x38: {  	[tilespmem:s17+$0xFFFFFFE0] =	vst v0  }
0x39: {  	s18 =	simm.s32 $0x0;
	s17 =	sadd.s32 $0x40, s17;
	[tilespmem:s13+$0xFFFFFFE0] =	vst v2  }
0x3a: {  	v6 =	vld [tilespmem:s7+$0x10]  }
0x3b: {  	v7 =	vld [tilespmem:s7+$0xFFFFFFE0]  }
0x3c: {  	v8 =	vld [tilespmem:s7+$0xFFFFFFF0];
	_ =	sdelay $0x1  }
0x3d: {  	v9 =	vld [tilespmem:s7+$0x0];
	_ =	sdelay $0x1  }
0x3e: {  	s13 =	simm.s32 $0x30  }
0x3f: {  	v10 =	vor.u32 s13, v1  }
0x40: {  	v11 =	vor.u32 s18, v1;
	s0 =	simm.s32 $0x10;
	[tilespmem:v6+s26+$0x0] =	vst.idx.msk $0xffff, v10  }
0x41: {  	v6 =	vor.u32 s0, v1;
	[tilespmem:v7+s26+$0x0] =	vst.idx.msk $0xffff, v11;
	v7 =	vld [tilespmem:s7+$0x10]  }
0x42: {  	s15 =	simm.s32 $0x20;
	v12 =	vld [tilespmem:s7+$0xFFFFFFE0];
	[tilespmem:v8+s26+$0x0] =	vst.idx.msk $0xffff, v6  }
0x43: {  	v8 =	vor.u32 s15, v1;
	v13 =	vld [tilespmem:s7+$0xFFFFFFF0]  }
0x44: {  	[tilespmem:v9+s26+$0x0] =	vst.idx.msk $0xffff, v8;
	v9 =	vld [tilespmem:s5+$0x10]  }
0x45: {  	v15 =	vld [tilespmem:s5+$0xFFFFFFE0]  }
0x46: {  	v14 =	vld [tilespmem:s7+$0x0]  }
0x47: {  	v16 =	vld [tilespmem:s5+$0xFFFFFFF0];
	_ =	sdelay $0x1  }
0x48: {  	v17 =	vld [tilespmem:s5+$0x0];
	[tilespmem:v7+s28+$0x0] =	vst.idx.msk $0xffff, v9  }
0x49: {  	[tilespmem:v12+s28+$0x0] =	vst.idx.msk $0xffff, v15;
	v7 =	vld [tilespmem:s6+$0x10]  }
0x4a: {  	v9 =	vld [tilespmem:s6+$0xFFFFFFE0]  }
0x4b: {  	[tilespmem:v13+s28+$0x0] =	vst.idx.msk $0xffff, v16  }
0x4c: {  	s17 =	simm.s32 $0x60;
	v12 =	vld [tilespmem:s6+$0xFFFFFFF0]  }
0x4d: {  	[tilespmem:v14+s28+$0x0] =	vst.idx.msk $0xffff, v17;
	v14 =	vld [tilespmem:s17+$0x10]  }
0x4e: {  	v15 =	vld [tilespmem:s17+$0xFFFFFFE0]  }
0x4f: {  	v13 =	vld [tilespmem:s6+$0x0]  }
0x50: {  	v16 =	vld [tilespmem:s17+$0xFFFFFFF0]  }
0x51: {  	v17 =	vld [tilespmem:s17+$0x0];
	[tilespmem:v7+s26+$0x0] =	vst.idx.msk $0xffff, v10  }
0x52: {  	[tilespmem:v9+s26+$0x0] =	vst.idx.msk $0xffff, v11;
	v18 =	vld [tilespmem:s6+$0x10]  }
0x53: {  	s18 =	simm.s32 $0x70;
	v19 =	vld [tilespmem:s6+$0xFFFFFFE0]  }
0x54: {  	s5 =	simm.s32 $0x40;
	v11 =	vor.u32 s18, v1;
	[tilespmem:v12+s26+$0x0] =	vst.idx.msk $0xffff, v6;
	v12 =	vld [tilespmem:s4+$0x10]  }
0x55: {  	v7 =	vor.u32 s5, v1;
	[tilespmem:v14+s26+$0x0] =	vst.idx.msk $0xffff, v11;
	v23 =	vld [tilespmem:s4+$0xFFFFFFE0]  }
0x56: {  	s19 =	simm.s32 $0x50;
	[tilespmem:v15+s26+$0x0] =	vst.idx.msk $0xffff, v7;
	v10 =	vld [tilespmem:s6+$0xFFFFFFF0]  }
0x57: {  	v9 =	vor.u32 s19, v1;
	[tilespmem:v13+s26+$0x0] =	vst.idx.msk $0xffff, v8;
	v13 =	vld [tilespmem:s17+$0x10]  }
0x58: {  	s25 =	simm.s32 $0x60;
	[tilespmem:v16+s26+$0x0] =	vst.idx.msk $0xffff, v9;
	v14 =	vld [tilespmem:s17+$0xFFFFFFE0]  }
0x59: {  	s7 =	simm.s32 $0x1060;
	v8 =	vor.u32 s25, v1;
	v16 =	vld [tilespmem:s17+$0xFFFFFFF0]  }
0x5a: {  	v15 =	vld [tilespmem:s7+$0x10];
	[tilespmem:v17+s26+$0x0] =	vst.idx.msk $0xffff, v8  }
0x5b: {  	v20 =	vld [tilespmem:s17+$0x0]  }
0x5c: {  	v17 =	vld [tilespmem:s7+$0xFFFFFFE0]  }
0x5d: {  	v21 =	vld [tilespmem:s7+$0xFFFFFFF0]  }
0x5e: {  	v22 =	vld [tilespmem:s7+$0x0]  }
0x5f: {  	v6 =	vld [tilespmem:s6+$0x0];
	s6 =	simm.s32 $0x860;
	[tilespmem:v13+s28+$0x0] =	vst.idx.msk $0xffff, v15  }
0x60: {  	v15 =	vld [tilespmem:s6+$0x10]  }
0x61: {  	[tilespmem:v14+s28+$0x0] =	vst.idx.msk $0xffff, v17;
	v14 =	vld [tilespmem:s4+$0xFFFFFFF0]  }
0x62: {  	[tilespmem:v16+s28+$0x0] =	vst.idx.msk $0xffff, v21;
	v17 =	vld [tilespmem:s6+$0xFFFFFFE0]  }
0x63: {  	v16 =	vld [tilespmem:s6+$0xFFFFFFF0];
	[tilespmem:v20+s28+$0x0] =	vst.idx.msk $0xffff, v22  }
0x64: {  	[tilespmem:v18+s28+$0x0] =	vst.idx.msk $0xffff, v12;
	v13 =	vld [tilespmem:s6+$0x0]  }
0x65: {  	s13 =	simm.s32 $0x4;
	s15 =	simm.s32 $0xA0;
	[tilespmem:v19+s28+$0x0] =	vst.idx.msk $0xffff, v23;
	v12 =	vld [tilespmem:s4+$0x0]  }
.LBB2_4:
0x66: {  	v18 =	vld [tilespmem:s15+$0x10];
	s13 =	sadd.s32 $0x4, s13;
	[tilespmem:v10+s28+$0x0] =	vst.idx.msk $0xffff, v14  }
0x67: {  	v14 =	vld [tilespmem:s15+$0xFFFFFFE0];
	p0 =	slt.u32 s13, $0x7C  }
0x68: {  	v19 =	vld [tilespmem:s15+$0xFFFFFFF0];
	[tilespmem:v15+s26+$0x0] =	vst.idx.msk $0xffff, v11  }
0x69: {  	v15 =	vld [tilespmem:s6+$0x10]  }
0x6a: {  	v20 =	vld [tilespmem:s15+$0x0];
	[tilespmem:v17+s26+$0x0] =	vst.idx.msk $0xffff, v7  }
0x6b: {  	s5 =	sadd.s32 $0x40, s5;
	s4 =	sadd.s32 $0x40, s4;
	v21 =	vld [tilespmem:s6+$0xFFFFFFE0];
	[tilespmem:v16+s26+$0x0] =	vst.idx.msk $0xffff, v9  }
0x6c: {  	s17 =	sadd.s32 $0x10, s5;
	s18 =	sadd.s32 $0x20, s5;
	s19 =	sadd.s32 $0x30, s5;
	v7 =	vor.u32 s5, v1;
	[tilespmem:v13+s26+$0x0] =	vst.idx.msk $0xffff, v8;
	v13 =	vld [tilespmem:s4+$0x10]  }
0x6d: {  	v11 =	vor.u32 s19, v1;
	v9 =	vor.u32 s17, v1;
	v8 =	vor.u32 s18, v1;
	v10 =	vld [tilespmem:s6+$0xFFFFFFF0]  }
0x6e: {  	[tilespmem:v18+s26+$0x0] =	vst.idx.msk $0xffff, v11;
	v16 =	vld [tilespmem:s6+$0x0]  }
0x6f: {  	[tilespmem:v14+s26+$0x0] =	vst.idx.msk $0xffff, v7;
	v14 =	vld [tilespmem:s15+$0x10]  }
0x70: {  	v17 =	vld [tilespmem:s15+$0xFFFFFFE0];
	[tilespmem:v19+s26+$0x0] =	vst.idx.msk $0xffff, v9  }
0x71: {  	s7 =	sadd.s32 $0x40, s7;
	v18 =	vld [tilespmem:s15+$0xFFFFFFF0];
	[tilespmem:v15+s28+$0x0] =	vst.idx.msk $0xffff, v13  }
0x72: {  	[tilespmem:v20+s26+$0x0] =	vst.idx.msk $0xffff, v8;
	v13 =	vld [tilespmem:s7+$0x10]  }
0x73: {  	v19 =	vld [tilespmem:s15+$0x0];
	[tilespmem:v6+s28+$0x0] =	vst.idx.msk $0xffff, v12;
	v6 =	vmov v16  }
0x74: {  	v12 =	vld [tilespmem:s7+$0xFFFFFFE0]  }
0x75: {  	v16 =	vld [tilespmem:s7+$0xFFFFFFF0]  }
0x76: {  	v20 =	vld [tilespmem:s7+$0x0]  }
0x77: {  	s6 =	sadd.s32 $0x40, s6;
	[tilespmem:v14+s28+$0x0] =	vst.idx.msk $0xffff, v13;
	v22 =	vld [tilespmem:s4+$0xFFFFFFE0]  }
0x78: {  	v15 =	vld [tilespmem:s6+$0x10]  }
.Ltmp1:
0x79: {  	[tilespmem:v17+s28+$0x0] =	vst.idx.msk $0xffff, v12;
	v14 =	vld [tilespmem:s4+$0xFFFFFFF0];
	(pc) =	sbr.rel @p0 .LBB2_4-.Ltmp1, $4  }
0x7a: {  	v17 =	vld [tilespmem:s6+$0xFFFFFFE0];
	[tilespmem:v18+s28+$0x0] =	vst.idx.msk $0xffff, v16  }
0x7b: {  	v16 =	vld [tilespmem:s6+$0xFFFFFFF0];
	[tilespmem:v19+s28+$0x0] =	vst.idx.msk $0xffff, v20  }
0x7c: {  	v13 =	vld [tilespmem:s6+$0x0];
	[tilespmem:v21+s28+$0x0] =	vst.idx.msk $0xffff, v22  }
0x7d: {  	s15 =	sadd.s32 $0x40, s15;
	v12 =	vld [tilespmem:s4+$0x0]  }
0x7e: {  	_ =	sdelay $0x3  }
0x7f: {  	[tilespmem:v15+s26+$0x0] =	vst.idx.msk $0xffff, v11  }
0x80: {  	s4 =	sadd.s32 $0x40, s4;
	v11 =	vld [tilespmem:s6+$0x10]  }
0x81: {  	[tilespmem:v17+s26+$0x0] =	vst.idx.msk $0xffff, v7;
	v60 =	vld [tilespmem:s4+$0x10]  }
0x82: {  	v7 =	vld [tilespmem:s6+$0xFFFFFFE0];
	[tilespmem:v16+s26+$0x0] =	vst.idx.msk $0xffff, v9  }
0x83: {  	[tilespmem:v13+s26+$0x0] =	vst.idx.msk $0xffff, v8;
	v61 =	vld [tilespmem:s6+$0xFFFFFFF0]  }
0x84: {  	v13 =	vld [tilespmem:s6+$0x0]  }
0x85: {  	v62 =	vld [tilespmem:s4+$0xFFFFFFE0]  }
0x86: {  	v16 =	vld [tilespmem:s4+$0xFFFFFFF0]  }
0x87: {  	[tilespmem:v10+s28+$0x0] =	vst.idx.msk $0xffff, v14;
	v63 =	vld [tilespmem:s4+$0x0]  }
0x88: {  	[tilespmem:v6+s28+$0x0] =	vst.idx.msk $0xffff, v12  }
0x89: {  	[tilespmem:v11+s28+$0x0] =	vst.idx.msk $0xffff, v60  }
0x8a: {  	[tilespmem:v7+s28+$0x0] =	vst.idx.msk $0xffff, v62  }
0x8b: {  	[tilespmem:v61+s28+$0x0] =	vst.idx.msk $0xffff, v16  }
0x8c: {  	[tilespmem:v13+s28+$0x0] =	vst.idx.msk $0xffff, v63  }
0x8d: {  	s25 =	rddreg [dreg:$0x12]  }
0x8e: {  	v6 =	vld [tilespmem:s25+$0x2000];
	_ =	sdelay $0x4  }
0x8f: {  	v7 =	vshll.u32 v6, $0x3  }
0x90: {  	v6 =	vand.u32 $0x7, v6;
	v7 =	vand.u32 $0xFFFFFFC0, v7  }
0x91: {  	v6 =	vor.u32 v6, v7  }
0x92: {  	v7 =	vperm.xlane v6, v3;
	_ =	sdelay $0x1  }
0x93: {  	v7 =	vadd.s32 v4, v7;
	_ =	sdelay $0x3  }
0x94: {  	s0 =	simm.s32 $0x4800  }
0x95: {  	[tilespmem:s0], [sflag:$0x1] =	stream.indirect_vreg.gather [hbm4b:s1+s2], $0x80, v7, vm0, $0xb8;
	[tilespmem:$0x18800] =	vst v63  }
0x96: {  	s5 =	simm.s32 $0x5000;
	v6 =	vperm.xlane v6, v5  }
0x97: {  	[tilespmem:s5], [sflag:$0x1] =	stream.indirect_vreg.gather [hbm4b:s9+s2], $0x80, v7, vm0, $0xb8;
	[tilespmem:$0x18800] =	vst v63  }
0x98: {  	s6 =	simm.s32 $0x5800;
	v6 =	vadd.s32 v4, v6  }
0x99: {  	[tilespmem:s6], [sflag:$0x1] =	stream.indirect_vreg.gather [hbm4b:s10+s2], $0x80, v7, vm0, $0xb8;
	[tilespmem:$0x18800] =	vst v63  }
0x9a: {  	s7 =	simm.s32 $0x6000  }
0x9b: {  	[tilespmem:s7], [sflag:$0x1] =	stream.indirect_vreg.gather [hbm4b:s12+s2], $0x80, v7, vm0, $0xb8;
	[tilespmem:$0x18800] =	vst v63  }
0x9c: {  	s13 =	simm.s32 $0x6800  }
0x9d: {  	[tilespmem:s13], [sflag:$0x1] =	stream.indirect_vreg.gather [hbm4b:s1+s2], $0x80, v6, vm0, $0xb8;
	[tilespmem:$0x18800] =	vst v63  }
0x9e: {  	s15 =	simm.s32 $0x7000  }
0x9f: {  	[tilespmem:s15], [sflag:$0x1] =	stream.indirect_vreg.gather [hbm4b:s9+s2], $0x80, v6, vm0, $0xb8;
	[tilespmem:$0x18800] =	vst v63  }
0xa0: {  	s17 =	simm.s32 $0x7800  }
0xa1: {  	[tilespmem:s17], [sflag:$0x1] =	stream.indirect_vreg.gather [hbm4b:s10+s2], $0x80, v6, vm0, $0xb8;
	[tilespmem:$0x18800] =	vst v63  }
0xa2: {  	s18 =	simm.s32 $0x8000  }
0xa3: {  	[tilespmem:s18], [sflag:$0x1] =	stream.indirect_vreg.gather [hbm4b:s12+s2], $0x80, v6, vm0, $0xb8;
	[tilespmem:$0x18800] =	vst v63  }
0xa4: {  	v6 =	vld [tilespmem:s25+$0x2010];
	_ =	sdelay $0x4  }
0xa5: {  	v7 =	vshll.u32 v6, $0x3  }
0xa6: {  	v6 =	vand.u32 $0x7, v6;
	v7 =	vand.u32 $0xFFFFFFC0, v7  }
0xa7: {  	v6 =	vor.u32 v6, v7  }
0xa8: {  	v7 =	vperm.xlane v6, v3;
	_ =	sdelay $0x1  }
0xa9: {  	v7 =	vadd.s32 v4, v7;
	_ =	sdelay $0x3  }
0xaa: {  	s19 =	simm.s32 $0x8800  }
0xab: {  	[tilespmem:s19], [sflag:$0x1] =	stream.indirect_vreg.gather [hbm4b:s1+s2], $0x80, v7, vm0, $0xb8;
	[tilespmem:$0x18800] =	vst v63  }
0xac: {  	v6 =	vperm.xlane v6, v5  }
0xad: {  	[tilespmem:s20], [sflag:$0x1] =	stream.indirect_vreg.gather [hbm4b:s9+s2], $0x80, v7, vm0, $0xb8;
	[tilespmem:$0x18800] =	vst v63  }
0xae: {  	v6 =	vadd.s32 v4, v6  }
0xaf: {  	[tilespmem:s30], [sflag:$0x1] =	stream.indirect_vreg.gather [hbm4b:s10+s2], $0x80, v7, vm0, $0xb8;
	[tilespmem:$0x18800] =	vst v63  }
0xb0: {  	_ = 	snop  }
0xb1: {  	[tilespmem:s21], [sflag:$0x1] =	stream.indirect_vreg.gather [hbm4b:s12+s2], $0x80, v7, vm0, $0xb8;
	[tilespmem:$0x18800] =	vst v63  }
0xb2: {  	s4 =	simm.s32 $0xA800  }
0xb3: {  	[tilespmem:s4], [sflag:$0x1] =	stream.indirect_vreg.gather [hbm4b:s1+s2], $0x80, v6, vm0, $0xb8;
	[tilespmem:$0x18800] =	vst v63  }
0xb4: {  	s4 =	simm.s32 $0xB000  }
0xb5: {  	[tilespmem:s4], [sflag:$0x1] =	stream.indirect_vreg.gather [hbm4b:s9+s2], $0x80, v6, vm0, $0xb8;
	[tilespmem:$0x18800] =	vst v63  }
0xb6: {  	_ = 	snop  }
0xb7: {  	[tilespmem:s11], [sflag:$0x1] =	stream.indirect_vreg.gather [hbm4b:s10+s2], $0x80, v6, vm0, $0xb8;
	[tilespmem:$0x18800] =	vst v63  }
0xb8: {  	_ = 	snop  }
0xb9: {  	[tilespmem:s14], [sflag:$0x1] =	stream.indirect_vreg.gather [hbm4b:s12+s2], $0x80, v6, vm0, $0xb8;
	[tilespmem:$0x18800] =	vst v63  }
0xba: {  	v6 =	vld.msk [tilespmem:s25+$0x2020], $0xff;
	_ =	sdelay $0x4  }
0xbb: {  	v7 =	vshll.u32 v6, $0x3  }
0xbc: {  	v6 =	vand.u32 $0x7, v6;
	v7 =	vand.u32 $0xFFFFFFC0, v7  }
0xbd: {  	v6 =	vor.u32 v6, v7  }
0xbe: {  	v6 =	vperm.xlane v6, v3;
	_ =	sdelay $0x1  }
0xbf: {  	v6 =	vadd.s32 v4, v6;
	_ =	sdelay $0x4  }
0xc0: {  	[tilespmem:s16], [sflag:$0x1] =	stream.indirect_vreg.gather [hbm4b:s1+s2], $0x80, v6, vm0, $0xb8;
	[tilespmem:$0x18800] =	vst v63  }
0xc1: {  	_ = 	snop  }
0xc2: {  	[tilespmem:s29], [sflag:$0x1] =	stream.indirect_vreg.gather [hbm4b:s9+s2], $0x80, v6, vm0, $0xb8;
	[tilespmem:$0x18800] =	vst v63  }
0xc3: {  	_ = 	snop  }
0xc4: {  	[tilespmem:s23], [sflag:$0x1] =	stream.indirect_vreg.gather [hbm4b:s10+s2], $0x80, v6, vm0, $0xb8;
	[tilespmem:$0x18800] =	vst v63  }
0xc5: {  	s4 =	rddreg [dreg:$0xf]  }
0xc6: {  	[tilespmem:s24], [sflag:$0x1] =	stream.indirect_vreg.gather [hbm4b:s12+s2], $0x80, v6, vm0, $0xb8;
	[tilespmem:$0x18800] =	vst v63  }
0xc7: {  	v6 =	vld [tilespmem:s4+$0x2000];
	_ =	sdelay $0x4  }
0xc8: {  	v7 =	vshll.u32 v6, $0x3  }
0xc9: {  	v6 =	vand.u32 $0x7, v6;
	v7 =	vand.u32 $0xFFFFFFC0, v7  }
0xca: {  	v6 =	vor.u32 v6, v7  }
0xcb: {  	v7 =	vperm.xlane v6, v3;
	_ =	sdelay $0x1  }
0xcc: {  	v7 =	vadd.s32 v4, v7;
	_ =	sdelay $0x4  }
0xcd: {  	[tilespmem:s8], [sflag:$0x2] =	stream.indirect_vreg.gather [hbm4b:s1+s2], $0x80, v7, vm0, $0xb8;
	[tilespmem:$0x18800] =	vst v63  }
0xce: {  	s0 =	simm.s32 $0xF000;
	v6 =	vperm.xlane v6, v5  }
0xcf: {  	[tilespmem:s0], [sflag:$0x2] =	stream.indirect_vreg.gather [hbm4b:s9+s2], $0x80, v7, vm0, $0xb8;
	[tilespmem:$0x18800] =	vst v63  }
0xd0: {  	v6 =	vadd.s32 v4, v6;
	s0 =	simm.s32 $0xF800  }
0xd1: {  	[tilespmem:s0], [sflag:$0x2] =	stream.indirect_vreg.gather [hbm4b:s10+s2], $0x80, v7, vm0, $0xb8;
	[tilespmem:$0x18800] =	vst v63  }
0xd2: {  	s0 =	simm.s32 $0x10000  }
0xd3: {  	[tilespmem:s0], [sflag:$0x2] =	stream.indirect_vreg.gather [hbm4b:s12+s2], $0x80, v7, vm0, $0xb8;
	[tilespmem:$0x18800] =	vst v63  }
0xd4: {  	s0 =	simm.s32 $0x10800  }
0xd5: {  	[tilespmem:s0], [sflag:$0x2] =	stream.indirect_vreg.gather [hbm4b:s1+s2], $0x80, v6, vm0, $0xb8;
	[tilespmem:$0x18800] =	vst v63  }
0xd6: {  	s0 =	simm.s32 $0x11000  }
0xd7: {  	[tilespmem:s0], [sflag:$0x2] =	stream.indirect_vreg.gather [hbm4b:s9+s2], $0x80, v6, vm0, $0xb8;
	[tilespmem:$0x18800] =	vst v63  }
0xd8: {  	s0 =	simm.s32 $0x11800  }
0xd9: {  	[tilespmem:s0], [sflag:$0x2] =	stream.indirect_vreg.gather [hbm4b:s10+s2], $0x80, v6, vm0, $0xb8;
	[tilespmem:$0x18800] =	vst v63  }
0xda: {  	s0 =	simm.s32 $0x12000  }
0xdb: {  	[tilespmem:s0], [sflag:$0x2] =	stream.indirect_vreg.gather [hbm4b:s12+s2], $0x80, v6, vm0, $0xb8;
	[tilespmem:$0x18800] =	vst v63  }
0xdc: {  	v6 =	vld [tilespmem:s4+$0x2010];
	_ =	sdelay $0x4  }
0xdd: {  	v7 =	vshll.u32 v6, $0x3  }
0xde: {  	v6 =	vand.u32 $0x7, v6;
	v7 =	vand.u32 $0xFFFFFFC0, v7  }
0xdf: {  	v6 =	vor.u32 v6, v7  }
0xe0: {  	v7 =	vperm.xlane v6, v3;
	_ =	sdelay $0x1  }
0xe1: {  	v7 =	vadd.s32 v4, v7;
	_ =	sdelay $0x3  }
0xe2: {  	s4 =	simm.s32 $0x12800  }
0xe3: {  	[tilespmem:s4], [sflag:$0x2] =	stream.indirect_vreg.gather [hbm4b:s1+s2], $0x80, v7, vm0, $0xb8;
	[tilespmem:$0x18800] =	vst v63  }
0xe4: {  	v6 =	vperm.xlane v6, v5;
	s4 =	simm.s32 $0x13000  }
0xe5: {  	[tilespmem:s4], [sflag:$0x2] =	stream.indirect_vreg.gather [hbm4b:s9+s2], $0x80, v7, vm0, $0xb8;
	[tilespmem:$0x18800] =	vst v63  }
0xe6: {  	v6 =	vadd.s32 v4, v6;
	s4 =	simm.s32 $0x13800  }
0xe7: {  	[tilespmem:s4], [sflag:$0x2] =	stream.indirect_vreg.gather [hbm4b:s10+s2], $0x80, v7, vm0, $0xb8;
	[tilespmem:$0x18800] =	vst v63  }
0xe8: {  	s4 =	simm.s32 $0x14000  }
0xe9: {  	[tilespmem:s4], [sflag:$0x2] =	stream.indirect_vreg.gather [hbm4b:s12+s2], $0x80, v7, vm0, $0xb8;
	[tilespmem:$0x18800] =	vst v63  }
0xea: {  	s4 =	simm.s32 $0x14800  }
0xeb: {  	[tilespmem:s4], [sflag:$0x2] =	stream.indirect_vreg.gather [hbm4b:s1+s2], $0x80, v6, vm0, $0xb8;
	[tilespmem:$0x18800] =	vst v63  }
0xec: {  	s4 =	simm.s32 $0x15000  }
0xed: {  	[tilespmem:s4], [sflag:$0x2] =	stream.indirect_vreg.gather [hbm4b:s9+s2], $0x80, v6, vm0, $0xb8;
	[tilespmem:$0x18800] =	vst v63  }
0xee: {  	s4 =	simm.s32 $0x15800  }
0xef: {  	[tilespmem:s4], [sflag:$0x2] =	stream.indirect_vreg.gather [hbm4b:s10+s2], $0x80, v6, vm0, $0xb8;
	[tilespmem:$0x18800] =	vst v63  }
0xf0: {  	s4 =	simm.s32 $0x16000  }
0xf1: {  	[tilespmem:s4], [sflag:$0x2] =	stream.indirect_vreg.gather [hbm4b:s12+s2], $0x80, v6, vm0, $0xb8;
	[tilespmem:$0x18800] =	vst v63  }
0xf2: {  	v6 =	vld.msk [tilespmem:s25+$0x2048], $0xff;
	_ =	sdelay $0x4  }
0xf3: {  	v7 =	vshll.u32 v6, $0x3  }
0xf4: {  	v6 =	vand.u32 $0x7, v6;
	v7 =	vand.u32 $0xFFFFFFC0, v7  }
0xf5: {  	v6 =	vor.u32 v6, v7  }
0xf6: {  	v6 =	vperm.xlane v6, v3;
	_ =	sdelay $0x1  }
0xf7: {  	v6 =	vadd.s32 v4, v6;
	_ =	sdelay $0x3  }
0xf8: {  	s4 =	simm.s32 $0x16800  }
0xf9: {  	[tilespmem:s4], [sflag:$0x2] =	stream.indirect_vreg.gather [hbm4b:s1+s2], $0x80, v6, vm0, $0xb8;
	[tilespmem:$0x18800] =	vst v63  }
0xfa: {  	s4 =	simm.s32 $0x17000  }
0xfb: {  	[tilespmem:s4], [sflag:$0x2] =	stream.indirect_vreg.gather [hbm4b:s9+s2], $0x80, v6, vm0, $0xb8;
	[tilespmem:$0x18800] =	vst v63  }
0xfc: {  	s4 =	simm.s32 $0x17800  }
0xfd: {  	[tilespmem:s4], [sflag:$0x2] =	stream.indirect_vreg.gather [hbm4b:s10+s2], $0x80, v6, vm0, $0xb8;
	[tilespmem:$0x18800] =	vst v63  }
0xfe: {  	s4 =	simm.s32 $0x18000  }
0xff: {  	[tilespmem:s4], [sflag:$0x2] =	stream.indirect_vreg.gather [hbm4b:s12+s2], $0x80, v6, vm0, $0xb8;
	[tilespmem:$0x18800] =	vst v63  }
0x100: {  	_ =	swait.ge [sflag:s31], $0xA000  }
0x101: {  	[sflag:s31] =	ssyncset.done $0x0  }
0x102: {  	s0 =	simm.s32 $0x4800;
	s4 =	rddreg [dreg:$0x8];
	[sflag:s31] =	ssyncadd.s32 $0xFFFF6000  }
0x103: {  	[hbm4b:s4+s2] =	stream.linear.scatter [tilespmem:s0], [sflag:$0x3], $0xA000, $0x38;
	[tilespmem:$0x18800] =	vst v63  }
0x104: {  	_ =	swait.ge [sflag:s22], $0xA000  }
0x105: {  	[sflag:s22] =	ssyncset.done $0x0  }
0x106: {  	s4 =	rddreg [dreg:$0x10];
	[sflag:s22] =	ssyncadd.s32 $0xFFFF6000  }
0x107: {  	v6 =	vld [tilespmem:s4+$0x2000];
	_ =	sdelay $0x4  }
0x108: {  	v7 =	vshll.u32 v6, $0x3  }
0x109: {  	v6 =	vand.u32 $0x7, v6;
	v7 =	vand.u32 $0xFFFFFFC0, v7  }
0x10a: {  	v6 =	vor.u32 v6, v7  }
0x10b: {  	v7 =	vperm.xlane v6, v3;
	_ =	sdelay $0x1  }
0x10c: {  	v7 =	vadd.s32 v4, v7;
	_ =	sdelay $0x4  }
0x10d: {  	[tilespmem:s0], [sflag:$0x1] =	stream.indirect_vreg.gather [hbm4b:s1+s2], $0x80, v7, vm0, $0xb8;
	[tilespmem:$0x18800] =	vst v63  }
0x10e: {  	v6 =	vperm.xlane v6, v5  }
0x10f: {  	[tilespmem:s5], [sflag:$0x1] =	stream.indirect_vreg.gather [hbm4b:s9+s2], $0x80, v7, vm0, $0xb8;
	[tilespmem:$0x18800] =	vst v63  }
0x110: {  	v6 =	vadd.s32 v4, v6  }
0x111: {  	[tilespmem:s6], [sflag:$0x1] =	stream.indirect_vreg.gather [hbm4b:s10+s2], $0x80, v7, vm0, $0xb8;
	[tilespmem:$0x18800] =	vst v63  }
0x112: {  	_ = 	snop  }
0x113: {  	[tilespmem:s7], [sflag:$0x1] =	stream.indirect_vreg.gather [hbm4b:s12+s2], $0x80, v7, vm0, $0xb8;
	[tilespmem:$0x18800] =	vst v63  }
0x114: {  	_ = 	snop  }
0x115: {  	[tilespmem:s13], [sflag:$0x1] =	stream.indirect_vreg.gather [hbm4b:s1+s2], $0x80, v6, vm0, $0xb8;
	[tilespmem:$0x18800] =	vst v63  }
0x116: {  	_ = 	snop  }
0x117: {  	[tilespmem:s15], [sflag:$0x1] =	stream.indirect_vreg.gather [hbm4b:s9+s2], $0x80, v6, vm0, $0xb8;
	[tilespmem:$0x18800] =	vst v63  }
0x118: {  	_ = 	snop  }
0x119: {  	[tilespmem:s17], [sflag:$0x1] =	stream.indirect_vreg.gather [hbm4b:s10+s2], $0x80, v6, vm0, $0xb8;
	[tilespmem:$0x18800] =	vst v63  }
0x11a: {  	_ = 	snop  }
0x11b: {  	[tilespmem:s18], [sflag:$0x1] =	stream.indirect_vreg.gather [hbm4b:s12+s2], $0x80, v6, vm0, $0xb8;
	[tilespmem:$0x18800] =	vst v63  }
0x11c: {  	v6 =	vld [tilespmem:s4+$0x2010];
	_ =	sdelay $0x4  }
0x11d: {  	v7 =	vshll.u32 v6, $0x3  }
0x11e: {  	v6 =	vand.u32 $0x7, v6;
	v7 =	vand.u32 $0xFFFFFFC0, v7  }
0x11f: {  	v6 =	vor.u32 v6, v7  }
0x120: {  	v7 =	vperm.xlane v6, v3;
	_ =	sdelay $0x1  }
0x121: {  	v7 =	vadd.s32 v4, v7;
	_ =	sdelay $0x4  }
0x122: {  	[tilespmem:s19], [sflag:$0x1] =	stream.indirect_vreg.gather [hbm4b:s1+s2], $0x80, v7, vm0, $0xb8;
	[tilespmem:$0x18800] =	vst v63  }
0x123: {  	v6 =	vperm.xlane v6, v5  }
0x124: {  	[tilespmem:s20], [sflag:$0x1] =	stream.indirect_vreg.gather [hbm4b:s9+s2], $0x80, v7, vm0, $0xb8;
	[tilespmem:$0x18800] =	vst v63  }
0x125: {  	v6 =	vadd.s32 v4, v6  }
0x126: {  	[tilespmem:s30], [sflag:$0x1] =	stream.indirect_vreg.gather [hbm4b:s10+s2], $0x80, v7, vm0, $0xb8;
	[tilespmem:$0x18800] =	vst v63  }
0x127: {  	_ = 	snop  }
0x128: {  	[tilespmem:s21], [sflag:$0x1] =	stream.indirect_vreg.gather [hbm4b:s12+s2], $0x80, v7, vm0, $0xb8;
	[tilespmem:$0x18800] =	vst v63  }
0x129: {  	s18 =	simm.s32 $0xA800  }
0x12a: {  	[tilespmem:s18], [sflag:$0x1] =	stream.indirect_vreg.gather [hbm4b:s1+s2], $0x80, v6, vm0, $0xb8;
	[tilespmem:$0x18800] =	vst v63  }
0x12b: {  	s19 =	simm.s32 $0xB000  }
0x12c: {  	[tilespmem:s19], [sflag:$0x1] =	stream.indirect_vreg.gather [hbm4b:s9+s2], $0x80, v6, vm0, $0xb8;
	[tilespmem:$0x18800] =	vst v63  }
0x12d: {  	_ = 	snop  }
0x12e: {  	[tilespmem:s11], [sflag:$0x1] =	stream.indirect_vreg.gather [hbm4b:s10+s2], $0x80, v6, vm0, $0xb8;
	[tilespmem:$0x18800] =	vst v63  }
0x12f: {  	_ = 	snop  }
0x130: {  	[tilespmem:s14], [sflag:$0x1] =	stream.indirect_vreg.gather [hbm4b:s12+s2], $0x80, v6, vm0, $0xb8;
	[tilespmem:$0x18800] =	vst v63  }
0x131: {  	v6 =	vld.msk [tilespmem:s25+$0x2070], $0xff;
	_ =	sdelay $0x4  }
0x132: {  	v7 =	vshll.u32 v6, $0x3  }
0x133: {  	v6 =	vand.u32 $0x7, v6;
	v7 =	vand.u32 $0xFFFFFFC0, v7  }
0x134: {  	v6 =	vor.u32 v6, v7  }
0x135: {  	v6 =	vperm.xlane v6, v3;
	_ =	sdelay $0x1  }
0x136: {  	v6 =	vadd.s32 v4, v6;
	_ =	sdelay $0x4  }
0x137: {  	[tilespmem:s16], [sflag:$0x1] =	stream.indirect_vreg.gather [hbm4b:s1+s2], $0x80, v6, vm0, $0xb8;
	[tilespmem:$0x18800] =	vst v63  }
0x138: {  	_ = 	snop  }
0x139: {  	[tilespmem:s29], [sflag:$0x1] =	stream.indirect_vreg.gather [hbm4b:s9+s2], $0x80, v6, vm0, $0xb8;
	[tilespmem:$0x18800] =	vst v63  }
0x13a: {  	_ = 	snop  }
0x13b: {  	[tilespmem:s23], [sflag:$0x1] =	stream.indirect_vreg.gather [hbm4b:s10+s2], $0x80, v6, vm0, $0xb8;
	[tilespmem:$0x18800] =	vst v63  }
0x13c: {  	s5 =	simm.s32 $0x2  }
0x13d: {  	[tilespmem:s24], [sflag:$0x1] =	stream.indirect_vreg.gather [hbm4b:s12+s2], $0x80, v6, vm0, $0xb8;
	[tilespmem:$0x18800] =	vst v63  }
0x13e: {  	_ =	swait.ge [sflag:s5], $0xA000  }
0x13f: {  	[sflag:s5] =	ssyncset.done $0x0  }
0x140: {  	s0 =	rddreg [dreg:$0x9];
	[sflag:s5] =	ssyncadd.s32 $0xFFFF6000  }
0x141: {  	[hbm4b:s0+s2] =	stream.linear.scatter [tilespmem:s8], [sflag:$0x3], $0xA000, $0x38;
	[tilespmem:$0x18800] =	vst v63  }
0x142: {  	_ =	swait.ge [sflag:s22], $0xA000  }
0x143: {  	[sflag:s22] =	ssyncset.done $0x0  }
0x144: {  	s0 =	rddreg [dreg:$0x11];
	[sflag:s22] =	ssyncadd.s32 $0xFFFF6000  }
0x145: {  	v6 =	vld [tilespmem:s0+$0x2000];
	_ =	sdelay $0x4  }
0x146: {  	v7 =	vshll.u32 v6, $0x3  }
0x147: {  	v6 =	vand.u32 $0x7, v6;
	v7 =	vand.u32 $0xFFFFFFC0, v7  }
0x148: {  	v6 =	vor.u32 v6, v7  }
0x149: {  	v7 =	vperm.xlane v6, v3;
	_ =	sdelay $0x1  }
0x14a: {  	v7 =	vadd.s32 v4, v7;
	_ =	sdelay $0x4  }
0x14b: {  	[tilespmem:s8], [sflag:$0x2] =	stream.indirect_vreg.gather [hbm4b:s1+s2], $0x80, v7, vm0, $0xb8;
	[tilespmem:$0x18800] =	vst v63  }
0x14c: {  	s6 =	simm.s32 $0xF000;
	v6 =	vperm.xlane v6, v5  }
0x14d: {  	[tilespmem:s6], [sflag:$0x2] =	stream.indirect_vreg.gather [hbm4b:s9+s2], $0x80, v7, vm0, $0xb8;
	[tilespmem:$0x18800] =	vst v63  }
0x14e: {  	s7 =	simm.s32 $0xF800;
	v6 =	vadd.s32 v4, v6  }
0x14f: {  	[tilespmem:s7], [sflag:$0x2] =	stream.indirect_vreg.gather [hbm4b:s10+s2], $0x80, v7, vm0, $0xb8;
	[tilespmem:$0x18800] =	vst v63  }
0x150: {  	s13 =	simm.s32 $0x10000  }
0x151: {  	[tilespmem:s13], [sflag:$0x2] =	stream.indirect_vreg.gather [hbm4b:s12+s2], $0x80, v7, vm0, $0xb8;
	[tilespmem:$0x18800] =	vst v63  }
0x152: {  	s15 =	simm.s32 $0x10800  }
0x153: {  	[tilespmem:s15], [sflag:$0x2] =	stream.indirect_vreg.gather [hbm4b:s1+s2], $0x80, v6, vm0, $0xb8;
	[tilespmem:$0x18800] =	vst v63  }
0x154: {  	s17 =	simm.s32 $0x11000  }
0x155: {  	[tilespmem:s17], [sflag:$0x2] =	stream.indirect_vreg.gather [hbm4b:s9+s2], $0x80, v6, vm0, $0xb8;
	[tilespmem:$0x18800] =	vst v63  }
0x156: {  	s18 =	simm.s32 $0x11800  }
0x157: {  	[tilespmem:s18], [sflag:$0x2] =	stream.indirect_vreg.gather [hbm4b:s10+s2], $0x80, v6, vm0, $0xb8;
	[tilespmem:$0x18800] =	vst v63  }
0x158: {  	s19 =	simm.s32 $0x12000  }
0x159: {  	[tilespmem:s19], [sflag:$0x2] =	stream.indirect_vreg.gather [hbm4b:s12+s2], $0x80, v6, vm0, $0xb8;
	[tilespmem:$0x18800] =	vst v63  }
0x15a: {  	v6 =	vld [tilespmem:s0+$0x2010];
	_ =	sdelay $0x4  }
0x15b: {  	v7 =	vshll.u32 v6, $0x3  }
0x15c: {  	v6 =	vand.u32 $0x7, v6;
	v7 =	vand.u32 $0xFFFFFFC0, v7  }
0x15d: {  	v6 =	vor.u32 v6, v7  }
0x15e: {  	v7 =	vperm.xlane v6, v3;
	_ =	sdelay $0x1  }
0x15f: {  	v7 =	vadd.s32 v4, v7;
	_ =	sdelay $0x3  }
0x160: {  	s4 =	simm.s32 $0x12800  }
0x161: {  	[tilespmem:s4], [sflag:$0x2] =	stream.indirect_vreg.gather [hbm4b:s1+s2], $0x80, v7, vm0, $0xb8;
	[tilespmem:$0x18800] =	vst v63  }
0x162: {  	s6 =	simm.s32 $0x13000;
	v6 =	vperm.xlane v6, v5  }
0x163: {  	[tilespmem:s6], [sflag:$0x2] =	stream.indirect_vreg.gather [hbm4b:s9+s2], $0x80, v7, vm0, $0xb8;
	[tilespmem:$0x18800] =	vst v63  }
0x164: {  	s7 =	simm.s32 $0x13800;
	v6 =	vadd.s32 v4, v6  }
0x165: {  	[tilespmem:s7], [sflag:$0x2] =	stream.indirect_vreg.gather [hbm4b:s10+s2], $0x80, v7, vm0, $0xb8;
	[tilespmem:$0x18800] =	vst v63  }
0x166: {  	s13 =	simm.s32 $0x14000  }
0x167: {  	[tilespmem:s13], [sflag:$0x2] =	stream.indirect_vreg.gather [hbm4b:s12+s2], $0x80, v7, vm0, $0xb8;
	[tilespmem:$0x18800] =	vst v63  }
0x168: {  	s15 =	simm.s32 $0x14800  }
0x169: {  	[tilespmem:s15], [sflag:$0x2] =	stream.indirect_vreg.gather [hbm4b:s1+s2], $0x80, v6, vm0, $0xb8;
	[tilespmem:$0x18800] =	vst v63  }
0x16a: {  	s17 =	simm.s32 $0x15000  }
0x16b: {  	[tilespmem:s17], [sflag:$0x2] =	stream.indirect_vreg.gather [hbm4b:s9+s2], $0x80, v6, vm0, $0xb8;
	[tilespmem:$0x18800] =	vst v63  }
0x16c: {  	s18 =	simm.s32 $0x15800  }
0x16d: {  	[tilespmem:s18], [sflag:$0x2] =	stream.indirect_vreg.gather [hbm4b:s10+s2], $0x80, v6, vm0, $0xb8;
	[tilespmem:$0x18800] =	vst v63  }
0x16e: {  	s19 =	simm.s32 $0x16000  }
0x16f: {  	[tilespmem:s19], [sflag:$0x2] =	stream.indirect_vreg.gather [hbm4b:s12+s2], $0x80, v6, vm0, $0xb8;
	[tilespmem:$0x18800] =	vst v63  }
0x170: {  	v6 =	vld.msk [tilespmem:s25+$0x2098], $0xff;
	_ =	sdelay $0x4  }
0x171: {  	v7 =	vshll.u32 v6, $0x3  }
0x172: {  	v6 =	vand.u32 $0x7, v6;
	v7 =	vand.u32 $0xFFFFFFC0, v7  }
0x173: {  	v6 =	vor.u32 v6, v7  }
0x174: {  	v6 =	vperm.xlane v6, v3;
	_ =	sdelay $0x1  }
0x175: {  	v6 =	vadd.s32 v4, v6;
	_ =	sdelay $0x3  }
0x176: {  	s25 =	simm.s32 $0x16800  }
0x177: {  	[tilespmem:s25], [sflag:$0x2] =	stream.indirect_vreg.gather [hbm4b:s1+s2], $0x80, v6, vm0, $0xb8;
	[tilespmem:$0x18800] =	vst v63  }
0x178: {  	s4 =	simm.s32 $0x17000  }
0x179: {  	[tilespmem:s4], [sflag:$0x2] =	stream.indirect_vreg.gather [hbm4b:s9+s2], $0x80, v6, vm0, $0xb8;
	[tilespmem:$0x18800] =	vst v63  }
0x17a: {  	s6 =	simm.s32 $0x17800  }
0x17b: {  	[tilespmem:s6], [sflag:$0x2] =	stream.indirect_vreg.gather [hbm4b:s10+s2], $0x80, v6, vm0, $0xb8;
	[tilespmem:$0x18800] =	vst v63  }
0x17c: {  	s7 =	simm.s32 $0x18000  }
0x17d: {  	[tilespmem:s7], [sflag:$0x2] =	stream.indirect_vreg.gather [hbm4b:s12+s2], $0x80, v6, vm0, $0xb8;
	[tilespmem:$0x18800] =	vst v63  }
0x17e: {  	_ =	swait.ge [sflag:s31], $0xA000  }
0x17f: {  	[sflag:s31] =	ssyncset.done $0x0  }
0x180: {  	s15 =	simm.s32 $0x4800;
	s13 =	rddreg [dreg:$0xa];
	[sflag:s31] =	ssyncadd.s32 $0xFFFF6000  }
0x181: {  	[hbm4b:s13+s2] =	stream.linear.scatter [tilespmem:s15], [sflag:$0x3], $0xA000, $0x38;
	[tilespmem:$0x18800] =	vst v63  }
0x182: {  	_ =	swait.ge [sflag:s22], $0xA000  }
0x183: {  	[sflag:s22] =	ssyncset.done $0x0  }
0x184: {  	[sflag:s22] =	ssyncadd.s32 $0xFFFF6000  }
0x185: {  	_ =	swait.ge [sflag:s5], $0xA000  }
0x186: {  	[sflag:s5] =	ssyncset.done $0x0  }
0x187: {  	s17 =	rddreg [dreg:$0xb];
	[sflag:s5] =	ssyncadd.s32 $0xFFFF6000  }
0x188: {  	[hbm4b:s17+s2] =	stream.linear.scatter [tilespmem:s8], [sflag:$0x3], $0xA000, $0x38;
	[tilespmem:$0x18800] =	vst v63  }
0x189: {  	_ =	swait.ge [sflag:s22], $0xA000  }
0x18a: {  	[sflag:s22] =	ssyncset.done $0x0;
	s18 =	rddreg [dreg:$0xc]  }
0x18b: {  	s19 =	rddreg [dreg:$0xd];
	[sflag:s22] =	ssyncadd.s32 $0xFFFF6000  }
0x18c: {  	[hbm4b:s18+s2] =	stream.linear.scatter [tilespmem:s19], [sflag:$0x3], $0xA0, $0x38;
	[tilespmem:$0x18800] =	vst v63  }
0x18d: {  	_ =	swait.ge [sflag:s22], $0xA0  }
0x18e: {  	s3 =	sadd.s32 $0x1, s3;
	s25 =	rddreg [dreg:$0xe]  }
0x18f: {  	p0 =	sne.s32 s3, s25  }
.Ltmp2:
0x190: {  	_ = 	snop;
	(pc) =	sbr.rel @p0 .LBB2_1-.Ltmp2, $3  }
0x191: {  	_ =	sdelay $0x1  }
0x192: {  	[sflag:s22] =	ssyncset.done $0x0  }
0x193: {  	[sflag:s22] =	ssyncadd.s32 $0xFFFFFF60  }
0x194: {  	_ =	sfence.sel $0x180000  }
0x195: {  	[bflag:$0x0] =	sbarrier.arrive $0xFFFF  }
0x196: {  	_ =	strace $0x90000047  }
0x197: {  	s0 =	stileid.u32;
	[bflag:$0x2] =	sbarrier.arrive $0xFFFF  }
0x198: {  	p0 =	sne.s32 s0, $0x0;
	s0 =	rddreg [dreg:$0x3]  }
0x199: {  	s0 =	sadd.s32 @!p0 $0x100000, s0  }
0x19a: {  	[sflag:s0] =	ssyncadd.tile.s32 @!p0 $0x1;
	_ =	shalt  }
.Lfunc_end2:
_tile_overlayer_lowered:
.L_overlay_start_2:
0x19b: {  	(tag) =	ssettag $0x2  }
0x19c: {  	s0 =	rddreg [dreg:$0x0];
	s2 =	stileid.u32  }
0x19d: {  	s1 =	rddreg [dreg:$0x1];
	p0 =	sne.s32 s2, $0x0  }
0x19e: {  	s3 =	rddreg [dreg:$0x2];
	[bflag:$0x3] =	sbarrier.arrive $0xFFFF;
	s2 =	simm.s32 @!p0 $0x1C03  }
0x19f: {  	[timem:s3], [sflag:s2] =	dma.local @!p0 [hbm:s0], s1  }
0x1a0: {  	s0 =	simm.s32 @!p0 $0x3  }
0x1a1: {  	_ =	swait.ge @!p0 [sflag:s0], s1  }
0x1a2: {  	s1 =	ssub.s32 @!p0 $0x0, s1;
	[sflag:s0] =	ssyncset.done @!p0 $0x0  }
0x1a3: {  	[sflag:s0] =	ssyncadd.s32 @!p0 s1  }
0x1a4: {  	[bflag:$0x3] =	sbarrier.arrive $0xFFFF  }
0x1a5: {  	_ =	shalt  }

// kernel: kernel.9.cloned.1.call-start
scs
__scs_entry_jumppad:
0x0: {  	(pc) =	sbr.rel $0x88, $3  }
0x1: {  	(tag) =	ssettag $0x0;
	lr =	simm.s32 $0x1  }
0x2: {  	[smem:$0x3F98] =	sst lr;
	_ =	strace $0xD0000000  }
0x3: {  	_ = 	snop  }
0x4: {  	_ = 	snop  }
0x5: {  	_ = 	snop  }
0x6: {  	_ = 	snop  }
0x7: {  	_ = 	snop  }
__scs_overlays_trampoline_lowered:
0x8: {  	[smem:$0x3FA7] =	sst s0  }
0x9: {  	[smem:$0x3FA8] =	sst s1  }
0xa: {  	[smem:$0x3FA9] =	sst s2  }
0xb: {  	[smem:$0x3FAA] =	sst s3  }
0xc: {  	[smem:$0x3FAB] =	sst s4  }
0xd: {  	[smem:$0x3FAC] =	sst s5  }
0xe: {  	[smem:$0x3FAD] =	sst s6  }
0xf: {  	[smem:$0x3FAE] =	sst s7  }
0x10: {  	[smem:$0x3FAF] =	sst s8  }
0x11: {  	[smem:$0x3FB0] =	sst s9;
	s0 =	simm.s32 @!p0 $0x0  }
0x12: {  	s1 =	sld [smem:$0x3F96];
	s0 =	simm.s32 @p0 $0x1  }
0x13: {  	[smem:$0x3FB1] =	sst s0;
	s0 =	simm.s32 @!p1 $0x0  }
0x14: {  	s2 =	sld [smem:$0x3F95];
	s0 =	simm.s32 @p1 $0x1  }
0x15: {  	[smem:$0x3FB2] =	sst s0;
	s0 =	simm.s32 @!p2 $0x0  }
0x16: {  	s3 =	sld [smem:$0x3FDB];
	s0 =	simm.s32 @p2 $0x1  }
0x17: {  	s4 =	simm.s32 $0x1BF5;
	[smem:$0x3FB4] =	sst s0  }
0x18: {  	s0 =	sld [smem:$0x3F97];
	_ =	swait.ge [sflag:s4], $0x0  }
0x19: {  	s7 =	sld [smem:$0x3F98]  }
0x1a: {  	s8 =	sadd.s32 $0xFFFFE003, lr  }
0x1b: {  	s9 =	sadd.s32 $0xFFFFFEF7, lr;
	s5 =	simm.s32 $0xFFFFFFFF;
	p2 =	slt.u32 s8, $0xFFFFF086  }
0x1c: {  	p1 =	slt.u32 s9, $0xF7A;
	s5 =	simm.s32 @!p2 $0x0  }
0x1d: {  	s5 =	simm.s32 @p1 $0x1;
	p0 =	seq.s32 s7, s2  }
0x1e: {  	s7 =	smul.u32 @!p0 $0xF7A, s2;
	p2 =	seq.s32 @!p0 s5, $0x0  }
0x1f: {  	s9 =	smul.u32 $0xF7A, s1;
	s8 =	simm.s32 @!p0 $0x1BF5;
	p2 =	por !p2, p0  }
0x20: {  	[sflag:s8] =	ssyncset.s32 @!p0 $0xFFFFF086;
	s6 =	sadd.s32 @!p0 s3, s7;
	s7 =	simm.s32 @!p0 $0x108  }
0x21: {  	s3 =	sadd.s32 s3, s9;
	s6 =	sadd.s32 @!p0 $0x88, s6;
	s7 =	simm.s32 @p2 $0x1082  }
0x22: {  	[simem:s7], [sflag:s8] =	dma.local @!p0 [hbm:s6], $0xF7A  }
0x23: {  	s9 =	sor.u32 $0xD0000000, s2;
	s6 =	simm.s32 $0x108;
	_ =	swait.ge @!p0 [sflag:s8], $0x0  }
0x24: {  	s3 =	sadd.s32 $0x88, s3;
	s6 =	simm.s32 @!p1 $0x1082;
	[sflag:s4] =	ssyncset.s32 $0xFFFFF086  }
0x25: {  	[simem:s6], [sflag:s4] =	dma.local [hbm:s3], $0xF7A  }
0x26: {  	[smem:$0x3F98] =	sst s1;
	(tag) =	ssettag s2;
	_ =	strace s9  }
0x27: {  	s1 =	sld [smem:$0x3FA8]  }
0x28: {  	s2 =	sld [smem:$0x3FA9]  }
0x29: {  	s4 =	sld [smem:$0x3FAB]  }
0x2a: {  	p0 =	seq.s32 s5, $0x0;
	s5 =	sld [smem:$0x3FAC]  }
0x2b: {  	s6 =	sld [smem:$0x3FAD]  }
0x2c: {  	s7 =	sld [smem:$0x3FAE]  }
0x2d: {  	s3 =	simm.s32 $0x108;
	s8 =	sld [smem:$0x3FAF]  }
0x2e: {  	s3 =	simm.s32 @!p0 $0x1082;
	s9 =	sld [smem:$0x3FB0]  }
0x2f: {  	lr =	sadd.s32 s0, s3;
	s0 =	sld [smem:$0x3FA7]  }
0x30: {  	s3 =	sld [smem:$0x3FAA]  }
0x31: {  	[smem:$0x3FB3] =	sst s10  }
0x32: {  	s10 =	sld [smem:$0x3FB1];
	_ =	sdelay $0x3  }
0x33: {  	p0 =	seq.s32 s10, $0x1;
	s10 =	sld [smem:$0x3FB3];
	_ =	sdelay $0x3  }
0x34: {  	[smem:$0x3FB3] =	sst s10  }
0x35: {  	s10 =	sld [smem:$0x3FB2];
	_ =	sdelay $0x3  }
0x36: {  	p1 =	seq.s32 s10, $0x1;
	s10 =	sld [smem:$0x3FB3];
	_ =	sdelay $0x3  }
0x37: {  	[smem:$0x3FB3] =	sst s10  }
0x38: {  	s10 =	sld [smem:$0x3FB4]  }
0x39: {  	_ = 	snop;
	(pc) =	sbr.ind lr, $3  }
0x3a: {  	_ = 	snop  }
0x3b: {  	_ = 	snop  }
0x3c: {  	p2 =	seq.s32 s10, $0x1;
	s10 =	sld [smem:$0x3FB3]  }
0x3d: {  	_ =	shalt  }
0x3e: {  	_ =	shalt  }
0x3f: {  	_ =	shalt  }
0x40: {  	_ =	shalt  }
0x41: {  	_ =	shalt  }
0x42: {  	_ =	shalt  }
0x43: {  	_ =	shalt  }
0x44: {  	_ =	shalt  }
0x45: {  	_ =	shalt  }
0x46: {  	_ =	shalt  }
0x47: {  	_ =	shalt  }
0x48: {  	_ =	shalt  }
0x49: {  	_ =	shalt  }
0x4a: {  	_ =	shalt  }
0x4b: {  	_ =	shalt  }
0x4c: {  	_ =	shalt  }
0x4d: {  	_ =	shalt  }
0x4e: {  	_ =	shalt  }
0x4f: {  	_ =	shalt  }
0x50: {  	_ =	shalt  }
0x51: {  	_ =	shalt  }
0x52: {  	_ =	shalt  }
0x53: {  	_ =	shalt  }
0x54: {  	_ =	shalt  }
0x55: {  	_ =	shalt  }
0x56: {  	_ =	shalt  }
0x57: {  	_ =	shalt  }
0x58: {  	_ =	shalt  }
0x59: {  	_ =	shalt  }
0x5a: {  	_ =	shalt  }
0x5b: {  	_ =	shalt  }
0x5c: {  	_ =	shalt  }
0x5d: {  	_ =	shalt  }
0x5e: {  	_ =	shalt  }
0x5f: {  	_ =	shalt  }
0x60: {  	_ =	shalt  }
0x61: {  	_ =	shalt  }
0x62: {  	_ =	shalt  }
0x63: {  	_ =	shalt  }
0x64: {  	_ =	shalt  }
0x65: {  	_ =	shalt  }
0x66: {  	_ =	shalt  }
0x67: {  	_ =	shalt  }
0x68: {  	_ =	shalt  }
0x69: {  	_ =	shalt  }
0x6a: {  	_ =	shalt  }
0x6b: {  	_ =	shalt  }
0x6c: {  	_ =	shalt  }
0x6d: {  	_ =	shalt  }
0x6e: {  	_ =	shalt  }
0x6f: {  	_ =	shalt  }
0x70: {  	_ =	shalt  }
0x71: {  	_ =	shalt  }
0x72: {  	_ =	shalt  }
0x73: {  	_ =	shalt  }
0x74: {  	_ =	shalt  }
0x75: {  	_ =	shalt  }
0x76: {  	_ =	shalt  }
0x77: {  	_ =	shalt  }
0x78: {  	_ =	shalt  }
0x79: {  	_ =	shalt  }
0x7a: {  	_ =	shalt  }
0x7b: {  	_ =	shalt  }
0x7c: {  	_ =	shalt  }
0x7d: {  	_ =	shalt  }
0x7e: {  	_ =	shalt  }
0x7f: {  	_ =	shalt  }
0x80: {  	_ =	shalt  }
0x81: {  	_ =	shalt  }
0x82: {  	_ =	shalt  }
0x83: {  	_ =	shalt  }
0x84: {  	_ =	shalt  }
0x85: {  	_ =	shalt  }
0x86: {  	_ =	shalt  }
0x87: {  	_ =	shalt  }
.Lfunc_end0:
.L_simem_size_0:
called_computation.1_lowered:
.L_overlay_start_0:
0x88: {  	s2 =	sld [smem:$0x3FD9]  }
0x89: {  	s3 =	sld [smem:$0x3FFE];
	_ =	sdelay $0x1  }
0x8a: {  	s1 =	srdreg.scid  }
0x8b: {  	s0 =	sand.u32 $0x1, s1  }
0x8c: {  	s17 =	sshll.u32 s0, $0xA;
	s2 =	sadd.s32 s3, s2  }
0x8d: {  	s2 =	sadd.s32 s2, s17  }
0x8e: {  	[smem:$0x3FBF] =	sst s2  }
0x8f: {  	_ = 	snop  }
0x90: {  	s2 =	sld [smem:$0x3FD0];
	(tm) =	ssettm $0x1  }
0x91: {  	s18 =	sld [smem:$0x3FFB];
	_ =	sdelay $0x3  }
0x92: {  	_ =	strace s18  }
0x93: {  	s3 =	sld [smem:$0x3FFC];
	_ =	sdelay $0x3  }
0x94: {  	_ =	strace s3  }
0x95: {  	s3 =	sld [smem:$0x3FFD];
	_ =	sdelay $0x3  }
0x96: {  	_ =	strace s3  }
0x97: {  	_ =	strace $0x8FFFFFFF  }
0x98: {  	s19 =	sld [smem:$0x3FDB];
	_ =	sdelay $0x1  }
0x99: {  	s4 =	simm.s32 $_scs_section_size  }
0x9a: {  	s5 =	simm.s32 $_size__tile_overlayer_lowered;
	s6 =	simm.s32 $_tile_overlayer_lowered  }
0x9b: {  	s22 =	simm.s32 $0x1BFF;
	s21 =	sshll.u32 s6, $0x1;
	s3 =	sadd.s32 s4, s19  }
0x9c: {  	s7 =	simm.s32 $0x0;
	s20 =	sshll.u32 s5, $0x1;
	s5 =	sadd.s32 s21, s3  }
0x9d: {  	[timem:s7], [sflag:s22] =	dma.local [hbm:s5], s20  }
0x9e: {  	_ =	swait.ge [sflag:s22], s20  }
0x9f: {  	s4 =	ssub.s32 $0x0, s20;
	[sflag:s22] =	ssyncset.done $0x0  }
0xa0: {  	[sflag:s22] =	ssyncadd.s32 s4;
	_ =	sdelay $0x1  }
0xa1: {  	s23 =	simm.s32 $0x1B8B  }
0xa2: {  	_ =	swait.ge [sflag:s23], $0x1  }
0xa3: {  	[sflag:s23] =	ssyncset.done $0x0  }
0xa4: {  	s25 =	simm.s32 $0x1B8E;
	s24 =	sld [smem:$0x3FFE];
	[sflag:s23] =	ssyncadd.s32 $0xFFFFFFFF  }
0xa5: {  	s26 =	simm.s32 $execute0_lowered;
	[smem:$0x3FD2] =	sst s25  }
0xa6: {  	s5 =	sshll.u32 s26, $0x1;
	_ =	strace $0x80000049;
	[dreg:$0x1] =	wrdreg $0xFFFFFFFF  }
0xa7: {  	s28 =	simm.s32 $_size_execute0_lowered;
	s3 =	sadd.s32 s3, s5;
	[dreg:$0x0] =	wrdreg $0x0  }
0xa8: {  	s5 =	sshll.u32 s28, $0x1;
	[dreg:$0x2] =	wrdreg s3  }
0xa9: {  	[dreg:$0x3] =	wrdreg s5  }
0xaa: {  	[dreg:$0x4] =	wrdreg $0xC0  }
0xab: {  	_ =	task [dreg:s7], $0x5FFFF  }
0xac: {  	[dreg:$0x1] =	wrdreg $0xFFFFFFFF  }
0xad: {  	[dreg:$0x0] =	wrdreg $0x60  }
0xae: {  	[dreg:$0x2] =	wrdreg s24  }
0xaf: {  	[dreg:$0x3] =	wrdreg s2  }
0xb0: {  	[dreg:$0x4] =	wrdreg $0x9  }
0xb1: {  	_ =	task.clear_ibuf [dreg:s7], $0x5FFFF;
	_ =	strace $0x90000049  }
0xb2: {  	s29 =	simm.s32 $0x9;
	_ =	strace $0x8000004B  }
0xb3: {  	_ =	swait.ge [sflag:s29], $0x1  }
0xb4: {  	[sflag:s29] =	ssyncadd.s32 $0xFFFFFFFF  }
0xb5: {  	_ =	strace $0x9000004B  }
0xb6: {  	_ =	sfence  }
0xb7: {  	s30 =	sld [smem:$0x0];
	_ =	sdelay $0x2  }
0xb8: {  	s31 =	sshll.u32 s1, $0xD;
	s1 =	sshrl.u32 s1, $0x2  }
0xb9: {  	s3 =	sand.u32 $0x4000, s31;
	s1 =	sadd.s32 s1, s30  }
0xba: {  	s0 =	sor.u32 s3, s0;
	s1 =	sshll.u32 s1, $0x11  }
0xbb: {  	s0 =	sor.u32 s1, s0  }
0xbc: {  	s0 =	sadd.s32 $0x8F2B, s0  }
0xbd: {  	[sflag:s0] =	ssyncadd.remote.s32 $0x1  }
0xbe: {  	_ =	sfence.sel $0xFFFF  }
0xbf: {  	[dreg:$0x0] =	wrdreg $0xFFFFFFFF;
	(pc) =	sbr.abs _section_cstart, $3  }
0xc0: {  	[dreg:$0x1] =	wrdreg $0xFFFFFFFF  }
0xc1: {  	_ =	task.clear_ibuf [dreg:s7], $0x2FFFF;
	_ =	strace $0x9FFFFFFF  }
0xc2: {  	(tm) =	ssettm $0x7FFFFFFF  }
0xc3: {  	_ =	shalt  }
tec
execute0_lowered:
.L_overlay_start_1:
0x0: {  	(tag) =	ssettag $0x1  }
0x1: {  	s0 =	rddreg [dreg:$0x0]  }
0x2: {  	s1 =	rddreg [dreg:$0x1]  }
0x3: {  	s2 =	simm.s32 $0x0;
	s3 =	srdreg.scid;
	s5 =	stileid.u32  }
0x4: {  	s14 =	simm.s32 $0x3;
	s15 =	simm.s32 $0xA100;
	s16 =	simm.s32 $0xA900  }
0x5: {  	s17 =	simm.s32 $0xB900;
	s11 =	simm.s32 $0xC100;
	s18 =	simm.s32 $0xC900  }
0x6: {  	s12 =	simm.s32 $0xD100;
	s19 =	simm.s32 $0xD900;
	s13 =	simm.s32 $0xE100  }
0x7: {  	s20 =	simm.s32 $0xE900;
	s21 =	simm.s32 $0xF100;
	s22 =	simm.s32 $0xF900  }
0x8: {  	s23 =	simm.s32 $0x1;
	[smem:$0x7FF] =	sst s2;
	s4 =	sand.u32 $0x1, s3  }
0x9: {  	s5 =	sshll.u32 s5, $0x7;
	s3 =	sadd.s32 $0xA0C00, s0;
	s9 =	sadd.s32 $0x400, s0  }
0xa: {  	s10 =	sadd.s32 $0x600, s0;
	s8 =	sadd.s32 $0xA0F00, s0;
	s6 =	sshll.u32 s4, $0x6  }
0xb: {  	_ =	strace $0x8000004A;
	s4 =	ssub.s32 $0x2, s4;
	s5 =	sor.u32 s6, s5  }
0xc: {  	s24 =	sshrl.u32 s4, $0x1;
	s6 =	sadd.s32 $0xA0D00, s0;
	s7 =	sshrl.u32 s5, $0x3  }
0xd: {  	s4 =	ssub.s32 s4, s24;
	s28 =	sshll.u32 s5, $0x7;
	s5 =	sor.u32 $0x20, s5  }
0xe: {  	s24 =	simm.s32 $0x2;
	s25 =	sadd.s32 s9, s7;
	s26 =	sadd.s32 s10, s7  }
0xf: {  	s7 =	sadd.s32 $0xA0E00, s0;
	s0 =	sadd.s32 s1, s28;
	[dreg:$0x3] =	wrdreg s25  }
0x10: {  	s29 =	sshrl.u32 s5, $0x3;
	s5 =	sshll.u32 s5, $0x7;
	[dreg:$0x4] =	wrdreg s26  }
0x11: {  	s31 =	smax.u32 s4, $0x1;
	s4 =	simm.s32 $0x8900;
	[dreg:$0x5] =	wrdreg s0  }
0x12: {  	s9 =	sadd.s32 s9, s29;
	s0 =	sadd.s32 s10, s29;
	[dreg:$0x9] =	wrdreg s31  }
0x13: {  	v2 =	vlaneseq.u32;
	s30 =	sadd.s32 s1, s5;
	s5 =	simm.s32 $0x9100;
	[dreg:$0x6] =	wrdreg s9  }
0x14: {  	vm0 =	vmmov $0xffff;
	v1 =	vshrl.u32 v2, $0x3;
	s10 =	simm.s32 $0xB100;
	s25 =	simm.s32 $0x10100;
	[dreg:$0x7] =	wrdreg s0  }
0x15: {  	v0 =	vand.u32 $0x7, v2;
	v2 =	vor.u32 $0x8, v2;
	v1 =	vmul.u32 $0x8, v1;
	s26 =	simm.s32 $0x0;
	[dreg:$0x8] =	wrdreg s30;
	s9 =	simm.s32 $0x9900  }
.LBB2_1:
0x16: {  	s0 =	rddreg [dreg:$0x3]  }
0x17: {  	[tilespmem:s2], [sflag:$0x3] =	stream.linear.gather [hbm4b:s0+s2], $0x20, $0x38;
	[tilespmem:$0x18100] =	vst v63  }
0x18: {  	_ =	swait.ge [sflag:s14], $0x20  }
0x19: {  	[sflag:s14] =	ssyncset.done $0x0  }
0x1a: {  	s1 =	simm.s32 $0x80;
	s31 =	rddreg [dreg:$0x4];
	[sflag:s14] =	ssyncadd.s32 $0xFFFFFFE0  }
0x1b: {  	[tilespmem:s1], [sflag:$0x3] =	stream.linear.gather [hbm4b:s31+s2], $0x20, $0x38;
	[tilespmem:$0x18100] =	vst v63  }
0x1c: {  	_ =	swait.ge [sflag:s14], $0x20  }
0x1d: {  	[sflag:s14] =	ssyncset.done $0x0  }
0x1e: {  	[sflag:s14] =	ssyncadd.s32 $0xFFFFFFE0  }
0x1f: {  	v3 =	vld [tilespmem:$0x0];
	_ =	sdelay $0x4  }
0x20: {  	v4 =	vshll.u32 v3, $0x3  }
0x21: {  	v3 =	vand.u32 $0x7, v3;
	v4 =	vand.u32 $0xFFFFFFC0, v4  }
0x22: {  	v3 =	vor.u32 v3, v4  }
0x23: {  	v4 =	vperm.xlane v3, v0;
	_ =	sdelay $0x1  }
0x24: {  	v4 =	vadd.s32 v1, v4;
	_ =	sdelay $0x3  }
0x25: {  	s31 =	simm.s32 $0x100  }
0x26: {  	[tilespmem:s31], [sflag:$0x1] =	stream.indirect_vreg.gather [hbm4b:s3+s2], $0x80, v4, vm0, $0xb8;
	[tilespmem:$0x18100] =	vst v63  }
0x27: {  	s1 =	simm.s32 $0x900;
	v3 =	vperm.xlane v3, v2  }
0x28: {  	[tilespmem:s1], [sflag:$0x1] =	stream.indirect_vreg.gather [hbm4b:s6+s2], $0x80, v4, vm0, $0xb8;
	[tilespmem:$0x18100] =	vst v63  }
0x29: {  	v3 =	vadd.s32 v1, v3;
	s31 =	simm.s32 $0x1100  }
0x2a: {  	[tilespmem:s31], [sflag:$0x1] =	stream.indirect_vreg.gather [hbm4b:s7+s2], $0x80, v4, vm0, $0xb8;
	[tilespmem:$0x18100] =	vst v63  }
0x2b: {  	s1 =	simm.s32 $0x1900  }
0x2c: {  	[tilespmem:s1], [sflag:$0x1] =	stream.indirect_vreg.gather [hbm4b:s8+s2], $0x80, v4, vm0, $0xb8;
	[tilespmem:$0x18100] =	vst v63  }
0x2d: {  	s31 =	simm.s32 $0x2100  }
0x2e: {  	[tilespmem:s31], [sflag:$0x1] =	stream.indirect_vreg.gather [hbm4b:s3+s2], $0x80, v3, vm0, $0xb8;
	[tilespmem:$0x18100] =	vst v63  }
0x2f: {  	s1 =	simm.s32 $0x2900  }
0x30: {  	[tilespmem:s1], [sflag:$0x1] =	stream.indirect_vreg.gather [hbm4b:s6+s2], $0x80, v3, vm0, $0xb8;
	[tilespmem:$0x18100] =	vst v63  }
0x31: {  	s31 =	simm.s32 $0x3100  }
0x32: {  	[tilespmem:s31], [sflag:$0x1] =	stream.indirect_vreg.gather [hbm4b:s7+s2], $0x80, v3, vm0, $0xb8;
	[tilespmem:$0x18100] =	vst v63  }
0x33: {  	s1 =	simm.s32 $0x3900  }
0x34: {  	[tilespmem:s1], [sflag:$0x1] =	stream.indirect_vreg.gather [hbm4b:s8+s2], $0x80, v3, vm0, $0xb8;
	[tilespmem:$0x18100] =	vst v63  }
0x35: {  	v3 =	vld [tilespmem:$0x10];
	_ =	sdelay $0x4  }
0x36: {  	v4 =	vshll.u32 v3, $0x3  }
0x37: {  	v3 =	vand.u32 $0x7, v3;
	v4 =	vand.u32 $0xFFFFFFC0, v4  }
0x38: {  	v3 =	vor.u32 v3, v4  }
0x39: {  	v4 =	vperm.xlane v3, v0;
	_ =	sdelay $0x1  }
0x3a: {  	v4 =	vadd.s32 v1, v4;
	_ =	sdelay $0x3  }
0x3b: {  	s31 =	simm.s32 $0x4100  }
0x3c: {  	[tilespmem:s31], [sflag:$0x1] =	stream.indirect_vreg.gather [hbm4b:s3+s2], $0x80, v4, vm0, $0xb8;
	[tilespmem:$0x18100] =	vst v63  }
0x3d: {  	s1 =	simm.s32 $0x4900;
	v3 =	vperm.xlane v3, v2  }
0x3e: {  	[tilespmem:s1], [sflag:$0x1] =	stream.indirect_vreg.gather [hbm4b:s6+s2], $0x80, v4, vm0, $0xb8;
	[tilespmem:$0x18100] =	vst v63  }
0x3f: {  	v3 =	vadd.s32 v1, v3;
	s31 =	simm.s32 $0x5100  }
0x40: {  	[tilespmem:s31], [sflag:$0x1] =	stream.indirect_vreg.gather [hbm4b:s7+s2], $0x80, v4, vm0, $0xb8;
	[tilespmem:$0x18100] =	vst v63  }
0x41: {  	s1 =	simm.s32 $0x5900  }
0x42: {  	[tilespmem:s1], [sflag:$0x1] =	stream.indirect_vreg.gather [hbm4b:s8+s2], $0x80, v4, vm0, $0xb8;
	[tilespmem:$0x18100] =	vst v63  }
0x43: {  	s31 =	simm.s32 $0x6100  }
0x44: {  	[tilespmem:s31], [sflag:$0x1] =	stream.indirect_vreg.gather [hbm4b:s3+s2], $0x80, v3, vm0, $0xb8;
	[tilespmem:$0x18100] =	vst v63  }
0x45: {  	s1 =	simm.s32 $0x6900  }
0x46: {  	[tilespmem:s1], [sflag:$0x1] =	stream.indirect_vreg.gather [hbm4b:s6+s2], $0x80, v3, vm0, $0xb8;
	[tilespmem:$0x18100] =	vst v63  }
0x47: {  	s31 =	simm.s32 $0x7100  }
0x48: {  	[tilespmem:s31], [sflag:$0x1] =	stream.indirect_vreg.gather [hbm4b:s7+s2], $0x80, v3, vm0, $0xb8;
	[tilespmem:$0x18100] =	vst v63  }
0x49: {  	s1 =	simm.s32 $0x7900  }
0x4a: {  	[tilespmem:s1], [sflag:$0x1] =	stream.indirect_vreg.gather [hbm4b:s8+s2], $0x80, v3, vm0, $0xb8;
	[tilespmem:$0x18100] =	vst v63  }
0x4b: {  	v3 =	vld [tilespmem:$0x80];
	_ =	sdelay $0x4  }
0x4c: {  	v4 =	vshll.u32 v3, $0x3  }
0x4d: {  	v3 =	vand.u32 $0x7, v3;
	v4 =	vand.u32 $0xFFFFFFC0, v4  }
0x4e: {  	v3 =	vor.u32 v3, v4  }
0x4f: {  	v4 =	vperm.xlane v3, v0;
	_ =	sdelay $0x1  }
0x50: {  	v4 =	vadd.s32 v1, v4;
	_ =	sdelay $0x3  }
0x51: {  	s31 =	simm.s32 $0x8100  }
0x52: {  	[tilespmem:s31], [sflag:$0x2] =	stream.indirect_vreg.gather [hbm4b:s3+s2], $0x80, v4, vm0, $0xb8;
	[tilespmem:$0x18100] =	vst v63  }
0x53: {  	v3 =	vperm.xlane v3, v2  }
0x54: {  	[tilespmem:s4], [sflag:$0x2] =	stream.indirect_vreg.gather [hbm4b:s6+s2], $0x80, v4, vm0, $0xb8;
	[tilespmem:$0x18100] =	vst v63  }
0x55: {  	v3 =	vadd.s32 v1, v3  }
0x56: {  	[tilespmem:s5], [sflag:$0x2] =	stream.indirect_vreg.gather [hbm4b:s7+s2], $0x80, v4, vm0, $0xb8;
	[tilespmem:$0x18100] =	vst v63  }
0x57: {  	_ = 	snop  }
0x58: {  	[tilespmem:s9], [sflag:$0x2] =	stream.indirect_vreg.gather [hbm4b:s8+s2], $0x80, v4, vm0, $0xb8;
	[tilespmem:$0x18100] =	vst v63  }
0x59: {  	_ = 	snop  }
0x5a: {  	[tilespmem:s15], [sflag:$0x2] =	stream.indirect_vreg.gather [hbm4b:s3+s2], $0x80, v3, vm0, $0xb8;
	[tilespmem:$0x18100] =	vst v63  }
0x5b: {  	_ = 	snop  }
0x5c: {  	[tilespmem:s16], [sflag:$0x2] =	stream.indirect_vreg.gather [hbm4b:s6+s2], $0x80, v3, vm0, $0xb8;
	[tilespmem:$0x18100] =	vst v63  }
0x5d: {  	_ = 	snop  }
0x5e: {  	[tilespmem:s10], [sflag:$0x2] =	stream.indirect_vreg.gather [hbm4b:s7+s2], $0x80, v3, vm0, $0xb8;
	[tilespmem:$0x18100] =	vst v63  }
0x5f: {  	_ = 	snop  }
0x60: {  	[tilespmem:s17], [sflag:$0x2] =	stream.indirect_vreg.gather [hbm4b:s8+s2], $0x80, v3, vm0, $0xb8;
	[tilespmem:$0x18100] =	vst v63  }
0x61: {  	v3 =	vld [tilespmem:$0x90];
	_ =	sdelay $0x4  }
0x62: {  	v4 =	vshll.u32 v3, $0x3  }
0x63: {  	v3 =	vand.u32 $0x7, v3;
	v4 =	vand.u32 $0xFFFFFFC0, v4  }
0x64: {  	v3 =	vor.u32 v3, v4  }
0x65: {  	v4 =	vperm.xlane v3, v0;
	_ =	sdelay $0x1  }
0x66: {  	v4 =	vadd.s32 v1, v4;
	_ =	sdelay $0x4  }
0x67: {  	[tilespmem:s11], [sflag:$0x2] =	stream.indirect_vreg.gather [hbm4b:s3+s2], $0x80, v4, vm0, $0xb8;
	[tilespmem:$0x18100] =	vst v63  }
0x68: {  	v3 =	vperm.xlane v3, v2  }
0x69: {  	[tilespmem:s18], [sflag:$0x2] =	stream.indirect_vreg.gather [hbm4b:s6+s2], $0x80, v4, vm0, $0xb8;
	[tilespmem:$0x18100] =	vst v63  }
0x6a: {  	v3 =	vadd.s32 v1, v3  }
0x6b: {  	[tilespmem:s12], [sflag:$0x2] =	stream.indirect_vreg.gather [hbm4b:s7+s2], $0x80, v4, vm0, $0xb8;
	[tilespmem:$0x18100] =	vst v63  }
0x6c: {  	_ = 	snop  }
0x6d: {  	[tilespmem:s19], [sflag:$0x2] =	stream.indirect_vreg.gather [hbm4b:s8+s2], $0x80, v4, vm0, $0xb8;
	[tilespmem:$0x18100] =	vst v63  }
0x6e: {  	_ = 	snop  }
0x6f: {  	[tilespmem:s13], [sflag:$0x2] =	stream.indirect_vreg.gather [hbm4b:s3+s2], $0x80, v3, vm0, $0xb8;
	[tilespmem:$0x18100] =	vst v63  }
0x70: {  	_ = 	snop  }
0x71: {  	[tilespmem:s20], [sflag:$0x2] =	stream.indirect_vreg.gather [hbm4b:s6+s2], $0x80, v3, vm0, $0xb8;
	[tilespmem:$0x18100] =	vst v63  }
0x72: {  	_ = 	snop  }
0x73: {  	[tilespmem:s21], [sflag:$0x2] =	stream.indirect_vreg.gather [hbm4b:s7+s2], $0x80, v3, vm0, $0xb8;
	[tilespmem:$0x18100] =	vst v63  }
0x74: {  	_ = 	snop  }
0x75: {  	[tilespmem:s22], [sflag:$0x2] =	stream.indirect_vreg.gather [hbm4b:s8+s2], $0x80, v3, vm0, $0xb8;
	[tilespmem:$0x18100] =	vst v63  }
0x76: {  	_ =	swait.ge [sflag:s23], $0x8000  }
0x77: {  	[sflag:s23] =	ssyncset.done $0x0  }
0x78: {  	s28 =	simm.s32 $0x0;
	s29 =	sand.u32 $0x1C00, s2;
	[sflag:s23] =	ssyncadd.s32 $0xFFFF8000  }
0x79: {  	s30 =	simm.s32 $0x0;
	s28 =	sand.u32 $0x6000, s28;
	_ =	swait.ge [sflag:s24], $0x8000  }
0x7a: {  	s28 =	sor.u32 s29, s28;
	s29 =	sand.u32 $0x380, s30;
	[sflag:s24] =	ssyncset.done $0x0  }
0x7b: {  	s28 =	sor.u32 s29, s28;
	[sflag:s24] =	ssyncadd.s32 $0xFFFF8000  }
0x7c: {  	v3 =	vld [tilespmem:s28+$0x170]  }
0x7d: {  	v5 =	vld [tilespmem:s28+$0x8170]  }
0x7e: {  	v6 =	vld [tilespmem:s28+$0x100]  }
0x7f: {  	v8 =	vld [tilespmem:s28+$0x8100]  }
0x80: {  	v9 =	vld [tilespmem:s28+$0x110]  }
0x81: {  	v10 =	vld [tilespmem:s28+$0x8110]  }
0x82: {  	v4 =	vld [tilespmem:s28+$0x120]  }
0x83: {  	v7 =	vld [tilespmem:s28+$0x8120];
	v5 =	vadd.f32 v5, v3  }
0x84: {  	v8 =	vadd.f32 v8, v6;
	v3 =	vld [tilespmem:s28+$0x130]  }
0x85: {  	v6 =	vld [tilespmem:s28+$0x8130];
	[tilespmem:s28+$0x10170] =	vst v5  }
0x86: {  	s30 =	simm.s32 $0x0;
	s29 =	simm.s32 $0x0;
	[tilespmem:s28+$0x10100] =	vst v8;
	v8 =	vadd.f32 v10, v9;
	v5 =	vld [tilespmem:s28+$0x140]  }
.LBB2_2:
0x87: {  	s29 =	sadd.s32 $0x8, s29;
	v9 =	vld [tilespmem:s28+$0x8140]  }
0x88: {  	s30 =	sadd.s32 $0x400, s30;
	s31 =	sshll.u32 s29, $0x4;
	p0 =	slt.u32 s29, $0x7F8;
	[tilespmem:s28+$0x10110] =	vst v8;
	v4 =	vadd.f32 v7, v4;
	v7 =	vld [tilespmem:s28+$0x150]  }
0x89: {  	s0 =	sand.u32 $0x1C00, s30;
	s1 =	sshll.u32 s29, $0x1;
	s31 =	sand.u32 $0x6000, s31;
	v8 =	vld [tilespmem:s28+$0x8150]  }
0x8a: {  	s1 =	sand.u32 $0x380, s1;
	s0 =	sor.u32 s0, s31;
	[tilespmem:s28+$0x10120] =	vst v4;
	v3 =	vadd.f32 v6, v3;
	v4 =	vld [tilespmem:s28+$0x160]  }
0x8b: {  	s0 =	sor.u32 s1, s0;
	v6 =	vld [tilespmem:s28+$0x8160]  }
0x8c: {  	v10 =	vld [tilespmem:s0+$0x170];
	[tilespmem:s28+$0x10130] =	vst v3;
	v3 =	vadd.f32 v9, v5  }
0x8d: {  	v5 =	vld [tilespmem:s0+$0x8170]  }
0x8e: {  	v9 =	vld [tilespmem:s0+$0x100];
	[tilespmem:s28+$0x10140] =	vst v3;
	v3 =	vadd.f32 v8, v7  }
0x8f: {  	v8 =	vld [tilespmem:s0+$0x8100]  }
0x90: {  	v11 =	vld [tilespmem:s0+$0x110];
	[tilespmem:s28+$0x10150] =	vst v3;
	v3 =	vadd.f32 v6, v4  }
0x91: {  	v12 =	vld [tilespmem:s0+$0x8110]  }
.Ltmp0:
0x92: {  	v4 =	vld [tilespmem:s0+$0x120];
	v5 =	vadd.f32 v5, v10;
	[tilespmem:s28+$0x10160] =	vst v3;
	s28 =	smov.u32 s0;
	(pc) =	sbr.rel @p0 .LBB2_2-.Ltmp0, $4  }
0x93: {  	v7 =	vld [tilespmem:s28+$0x8120]  }
0x94: {  	v8 =	vadd.f32 v8, v9;
	v3 =	vld [tilespmem:s28+$0x130];
	[tilespmem:s28+$0x10170] =	vst v5  }
0x95: {  	v6 =	vld [tilespmem:s28+$0x8130]  }
0x96: {  	[tilespmem:s28+$0x10100] =	vst v8;
	v8 =	vadd.f32 v12, v11;
	v5 =	vld [tilespmem:s28+$0x140]  }
0x97: {  	v9 =	vld [tilespmem:s28+$0x8140]  }
0x98: {  	v10 =	vld [tilespmem:s28+$0x150]  }
0x99: {  	v11 =	vld [tilespmem:s28+$0x8150]  }
0x9a: {  	v12 =	vld [tilespmem:s28+$0x160]  }
0x9b: {  	v13 =	vld [tilespmem:s28+$0x8160]  }
0x9c: {  	v4 =	vadd.f32 v7, v4  }
0x9d: {  	[tilespmem:s28+$0x10110] =	vst v8;
	v3 =	vadd.f32 v6, v3  }
0x9e: {  	[tilespmem:s28+$0x10120] =	vst v4;
	v4 =	vadd.f32 v9, v5  }
0x9f: {  	[tilespmem:s28+$0x10130] =	vst v3;
	v3 =	vadd.f32 v11, v10  }
0xa0: {  	[tilespmem:s28+$0x10140] =	vst v4;
	v4 =	vadd.f32 v13, v12  }
0xa1: {  	[tilespmem:s28+$0x10150] =	vst v3  }
0xa2: {  	[tilespmem:s28+$0x10160] =	vst v4  }
0xa3: {  	s28 =	simm.s32 $0x0;
	s0 =	rddreg [dreg:$0x5]  }
0xa4: {  	[hbm4b:s0+s28] =	stream.linear.scatter [tilespmem:s25], [sflag:$0x3], $0x8000, $0x38;
	[tilespmem:$0x18100] =	vst v63  }
0xa5: {  	_ =	swait.ge [sflag:s14], $0x8000  }
0xa6: {  	[sflag:s14] =	ssyncset.done $0x0  }
0xa7: {  	s1 =	rddreg [dreg:$0x6];
	[sflag:s14] =	ssyncadd.s32 $0xFFFF8000  }
0xa8: {  	[tilespmem:s28], [sflag:$0x3] =	stream.linear.gather [hbm4b:s1+s28], $0x20, $0x38;
	[tilespmem:$0x18100] =	vst v63  }
0xa9: {  	_ =	swait.ge [sflag:s14], $0x20  }
0xaa: {  	[sflag:s14] =	ssyncset.done $0x0  }
0xab: {  	s1 =	simm.s32 $0x80;
	s31 =	rddreg [dreg:$0x7];
	[sflag:s14] =	ssyncadd.s32 $0xFFFFFFE0  }
0xac: {  	[tilespmem:s1], [sflag:$0x3] =	stream.linear.gather [hbm4b:s31+s28], $0x20, $0x38;
	[tilespmem:$0x18100] =	vst v63  }
0xad: {  	_ =	swait.ge [sflag:s14], $0x20  }
0xae: {  	[sflag:s14] =	ssyncset.done $0x0  }
0xaf: {  	[sflag:s14] =	ssyncadd.s32 $0xFFFFFFE0  }
0xb0: {  	v3 =	vld [tilespmem:$0x0];
	_ =	sdelay $0x4  }
0xb1: {  	v4 =	vshll.u32 v3, $0x3  }
0xb2: {  	v3 =	vand.u32 $0x7, v3;
	v4 =	vand.u32 $0xFFFFFFC0, v4  }
0xb3: {  	v3 =	vor.u32 v3, v4  }
0xb4: {  	v4 =	vperm.xlane v3, v0;
	_ =	sdelay $0x1  }
0xb5: {  	v4 =	vadd.s32 v1, v4;
	_ =	sdelay $0x3  }
0xb6: {  	s31 =	simm.s32 $0x100  }
0xb7: {  	[tilespmem:s31], [sflag:$0x1] =	stream.indirect_vreg.gather [hbm4b:s3+s28], $0x80, v4, vm0, $0xb8;
	[tilespmem:$0x18100] =	vst v63  }
0xb8: {  	s1 =	simm.s32 $0x900;
	v3 =	vperm.xlane v3, v2  }
0xb9: {  	[tilespmem:s1], [sflag:$0x1] =	stream.indirect_vreg.gather [hbm4b:s6+s28], $0x80, v4, vm0, $0xb8;
	[tilespmem:$0x18100] =	vst v63  }
0xba: {  	v3 =	vadd.s32 v1, v3;
	s31 =	simm.s32 $0x1100  }
0xbb: {  	[tilespmem:s31], [sflag:$0x1] =	stream.indirect_vreg.gather [hbm4b:s7+s28], $0x80, v4, vm0, $0xb8;
	[tilespmem:$0x18100] =	vst v63  }
0xbc: {  	s1 =	simm.s32 $0x1900  }
0xbd: {  	[tilespmem:s1], [sflag:$0x1] =	stream.indirect_vreg.gather [hbm4b:s8+s28], $0x80, v4, vm0, $0xb8;
	[tilespmem:$0x18100] =	vst v63  }
0xbe: {  	s31 =	simm.s32 $0x2100  }
0xbf: {  	[tilespmem:s31], [sflag:$0x1] =	stream.indirect_vreg.gather [hbm4b:s3+s28], $0x80, v3, vm0, $0xb8;
	[tilespmem:$0x18100] =	vst v63  }
0xc0: {  	s1 =	simm.s32 $0x2900  }
0xc1: {  	[tilespmem:s1], [sflag:$0x1] =	stream.indirect_vreg.gather [hbm4b:s6+s28], $0x80, v3, vm0, $0xb8;
	[tilespmem:$0x18100] =	vst v63  }
0xc2: {  	s31 =	simm.s32 $0x3100  }
0xc3: {  	[tilespmem:s31], [sflag:$0x1] =	stream.indirect_vreg.gather [hbm4b:s7+s28], $0x80, v3, vm0, $0xb8;
	[tilespmem:$0x18100] =	vst v63  }
0xc4: {  	s1 =	simm.s32 $0x3900  }
0xc5: {  	[tilespmem:s1], [sflag:$0x1] =	stream.indirect_vreg.gather [hbm4b:s8+s28], $0x80, v3, vm0, $0xb8;
	[tilespmem:$0x18100] =	vst v63  }
0xc6: {  	v3 =	vld [tilespmem:$0x10];
	_ =	sdelay $0x4  }
0xc7: {  	v4 =	vshll.u32 v3, $0x3  }
0xc8: {  	v3 =	vand.u32 $0x7, v3;
	v4 =	vand.u32 $0xFFFFFFC0, v4  }
0xc9: {  	v3 =	vor.u32 v3, v4  }
0xca: {  	v4 =	vperm.xlane v3, v0;
	_ =	sdelay $0x1  }
0xcb: {  	v4 =	vadd.s32 v1, v4;
	_ =	sdelay $0x3  }
0xcc: {  	s31 =	simm.s32 $0x4100  }
0xcd: {  	[tilespmem:s31], [sflag:$0x1] =	stream.indirect_vreg.gather [hbm4b:s3+s28], $0x80, v4, vm0, $0xb8;
	[tilespmem:$0x18100] =	vst v63  }
0xce: {  	s1 =	simm.s32 $0x4900;
	v3 =	vperm.xlane v3, v2  }
0xcf: {  	[tilespmem:s1], [sflag:$0x1] =	stream.indirect_vreg.gather [hbm4b:s6+s28], $0x80, v4, vm0, $0xb8;
	[tilespmem:$0x18100] =	vst v63  }
0xd0: {  	v3 =	vadd.s32 v1, v3;
	s31 =	simm.s32 $0x5100  }
0xd1: {  	[tilespmem:s31], [sflag:$0x1] =	stream.indirect_vreg.gather [hbm4b:s7+s28], $0x80, v4, vm0, $0xb8;
	[tilespmem:$0x18100] =	vst v63  }
0xd2: {  	s1 =	simm.s32 $0x5900  }
0xd3: {  	[tilespmem:s1], [sflag:$0x1] =	stream.indirect_vreg.gather [hbm4b:s8+s28], $0x80, v4, vm0, $0xb8;
	[tilespmem:$0x18100] =	vst v63  }
0xd4: {  	s31 =	simm.s32 $0x6100  }
0xd5: {  	[tilespmem:s31], [sflag:$0x1] =	stream.indirect_vreg.gather [hbm4b:s3+s28], $0x80, v3, vm0, $0xb8;
	[tilespmem:$0x18100] =	vst v63  }
0xd6: {  	s1 =	simm.s32 $0x6900  }
0xd7: {  	[tilespmem:s1], [sflag:$0x1] =	stream.indirect_vreg.gather [hbm4b:s6+s28], $0x80, v3, vm0, $0xb8;
	[tilespmem:$0x18100] =	vst v63  }
0xd8: {  	s31 =	simm.s32 $0x7100  }
0xd9: {  	[tilespmem:s31], [sflag:$0x1] =	stream.indirect_vreg.gather [hbm4b:s7+s28], $0x80, v3, vm0, $0xb8;
	[tilespmem:$0x18100] =	vst v63  }
0xda: {  	s1 =	simm.s32 $0x7900  }
0xdb: {  	[tilespmem:s1], [sflag:$0x1] =	stream.indirect_vreg.gather [hbm4b:s8+s28], $0x80, v3, vm0, $0xb8;
	[tilespmem:$0x18100] =	vst v63  }
0xdc: {  	v3 =	vld [tilespmem:$0x80];
	_ =	sdelay $0x4  }
0xdd: {  	v4 =	vshll.u32 v3, $0x3  }
0xde: {  	v3 =	vand.u32 $0x7, v3;
	v4 =	vand.u32 $0xFFFFFFC0, v4  }
0xdf: {  	v3 =	vor.u32 v3, v4  }
0xe0: {  	v4 =	vperm.xlane v3, v0;
	_ =	sdelay $0x1  }
0xe1: {  	v4 =	vadd.s32 v1, v4;
	_ =	sdelay $0x3  }
0xe2: {  	s31 =	simm.s32 $0x8100  }
0xe3: {  	[tilespmem:s31], [sflag:$0x2] =	stream.indirect_vreg.gather [hbm4b:s3+s28], $0x80, v4, vm0, $0xb8;
	[tilespmem:$0x18100] =	vst v63  }
0xe4: {  	v3 =	vperm.xlane v3, v2  }
0xe5: {  	[tilespmem:s4], [sflag:$0x2] =	stream.indirect_vreg.gather [hbm4b:s6+s28], $0x80, v4, vm0, $0xb8;
	[tilespmem:$0x18100] =	vst v63  }
0xe6: {  	v3 =	vadd.s32 v1, v3  }
0xe7: {  	[tilespmem:s5], [sflag:$0x2] =	stream.indirect_vreg.gather [hbm4b:s7+s28], $0x80, v4, vm0, $0xb8;
	[tilespmem:$0x18100] =	vst v63  }
0xe8: {  	_ = 	snop  }
0xe9: {  	[tilespmem:s9], [sflag:$0x2] =	stream.indirect_vreg.gather [hbm4b:s8+s28], $0x80, v4, vm0, $0xb8;
	[tilespmem:$0x18100] =	vst v63  }
0xea: {  	_ = 	snop  }
0xeb: {  	[tilespmem:s15], [sflag:$0x2] =	stream.indirect_vreg.gather [hbm4b:s3+s28], $0x80, v3, vm0, $0xb8;
	[tilespmem:$0x18100] =	vst v63  }
0xec: {  	_ = 	snop  }
0xed: {  	[tilespmem:s16], [sflag:$0x2] =	stream.indirect_vreg.gather [hbm4b:s6+s28], $0x80, v3, vm0, $0xb8;
	[tilespmem:$0x18100] =	vst v63  }
0xee: {  	_ = 	snop  }
0xef: {  	[tilespmem:s10], [sflag:$0x2] =	stream.indirect_vreg.gather [hbm4b:s7+s28], $0x80, v3, vm0, $0xb8;
	[tilespmem:$0x18100] =	vst v63  }
0xf0: {  	_ = 	snop  }
0xf1: {  	[tilespmem:s17], [sflag:$0x2] =	stream.indirect_vreg.gather [hbm4b:s8+s28], $0x80, v3, vm0, $0xb8;
	[tilespmem:$0x18100] =	vst v63  }
0xf2: {  	v3 =	vld [tilespmem:$0x90];
	_ =	sdelay $0x4  }
0xf3: {  	v4 =	vshll.u32 v3, $0x3  }
0xf4: {  	v3 =	vand.u32 $0x7, v3;
	v4 =	vand.u32 $0xFFFFFFC0, v4  }
0xf5: {  	v3 =	vor.u32 v3, v4  }
0xf6: {  	v4 =	vperm.xlane v3, v0;
	_ =	sdelay $0x1  }
0xf7: {  	v4 =	vadd.s32 v1, v4;
	_ =	sdelay $0x4  }
0xf8: {  	[tilespmem:s11], [sflag:$0x2] =	stream.indirect_vreg.gather [hbm4b:s3+s28], $0x80, v4, vm0, $0xb8;
	[tilespmem:$0x18100] =	vst v63  }
0xf9: {  	v3 =	vperm.xlane v3, v2  }
0xfa: {  	[tilespmem:s18], [sflag:$0x2] =	stream.indirect_vreg.gather [hbm4b:s6+s28], $0x80, v4, vm0, $0xb8;
	[tilespmem:$0x18100] =	vst v63  }
0xfb: {  	v3 =	vadd.s32 v1, v3  }
0xfc: {  	[tilespmem:s12], [sflag:$0x2] =	stream.indirect_vreg.gather [hbm4b:s7+s28], $0x80, v4, vm0, $0xb8;
	[tilespmem:$0x18100] =	vst v63  }
0xfd: {  	_ = 	snop  }
0xfe: {  	[tilespmem:s19], [sflag:$0x2] =	stream.indirect_vreg.gather [hbm4b:s8+s28], $0x80, v4, vm0, $0xb8;
	[tilespmem:$0x18100] =	vst v63  }
0xff: {  	_ = 	snop  }
0x100: {  	[tilespmem:s13], [sflag:$0x2] =	stream.indirect_vreg.gather [hbm4b:s3+s28], $0x80, v3, vm0, $0xb8;
	[tilespmem:$0x18100] =	vst v63  }
0x101: {  	_ = 	snop  }
0x102: {  	[tilespmem:s20], [sflag:$0x2] =	stream.indirect_vreg.gather [hbm4b:s6+s28], $0x80, v3, vm0, $0xb8;
	[tilespmem:$0x18100] =	vst v63  }
0x103: {  	_ = 	snop  }
0x104: {  	[tilespmem:s21], [sflag:$0x2] =	stream.indirect_vreg.gather [hbm4b:s7+s28], $0x80, v3, vm0, $0xb8;
	[tilespmem:$0x18100] =	vst v63  }
0x105: {  	_ = 	snop  }
0x106: {  	[tilespmem:s22], [sflag:$0x2] =	stream.indirect_vreg.gather [hbm4b:s8+s28], $0x80, v3, vm0, $0xb8;
	[tilespmem:$0x18100] =	vst v63  }
0x107: {  	_ =	swait.ge [sflag:s23], $0x8000  }
0x108: {  	[sflag:s23] =	ssyncset.done $0x0  }
0x109: {  	s29 =	simm.s32 $0x0;
	s1 =	simm.s32 $0x0;
	[sflag:s23] =	ssyncadd.s32 $0xFFFF8000  }
0x10a: {  	s0 =	sand.u32 $0x6000, s1;
	s31 =	sand.u32 $0x1C00, s28;
	_ =	swait.ge [sflag:s24], $0x8000  }
0x10b: {  	s0 =	sor.u32 s31, s0;
	s31 =	sand.u32 $0x380, s29;
	[sflag:s24] =	ssyncset.done $0x0  }
0x10c: {  	s29 =	sor.u32 s31, s0;
	[sflag:s24] =	ssyncadd.s32 $0xFFFF8000  }
0x10d: {  	v3 =	vld [tilespmem:s29+$0x170]  }
0x10e: {  	v5 =	vld [tilespmem:s29+$0x8170]  }
0x10f: {  	v6 =	vld [tilespmem:s29+$0x100]  }
0x110: {  	v8 =	vld [tilespmem:s29+$0x8100]  }
0x111: {  	v9 =	vld [tilespmem:s29+$0x110]  }
0x112: {  	v10 =	vld [tilespmem:s29+$0x8110]  }
0x113: {  	v4 =	vld [tilespmem:s29+$0x120]  }
0x114: {  	v7 =	vld [tilespmem:s29+$0x8120];
	v5 =	vadd.f32 v5, v3  }
0x115: {  	v8 =	vadd.f32 v8, v6;
	v3 =	vld [tilespmem:s29+$0x130]  }
0x116: {  	v6 =	vld [tilespmem:s29+$0x8130];
	[tilespmem:s29+$0x10170] =	vst v5  }
0x117: {  	s30 =	simm.s32 $0x0;
	[tilespmem:s29+$0x10100] =	vst v8;
	v8 =	vadd.f32 v10, v9;
	v5 =	vld [tilespmem:s29+$0x140]  }
.LBB2_4:
0x118: {  	s30 =	sadd.s32 $0x8, s30;
	v9 =	vld [tilespmem:s29+$0x8140]  }
0x119: {  	s28 =	sadd.s32 $0x400, s28;
	s0 =	sshll.u32 s30, $0x4;
	p0 =	slt.u32 s30, $0x7F8;
	[tilespmem:s29+$0x10110] =	vst v8;
	v4 =	vadd.f32 v7, v4;
	v7 =	vld [tilespmem:s29+$0x150]  }
0x11a: {  	s1 =	sand.u32 $0x1C00, s28;
	s31 =	sshll.u32 s30, $0x1;
	s0 =	sand.u32 $0x6000, s0;
	v8 =	vld [tilespmem:s29+$0x8150]  }
0x11b: {  	s0 =	sor.u32 s1, s0;
	s1 =	sand.u32 $0x380, s31;
	[tilespmem:s29+$0x10120] =	vst v4;
	v3 =	vadd.f32 v6, v3;
	v4 =	vld [tilespmem:s29+$0x160]  }
0x11c: {  	s0 =	sor.u32 s1, s0;
	v6 =	vld [tilespmem:s29+$0x8160]  }
0x11d: {  	v10 =	vld [tilespmem:s0+$0x170];
	[tilespmem:s29+$0x10130] =	vst v3;
	v3 =	vadd.f32 v9, v5  }
0x11e: {  	v5 =	vld [tilespmem:s0+$0x8170]  }
0x11f: {  	v9 =	vld [tilespmem:s0+$0x100];
	[tilespmem:s29+$0x10140] =	vst v3;
	v3 =	vadd.f32 v8, v7  }
0x120: {  	v8 =	vld [tilespmem:s0+$0x8100]  }
0x121: {  	v11 =	vld [tilespmem:s0+$0x110];
	[tilespmem:s29+$0x10150] =	vst v3;
	v3 =	vadd.f32 v6, v4  }
0x122: {  	v12 =	vld [tilespmem:s0+$0x8110]  }
.Ltmp1:
0x123: {  	v4 =	vld [tilespmem:s0+$0x120];
	v5 =	vadd.f32 v5, v10;
	[tilespmem:s29+$0x10160] =	vst v3;
	s29 =	smov.u32 s0;
	(pc) =	sbr.rel @p0 .LBB2_4-.Ltmp1, $4  }
0x124: {  	v7 =	vld [tilespmem:s29+$0x8120]  }
0x125: {  	v8 =	vadd.f32 v8, v9;
	v3 =	vld [tilespmem:s29+$0x130];
	[tilespmem:s29+$0x10170] =	vst v5  }
0x126: {  	v6 =	vld [tilespmem:s29+$0x8130]  }
0x127: {  	[tilespmem:s29+$0x10100] =	vst v8;
	v8 =	vadd.f32 v12, v11;
	v5 =	vld [tilespmem:s29+$0x140]  }
0x128: {  	v9 =	vld [tilespmem:s29+$0x8140]  }
0x129: {  	v10 =	vld [tilespmem:s29+$0x150]  }
0x12a: {  	v11 =	vld [tilespmem:s29+$0x8150]  }
0x12b: {  	v12 =	vld [tilespmem:s29+$0x160]  }
0x12c: {  	v13 =	vld [tilespmem:s29+$0x8160]  }
0x12d: {  	v4 =	vadd.f32 v7, v4  }
0x12e: {  	[tilespmem:s29+$0x10110] =	vst v8;
	v3 =	vadd.f32 v6, v3  }
0x12f: {  	[tilespmem:s29+$0x10120] =	vst v4;
	v62 =	vadd.f32 v9, v5  }
0x130: {  	[tilespmem:s29+$0x10130] =	vst v3;
	v3 =	vadd.f32 v11, v10  }
0x131: {  	v63 =	vadd.f32 v13, v12;
	[tilespmem:s29+$0x10140] =	vst v62  }
0x132: {  	[tilespmem:s29+$0x10150] =	vst v3  }
0x133: {  	[tilespmem:s29+$0x10160] =	vst v63  }
0x134: {  	s0 =	rddreg [dreg:$0x8]  }
0x135: {  	[hbm4b:s0+s2] =	stream.linear.scatter [tilespmem:s25], [sflag:$0x3], $0x8000, $0x38;
	[tilespmem:$0x18100] =	vst v63  }
0x136: {  	_ =	swait.ge [sflag:s14], $0x8000  }
0x137: {  	s26 =	sadd.s32 $0x1, s26;
	s31 =	rddreg [dreg:$0x9]  }
0x138: {  	p0 =	sne.s32 s26, s31  }
.Ltmp2:
0x139: {  	_ = 	snop;
	(pc) =	sbr.rel @p0 .LBB2_1-.Ltmp2, $3  }
0x13a: {  	_ =	sdelay $0x1  }
0x13b: {  	[sflag:s14] =	ssyncset.done $0x0  }
0x13c: {  	[sflag:s14] =	ssyncadd.s32 $0xFFFF8000  }
0x13d: {  	_ =	sfence.sel $0x180000  }
0x13e: {  	[bflag:$0x0] =	sbarrier.arrive $0xFFFF  }
0x13f: {  	_ =	strace $0x9000004A  }
0x140: {  	s0 =	stileid.u32;
	[bflag:$0x2] =	sbarrier.arrive $0xFFFF  }
0x141: {  	p0 =	sne.s32 s0, $0x0;
	s0 =	rddreg [dreg:$0x2]  }
0x142: {  	s0 =	sadd.s32 @!p0 $0x100000, s0  }
0x143: {  	[sflag:s0] =	ssyncadd.tile.s32 @!p0 $0x1;
	_ =	shalt  }
.Lfunc_end2:
_tile_overlayer_lowered:
.L_overlay_start_2:
0x144: {  	(tag) =	ssettag $0x2  }
0x145: {  	s0 =	rddreg [dreg:$0x0];
	s2 =	stileid.u32  }
0x146: {  	s1 =	rddreg [dreg:$0x1];
	p0 =	sne.s32 s2, $0x0  }
0x147: {  	s3 =	rddreg [dreg:$0x2];
	[bflag:$0x3] =	sbarrier.arrive $0xFFFF;
	s2 =	simm.s32 @!p0 $0x1C03  }
0x148: {  	[timem:s3], [sflag:s2] =	dma.local @!p0 [hbm:s0], s1  }
0x149: {  	s0 =	simm.s32 @!p0 $0x3  }
0x14a: {  	_ =	swait.ge @!p0 [sflag:s0], s1  }
0x14b: {  	s1 =	ssub.s32 @!p0 $0x0, s1;
	[sflag:s0] =	ssyncset.done @!p0 $0x0  }
0x14c: {  	[sflag:s0] =	ssyncadd.s32 @!p0 s1  }
0x14d: {  	[bflag:$0x3] =	sbarrier.arrive $0xFFFF  }
0x14e: {  	_ =	shalt  }

</sc_bundles>
